<compile_context>
chip_gen: v7x
topology: tpu7x:2x2x1
jax: 0.10.2.dev20260603
libtpu: 0.0.44.dev20260713+nightly
codegen_flags: <defaults>
</compile_context>

<pallas_src>
import dataclasses

import jax
import jax.numpy as jnp
from jax import lax
from jax.experimental import pallas as pl
from jax.experimental.pallas import tpu as pltpu
from jax.experimental.pallas import tpu_sc as plsc

N = 10000
D = 128
H = 10240
NC = 2
NS = 16
NW = NC * NS
CHUNK = 128
RB = 640
TC_BLOCKS = H // RB

_vector_mesh = plsc.VectorSubcoreMesh(
    core_axis_name="core", subcore_axis_name="subcore"
)

_SC_PARAMS = pltpu.CompilerParams()
if "needs_layout_passes" in pltpu.CompilerParams.__dataclass_fields__:
    _SC_PARAMS = dataclasses.replace(_SC_PARAMS, needs_layout_passes=False)


def _hist_body(src_hbm, dst_hbm, zvec_hbm, out_hbm,
               isrc_v, idst_v, tab_s, tab_d):
    c = lax.axis_index("core")
    s = lax.axis_index("subcore")
    w = c * NS + s
    cpw = src_hbm.shape[0] // NW

    pltpu.sync_copy(zvec_hbm, tab_s)
    pltpu.sync_copy(zvec_hbm, tab_d)
    pltpu.sync_copy(src_hbm.at[pl.ds(w * cpw, cpw)], isrc_v)
    pltpu.sync_copy(dst_hbm.at[pl.ds(w * cpw, cpw)], idst_v)
    ones16 = jnp.full((16,), 1.0, jnp.float32)

    @pl.loop(0, cpw)
    def _(j):
        for k in range(CHUNK // 16):
            iv = isrc_v[j, pl.ds(k * 16, 16)]
            plsc.addupdate_scatter(tab_s, [iv], ones16)
            jv = idst_v[j, pl.ds(k * 16, 16)]
            plsc.addupdate_scatter(tab_d, [jv], ones16)

    pltpu.sync_copy(tab_s, out_hbm.at[c, s, 0])
    pltpu.sync_copy(tab_d, out_hbm.at[c, s, 1])


BLK = 8


def _agg_body(h_hbm, src_hbm, dst_hbm, zero_hbm, out_hbm,
              isa, ida, isb, idb, vals0, vals1, acc_s,
              sem0, sem1, sia, sib):
    c = lax.axis_index("core")
    s = lax.axis_index("subcore")
    w = c * NS + s
    cpw = src_hbm.shape[0] // NW
    nblk = cpw // BLK
    rows = H // NS
    base = w * cpw

    pltpu.sync_copy(zero_hbm, acc_s.at[pl.ds(s * rows, rows)])
    plsc.subcore_barrier()

    def load_idx(blk, is_ref, id_ref, sem):
        off = base + blk * BLK
        pltpu.async_copy(src_hbm.at[pl.ds(off, BLK)], is_ref, sem)
        pltpu.async_copy(dst_hbm.at[pl.ds(off, BLK)], id_ref, sem)

    def wait_idx(blk, is_ref, id_ref, sem):
        off = base + blk * BLK
        pltpu.make_async_copy(src_hbm.at[pl.ds(off, BLK)], is_ref, sem).wait()
        pltpu.make_async_copy(dst_hbm.at[pl.ds(off, BLK)], id_ref, sem).wait()

    def run_block(ib, jb):
        pltpu.async_copy(h_hbm.at[ib.at[0]], vals0, sem0)
        pltpu.async_copy(h_hbm.at[ib.at[1]], vals1, sem1)
        for k in range(0, BLK, 2):
            pltpu.make_async_copy(h_hbm.at[ib.at[k]], vals0, sem0).wait()
            pltpu.sync_copy(vals0, acc_s.at[jb.at[k]], add=True)
            if k + 2 < BLK:
                pltpu.async_copy(h_hbm.at[ib.at[k + 2]], vals0, sem0)
            pltpu.make_async_copy(h_hbm.at[ib.at[k + 1]], vals1, sem1).wait()
            pltpu.sync_copy(vals1, acc_s.at[jb.at[k + 1]], add=True)
            if k + 3 < BLK:
                pltpu.async_copy(h_hbm.at[ib.at[k + 3]], vals1, sem1)

    load_idx(0, isa, ida, sia)

    @pl.loop(0, nblk // 2)
    def _(i):
        blk = 2 * i
        wait_idx(blk, isa, ida, sia)
        load_idx(blk + 1, isb, idb, sib)
        run_block(isa, ida)
        wait_idx(blk + 1, isb, idb, sib)

        @pl.when(blk + 2 < nblk)
        def _():
            load_idx(blk + 2, isa, ida, sia)

        run_block(isb, idb)

    plsc.subcore_barrier()
    pltpu.sync_copy(acc_s.at[pl.ds(s * rows, rows)],
                    out_hbm.at[c, pl.ds(s * rows, rows)])


def _sc_hist(src2d, dst2d, zvec):
    cpw = src2d.shape[0] // NW
    k = pl.kernel(
        _hist_body,
        out_type=jax.ShapeDtypeStruct((NC, NS, 2, H), jnp.float32),
        mesh=_vector_mesh,
        scratch_types=[
            pltpu.VMEM((cpw, CHUNK), jnp.int32),
            pltpu.VMEM((cpw, CHUNK), jnp.int32),
            pltpu.VMEM((H,), jnp.float32),
            pltpu.VMEM((H,), jnp.float32),
        ],
        compiler_params=_SC_PARAMS,
    )
    return k(src2d, dst2d, zvec)


def _sc_agg(h_aug, src2d, dst2d, zrows):
    cpw = src2d.shape[0] // NW
    k = pl.kernel(
        _agg_body,
        out_type=jax.ShapeDtypeStruct((NC, H, D), jnp.float32),
        mesh=_vector_mesh,
        scratch_types=[
            pltpu.VMEM((BLK, CHUNK), jnp.int32),
            pltpu.VMEM((BLK, CHUNK), jnp.int32),
            pltpu.VMEM((BLK, CHUNK), jnp.int32),
            pltpu.VMEM((BLK, CHUNK), jnp.int32),
            pltpu.VMEM((CHUNK, D), jnp.float32),
            pltpu.VMEM((CHUNK, D), jnp.float32),
            pltpu.VMEM_SHARED((H, D), jnp.float32),
            pltpu.SemaphoreType.DMA,
            pltpu.SemaphoreType.DMA,
            pltpu.SemaphoreType.DMA,
            pltpu.SemaphoreType.DMA,
        ],
    )
    return k(h_aug, src2d, dst2d, zrows)



def _scale_body(x_ref, n_ref, o_ref):
    o_ref[...] = x_ref[...] * n_ref[...]


def _layer_mid_body(p0_ref, p1_ref, nd_ref, ns_ref, w_ref, b_ref, o_ref):
    a = (p0_ref[...] + p1_ref[...]) * nd_ref[...]
    h = jnp.dot(a, w_ref[...], preferred_element_type=jnp.float32)
    h = h + b_ref[...]
    o_ref[...] = jnp.maximum(h, 0.0) * ns_ref[...]


def _layer_out_body(p0_ref, p1_ref, nd_ref, w_ref, b_ref, o_ref):
    a = (p0_ref[...] + p1_ref[...]) * nd_ref[...]
    h = jnp.dot(a, w_ref[...], preferred_element_type=jnp.float32)
    o_ref[...] = h + b_ref[...]


_ROW_SPEC = pl.BlockSpec((RB, D), lambda i: (i, 0))
_W_SPEC = pl.BlockSpec((D, D), lambda i: (0, 0))
_B_SPEC = pl.BlockSpec((1, D), lambda i: (0, 0))


def _tc_scale(x_pad, n_b):
    return pl.pallas_call(
        _scale_body,
        grid=(TC_BLOCKS,),
        in_specs=[_ROW_SPEC, _ROW_SPEC],
        out_specs=_ROW_SPEC,
        out_shape=jax.ShapeDtypeStruct((H, D), jnp.float32),
    )(x_pad, n_b)


def _tc_layer_mid(p0, p1, nd_b, ns_b, W, b):
    return pl.pallas_call(
        _layer_mid_body,
        grid=(TC_BLOCKS,),
        in_specs=[_ROW_SPEC, _ROW_SPEC, _ROW_SPEC, _ROW_SPEC, _W_SPEC, _B_SPEC],
        out_specs=_ROW_SPEC,
        out_shape=jax.ShapeDtypeStruct((H, D), jnp.float32),
    )(p0, p1, nd_b, ns_b, W, b.reshape(1, D))


def _tc_layer_out(p0, p1, nd_b, W, b):
    return pl.pallas_call(
        _layer_out_body,
        grid=(TC_BLOCKS,),
        in_specs=[_ROW_SPEC, _ROW_SPEC, _ROW_SPEC, _W_SPEC, _B_SPEC],
        out_specs=_ROW_SPEC,
        out_shape=jax.ShapeDtypeStruct((H, D), jnp.float32),
    )(p0, p1, nd_b, W, b.reshape(1, D))


def kernel(x, edge_index, W1, b1, W2, b2):
    E = edge_index.shape[1]
    cpw = -(-E // (NW * CHUNK))
    cpw = -(-cpw // (2 * BLK)) * (2 * BLK)
    e_pad = NW * cpw * CHUNK
    pad = e_pad - E

    src = edge_index[0]
    dst = edge_index[1]
    pad_ids = jnp.arange(pad, dtype=jnp.int32)
    src_p = jnp.concatenate([src, N + pad_ids % (H - N)])
    dst_p = jnp.concatenate([dst, N + pad_ids % (H - N)])
    src2d = src_p.reshape(-1, CHUNK)
    dst2d = dst_p.reshape(-1, CHUNK)

    zvec = jnp.zeros((H,), jnp.float32)
    zrows = jnp.zeros((H // NS, D), jnp.float32)

    tabs = _sc_hist(src2d, dst2d, zvec)
    deg_out = tabs[:, :, 0, :].sum(axis=(0, 1))
    deg_in = tabs[:, :, 1, :].sum(axis=(0, 1))
    row_valid = jnp.arange(H) < N
    ns = jnp.where(row_valid, lax.rsqrt(jnp.maximum(deg_out, 1.0)), 0.0)
    nd = jnp.where(row_valid, lax.rsqrt(jnp.maximum(deg_in, 1.0)), 0.0)
    ns_b = jnp.broadcast_to(ns[:, None], (H, D))
    nd_b = jnp.broadcast_to(nd[:, None], (H, D))

    x_pad = jnp.zeros((H, D), jnp.float32).at[:N].set(x)
    xs_aug = _tc_scale(x_pad, ns_b)
    p1 = _sc_agg(xs_aug, src2d, dst2d, zrows)
    h1s = _tc_layer_mid(p1[0], p1[1], nd_b, ns_b, W1, b1)
    p2 = _sc_agg(h1s, src2d, dst2d, zrows)
    out = _tc_layer_out(p2[0], p2[1], nd_b, W2, b2)
    return out[:N]

# --- scband reference (transcript-rebuilt; emitter-appended) ---
"""Pipeline reference for scband-improved-gnn-71244917506158 (READ-ONLY COPY).

The authoritative reference and input builder live on the scoring server;
editing this copy changes nothing except your own understanding.
"""

import jax, jax.numpy as jnp
import numpy as np

N = 10000
E = 320000
D_IN = 128
D_HID = 128
D_OUT = 128


def setup_inputs(seed: int = 0) -> dict:
    key = jax.random.key(seed)
    k1, k2, k3, k4, k5 = jax.random.split(key, 5)
    x = jax.random.normal(k1, (N, D_IN), dtype=jnp.float32)
    edge_index = jax.random.randint(k2, (2, E), 0, N, dtype=jnp.int32)
    W1 = jax.random.normal(k3, (D_IN, D_HID), dtype=jnp.float32) * 0.05
    b1 = jnp.zeros((D_HID,), dtype=jnp.float32)
    W2 = jax.random.normal(k4, (D_HID, D_OUT), dtype=jnp.float32) * 0.05
    b2 = jnp.zeros((D_OUT,), dtype=jnp.float32)
    return {"x": x, "edge_index": edge_index, "W1": W1, "b1": b1, "W2": W2, "b2": b2}


def reference(x, edge_index, W1, b1, W2, b2):
    # DGL GraphConv with norm='both' (default):
    #   h = D_in^{-1/2} * A * (D_out^{-1/2} * h) @ W + b
    src = edge_index[0]
    dst = edge_index[1]
    deg_out = jnp.clip(jnp.bincount(src, length=N).astype(jnp.float32), 1.0, None)
    deg_in = jnp.clip(jnp.bincount(dst, length=N).astype(jnp.float32), 1.0, None)
    norm_src = deg_out ** -0.5
    norm_dst = deg_in ** -0.5

    def graph_conv(h, W, b):
        h = h * norm_src[:, None]
        msg = jnp.take(h, src, axis=0)
        agg = jax.ops.segment_sum(msg, dst, num_segments=N)
        agg = agg * norm_dst[:, None]
        return agg @ W + b

    h = jax.nn.relu(graph_conv(x, W1, b1))
    # dropout(p=0.1) is identity in eval mode
    out = graph_conv(h, W2, b2)
    return out

if __name__ == "__main__":
    import jax
    _d = setup_inputs()
    print(jax.jit(kernel)(*tuple(_d.values())))

</pallas_src>

<mosaic_0001>
#map = affine_map<(d0, d1) -> (0, 0)>
#map1 = affine_map<(d0, d1) -> (0)>
#map2 = affine_map<(d0, d1) -> (0, 0, 0, 0)>
module attributes {stable_mosaic.version = 14 : i64} {
  func.func @_hist_body(%arg0: i32, %arg1: i32, %arg2: memref<2560x128xi32, #tpu.memory_space<hbm>>, %arg3: memref<2560x128xi32, #tpu.memory_space<hbm>>, %arg4: memref<10240xf32, #tpu.memory_space<hbm>>, %arg5: memref<2x16x2x10240xf32, #tpu.memory_space<hbm>>, %arg6: memref<80x128xi32, #tpu.memory_space<vmem>>, %arg7: memref<80x128xi32, #tpu.memory_space<vmem>>, %arg8: memref<10240xf32, #tpu.memory_space<vmem>>, %arg9: memref<10240xf32, #tpu.memory_space<vmem>>) attributes {dimension_semantics = [#tpu.dimension_semantics<core_parallel>, #tpu.dimension_semantics<subcore_parallel>], iteration_bounds = array<i64: 2, 16>, scalar_prefetch = 0 : i64, scratch_operands = 4 : i64, tpu.core_type = #tpu.core_type<sc_vector_subcore>, window_params = [{transform_indices = #map}, {transform_indices = #map}, {transform_indices = #map1}, {transform_indices = #map2}]} {
    %mul3A = arith.constant 16 : i32
    %mul3A_0 = arith.muli %arg0, %mul3A : i32
    %add3A = arith.addi %mul3A_0, %arg1 : i32
    "tpu.region"() ({
      %run_scoped3A_11 = tpu.sem_alloc : memref<!tpu.dma_semaphore, #tpu.memory_space<semaphore_mem>>
      tpu.enqueue_dma source(%arg4 : memref<10240xf32, #tpu.memory_space<hbm>>) target(%arg8 : memref<10240xf32, #tpu.memory_space<vmem>>) target_semaphore(%run_scoped3A_11 : memref<!tpu.dma_semaphore, #tpu.memory_space<semaphore_mem>>)
      tpu.wait_dma2 semaphore(%run_scoped3A_11 : memref<!tpu.dma_semaphore, #tpu.memory_space<semaphore_mem>>) src(%arg4 : memref<10240xf32, #tpu.memory_space<hbm>>) dst(%arg8 : memref<10240xf32, #tpu.memory_space<vmem>>)
      tpu.yield
    }) : () -> ()
    "tpu.region"() ({
      %run_scoped3A_11 = tpu.sem_alloc : memref<!tpu.dma_semaphore, #tpu.memory_space<semaphore_mem>>
      tpu.enqueue_dma source(%arg4 : memref<10240xf32, #tpu.memory_space<hbm>>) target(%arg9 : memref<10240xf32, #tpu.memory_space<vmem>>) target_semaphore(%run_scoped3A_11 : memref<!tpu.dma_semaphore, #tpu.memory_space<semaphore_mem>>)
      tpu.wait_dma2 semaphore(%run_scoped3A_11 : memref<!tpu.dma_semaphore, #tpu.memory_space<semaphore_mem>>) src(%arg4 : memref<10240xf32, #tpu.memory_space<hbm>>) dst(%arg9 : memref<10240xf32, #tpu.memory_space<vmem>>)
      tpu.yield
    }) : () -> ()
    %mul3A_1 = arith.constant 80 : i32
    %mul3A_2 = arith.muli %add3A, %mul3A_1 : i32
    "tpu.region"() ({
      %run_scoped3A_11 = tpu.sem_alloc : memref<!tpu.dma_semaphore, #tpu.memory_space<semaphore_mem>>
      %dma_start3A = arith.constant 0 : i32
      %dma_start3A_12 = tpu.memref_slice %arg2[%mul3A_2, %dma_start3A] : memref<2560x128xi32, #tpu.memory_space<hbm>> -> memref<80x128xi32, #tpu.memory_space<hbm>>
      %dma_start3A_13 = arith.constant 0 : i32
      %dma_start3A_14 = tpu.memref_slice %arg2[%mul3A_2, %dma_start3A_13] : memref<2560x128xi32, #tpu.memory_space<hbm>> -> memref<80x128xi32, #tpu.memory_space<hbm>>
      tpu.enqueue_dma source(%dma_start3A_14 : memref<80x128xi32, #tpu.memory_space<hbm>>) target(%arg6 : memref<80x128xi32, #tpu.memory_space<vmem>>) target_semaphore(%run_scoped3A_11 : memref<!tpu.dma_semaphore, #tpu.memory_space<semaphore_mem>>)
      %dma_wait3A = arith.constant 0 : i32
      %dma_wait3A_15 = tpu.memref_slice %arg2[%mul3A_2, %dma_wait3A] : memref<2560x128xi32, #tpu.memory_space<hbm>> -> memref<80x128xi32, #tpu.memory_space<hbm>>
      %dma_wait3A_16 = arith.constant 0 : i32
      %dma_wait3A_17 = tpu.memref_slice %arg2[%mul3A_2, %dma_wait3A_16] : memref<2560x128xi32, #tpu.memory_space<hbm>> -> memref<80x128xi32, #tpu.memory_space<hbm>>
      tpu.wait_dma2 semaphore(%run_scoped3A_11 : memref<!tpu.dma_semaphore, #tpu.memory_space<semaphore_mem>>) src(%dma_wait3A_17 : memref<80x128xi32, #tpu.memory_space<hbm>>) dst(%arg6 : memref<80x128xi32, #tpu.memory_space<vmem>>)
      tpu.yield
    }) : () -> ()
    %mul3A_3 = arith.constant 80 : i32
    %mul3A_4 = arith.muli %add3A, %mul3A_3 : i32
    "tpu.region"() ({
      %run_scoped3A_11 = tpu.sem_alloc : memref<!tpu.dma_semaphore, #tpu.memory_space<semaphore_mem>>
      %dma_start3A = arith.constant 0 : i32
      %dma_start3A_12 = tpu.memref_slice %arg3[%mul3A_4, %dma_start3A] : memref<2560x128xi32, #tpu.memory_space<hbm>> -> memref<80x128xi32, #tpu.memory_space<hbm>>
      %dma_start3A_13 = arith.constant 0 : i32
      %dma_start3A_14 = tpu.memref_slice %arg3[%mul3A_4, %dma_start3A_13] : memref<2560x128xi32, #tpu.memory_space<hbm>> -> memref<80x128xi32, #tpu.memory_space<hbm>>
      tpu.enqueue_dma source(%dma_start3A_14 : memref<80x128xi32, #tpu.memory_space<hbm>>) target(%arg7 : memref<80x128xi32, #tpu.memory_space<vmem>>) target_semaphore(%run_scoped3A_11 : memref<!tpu.dma_semaphore, #tpu.memory_space<semaphore_mem>>)
      %dma_wait3A = arith.constant 0 : i32
      %dma_wait3A_15 = tpu.memref_slice %arg3[%mul3A_4, %dma_wait3A] : memref<2560x128xi32, #tpu.memory_space<hbm>> -> memref<80x128xi32, #tpu.memory_space<hbm>>
      %dma_wait3A_16 = arith.constant 0 : i32
      %dma_wait3A_17 = tpu.memref_slice %arg3[%mul3A_4, %dma_wait3A_16] : memref<2560x128xi32, #tpu.memory_space<hbm>> -> memref<80x128xi32, #tpu.memory_space<hbm>>
      tpu.wait_dma2 semaphore(%run_scoped3A_11 : memref<!tpu.dma_semaphore, #tpu.memory_space<semaphore_mem>>) src(%dma_wait3A_17 : memref<80x128xi32, #tpu.memory_space<hbm>>) dst(%arg7 : memref<80x128xi32, #tpu.memory_space<vmem>>)
      tpu.yield
    }) : () -> ()
    %broadcast_in_dim3A = arith.constant 1.000000e+00 : f32
    %broadcast_in_dim3A_5 = vector.broadcast %broadcast_in_dim3A : f32 to vector<16xf32>
    %scan3A = arith.constant 0 : i32
    %scan3A_6 = arith.constant 80 : i32
    %scan3A_7 = arith.addi %scan3A, %scan3A_6 : i32
    %scan3A_8 = arith.constant 1 : i32
    scf.for %scan3A_11 = %scan3A to %scan3A_7 step %scan3A_8  : i32 {
      %mul3A_12 = arith.constant 1 : i32
      %mul3A_13 = arith.muli %scan3A_11, %mul3A_12 : i32
      %add3A_14 = arith.constant 0 : i32
      %add3A_15 = arith.addi %add3A_14, %mul3A_13 : i32
      %get3A = arith.index_cast %add3A_15 : i32 to index
      %get3A_16 = arith.constant 0 : index
      %get3A_17 = tpu.vector_load %arg6[%get3A, %get3A_16] {strides = array<i32>} : memref<80x128xi32, #tpu.memory_space<vmem>>, vector<16xi32>,
      tpu.vector_store_idx %arg8[%get3A_17], %broadcast_in_dim3A_5 {add = true} : memref<10240xf32, #tpu.memory_space<vmem>>[vector<16xi32>], vector<16xf32>,
      %get3A_18 = arith.index_cast %add3A_15 : i32 to index
      %get3A_19 = arith.constant 0 : index
      %get3A_20 = tpu.vector_load %arg7[%get3A_18, %get3A_19] {strides = array<i32>} : memref<80x128xi32, #tpu.memory_space<vmem>>, vector<16xi32>,
      tpu.vector_store_idx %arg9[%get3A_20], %broadcast_in_dim3A_5 {add = true} : memref<10240xf32, #tpu.memory_space<vmem>>[vector<16xi32>], vector<16xf32>,
      %get3A_21 = arith.index_cast %add3A_15 : i32 to index
      %get3A_22 = arith.constant 16 : index
      %get3A_23 = tpu.vector_load %arg6[%get3A_21, %get3A_22] {strides = array<i32>} : memref<80x128xi32, #tpu.memory_space<vmem>>, vector<16xi32>,
      tpu.vector_store_idx %arg8[%get3A_23], %broadcast_in_dim3A_5 {add = true} : memref<10240xf32, #tpu.memory_space<vmem>>[vector<16xi32>], vector<16xf32>,
      %get3A_24 = arith.index_cast %add3A_15 : i32 to index
      %get3A_25 = arith.constant 16 : index
      %get3A_26 = tpu.vector_load %arg7[%get3A_24, %get3A_25] {strides = array<i32>} : memref<80x128xi32, #tpu.memory_space<vmem>>, vector<16xi32>,
      tpu.vector_store_idx %arg9[%get3A_26], %broadcast_in_dim3A_5 {add = true} : memref<10240xf32, #tpu.memory_space<vmem>>[vector<16xi32>], vector<16xf32>,
      %get3A_27 = arith.index_cast %add3A_15 : i32 to index
      %get3A_28 = arith.constant 32 : index
      %get3A_29 = tpu.vector_load %arg6[%get3A_27, %get3A_28] {strides = array<i32>} : memref<80x128xi32, #tpu.memory_space<vmem>>, vector<16xi32>,
      tpu.vector_store_idx %arg8[%get3A_29], %broadcast_in_dim3A_5 {add = true} : memref<10240xf32, #tpu.memory_space<vmem>>[vector<16xi32>], vector<16xf32>,
      %get3A_30 = arith.index_cast %add3A_15 : i32 to index
      %get3A_31 = arith.constant 32 : index
      %get3A_32 = tpu.vector_load %arg7[%get3A_30, %get3A_31] {strides = array<i32>} : memref<80x128xi32, #tpu.memory_space<vmem>>, vector<16xi32>,
      tpu.vector_store_idx %arg9[%get3A_32], %broadcast_in_dim3A_5 {add = true} : memref<10240xf32, #tpu.memory_space<vmem>>[vector<16xi32>], vector<16xf32>,
      %get3A_33 = arith.index_cast %add3A_15 : i32 to index
      %get3A_34 = arith.constant 48 : index
      %get3A_35 = tpu.vector_load %arg6[%get3A_33, %get3A_34] {strides = array<i32>} : memref<80x128xi32, #tpu.memory_space<vmem>>, vector<16xi32>,
      tpu.vector_store_idx %arg8[%get3A_35], %broadcast_in_dim3A_5 {add = true} : memref<10240xf32, #tpu.memory_space<vmem>>[vector<16xi32>], vector<16xf32>,
      %get3A_36 = arith.index_cast %add3A_15 : i32 to index
      %get3A_37 = arith.constant 48 : index
      %get3A_38 = tpu.vector_load %arg7[%get3A_36, %get3A_37] {strides = array<i32>} : memref<80x128xi32, #tpu.memory_space<vmem>>, vector<16xi32>,
      tpu.vector_store_idx %arg9[%get3A_38], %broadcast_in_dim3A_5 {add = true} : memref<10240xf32, #tpu.memory_space<vmem>>[vector<16xi32>], vector<16xf32>,
      %get3A_39 = arith.index_cast %add3A_15 : i32 to index
      %get3A_40 = arith.constant 64 : index
      %get3A_41 = tpu.vector_load %arg6[%get3A_39, %get3A_40] {strides = array<i32>} : memref<80x128xi32, #tpu.memory_space<vmem>>, vector<16xi32>,
      tpu.vector_store_idx %arg8[%get3A_41], %broadcast_in_dim3A_5 {add = true} : memref<10240xf32, #tpu.memory_space<vmem>>[vector<16xi32>], vector<16xf32>,
      %get3A_42 = arith.index_cast %add3A_15 : i32 to index
      %get3A_43 = arith.constant 64 : index
      %get3A_44 = tpu.vector_load %arg7[%get3A_42, %get3A_43] {strides = array<i32>} : memref<80x128xi32, #tpu.memory_space<vmem>>, vector<16xi32>,
      tpu.vector_store_idx %arg9[%get3A_44], %broadcast_in_dim3A_5 {add = true} : memref<10240xf32, #tpu.memory_space<vmem>>[vector<16xi32>], vector<16xf32>,
      %get3A_45 = arith.index_cast %add3A_15 : i32 to index
      %get3A_46 = arith.constant 80 : index
      %get3A_47 = tpu.vector_load %arg6[%get3A_45, %get3A_46] {strides = array<i32>} : memref<80x128xi32, #tpu.memory_space<vmem>>, vector<16xi32>,
      tpu.vector_store_idx %arg8[%get3A_47], %broadcast_in_dim3A_5 {add = true} : memref<10240xf32, #tpu.memory_space<vmem>>[vector<16xi32>], vector<16xf32>,
      %get3A_48 = arith.index_cast %add3A_15 : i32 to index
      %get3A_49 = arith.constant 80 : index
      %get3A_50 = tpu.vector_load %arg7[%get3A_48, %get3A_49] {strides = array<i32>} : memref<80x128xi32, #tpu.memory_space<vmem>>, vector<16xi32>,
      tpu.vector_store_idx %arg9[%get3A_50], %broadcast_in_dim3A_5 {add = true} : memref<10240xf32, #tpu.memory_space<vmem>>[vector<16xi32>], vector<16xf32>,
      %get3A_51 = arith.index_cast %add3A_15 : i32 to index
      %get3A_52 = arith.constant 96 : index
      %get3A_53 = tpu.vector_load %arg6[%get3A_51, %get3A_52] {strides = array<i32>} : memref<80x128xi32, #tpu.memory_space<vmem>>, vector<16xi32>,
      tpu.vector_store_idx %arg8[%get3A_53], %broadcast_in_dim3A_5 {add = true} : memref<10240xf32, #tpu.memory_space<vmem>>[vector<16xi32>], vector<16xf32>,
      %get3A_54 = arith.index_cast %add3A_15 : i32 to index
      %get3A_55 = arith.constant 96 : index
      %get3A_56 = tpu.vector_load %arg7[%get3A_54, %get3A_55] {strides = array<i32>} : memref<80x128xi32, #tpu.memory_space<vmem>>, vector<16xi32>,
      tpu.vector_store_idx %arg9[%get3A_56], %broadcast_in_dim3A_5 {add = true} : memref<10240xf32, #tpu.memory_space<vmem>>[vector<16xi32>], vector<16xf32>,
      %get3A_57 = arith.index_cast %add3A_15 : i32 to index
      %get3A_58 = arith.constant 112 : index
      %get3A_59 = tpu.vector_load %arg6[%get3A_57, %get3A_58] {strides = array<i32>} : memref<80x128xi32, #tpu.memory_space<vmem>>, vector<16xi32>,
      tpu.vector_store_idx %arg8[%get3A_59], %broadcast_in_dim3A_5 {add = true} : memref<10240xf32, #tpu.memory_space<vmem>>[vector<16xi32>], vector<16xf32>,
      %get3A_60 = arith.index_cast %add3A_15 : i32 to index
      %get3A_61 = arith.constant 112 : index
      %get3A_62 = tpu.vector_load %arg7[%get3A_60, %get3A_61] {strides = array<i32>} : memref<80x128xi32, #tpu.memory_space<vmem>>, vector<16xi32>,
      tpu.vector_store_idx %arg9[%get3A_62], %broadcast_in_dim3A_5 {add = true} : memref<10240xf32, #tpu.memory_space<vmem>>[vector<16xi32>], vector<16xf32>,
    }
    %scan3A_9 = arith.constant 80 : i32
    %run_scoped3A = arith.constant 0 : i32
    "tpu.region"() ({
      %run_scoped3A_11 = tpu.sem_alloc : memref<!tpu.dma_semaphore, #tpu.memory_space<semaphore_mem>>
      %dma_start3A = arith.constant 0 : i32
      %dma_start3A_12 = tpu.memref_slice %arg5[%arg0, %arg1, %run_scoped3A, %dma_start3A] : memref<2x16x2x10240xf32, #tpu.memory_space<hbm>> -> memref<1x1x1x10240xf32, #tpu.memory_space<hbm>>
      %dma_start3A_13 = tpu.memref_squeeze %dma_start3A_12 : memref<1x1x1x10240xf32, #tpu.memory_space<hbm>> -> memref<10240xf32, #tpu.memory_space<hbm>>
      %dma_start3A_14 = arith.constant 0 : i32
      %dma_start3A_15 = tpu.memref_slice %arg5[%arg0, %arg1, %run_scoped3A, %dma_start3A_14] : memref<2x16x2x10240xf32, #tpu.memory_space<hbm>> -> memref<1x1x1x10240xf32, #tpu.memory_space<hbm>>
      %dma_start3A_16 = tpu.memref_squeeze %dma_start3A_15 : memref<1x1x1x10240xf32, #tpu.memory_space<hbm>> -> memref<10240xf32, #tpu.memory_space<hbm>>
      tpu.enqueue_dma source(%arg8 : memref<10240xf32, #tpu.memory_space<vmem>>) target(%dma_start3A_16 : memref<10240xf32, #tpu.memory_space<hbm>>) target_semaphore(%run_scoped3A_11 : memref<!tpu.dma_semaphore, #tpu.memory_space<semaphore_mem>>)
      %dma_wait3A = arith.constant 0 : i32
      %dma_wait3A_17 = tpu.memref_slice %arg5[%arg0, %arg1, %run_scoped3A, %dma_wait3A] : memref<2x16x2x10240xf32, #tpu.memory_space<hbm>> -> memref<1x1x1x10240xf32, #tpu.memory_space<hbm>>
      %dma_wait3A_18 = tpu.memref_squeeze %dma_wait3A_17 : memref<1x1x1x10240xf32, #tpu.memory_space<hbm>> -> memref<10240xf32, #tpu.memory_space<hbm>>
      %dma_wait3A_19 = arith.constant 0 : i32
      %dma_wait3A_20 = tpu.memref_slice %arg5[%arg0, %arg1, %run_scoped3A, %dma_wait3A_19] : memref<2x16x2x10240xf32, #tpu.memory_space<hbm>> -> memref<1x1x1x10240xf32, #tpu.memory_space<hbm>>
      %dma_wait3A_21 = tpu.memref_squeeze %dma_wait3A_20 : memref<1x1x1x10240xf32, #tpu.memory_space<hbm>> -> memref<10240xf32, #tpu.memory_space<hbm>>
      tpu.wait_dma2 semaphore(%run_scoped3A_11 : memref<!tpu.dma_semaphore, #tpu.memory_space<semaphore_mem>>) src(%arg8 : memref<10240xf32, #tpu.memory_space<vmem>>) dst(%dma_wait3A_21 : memref<10240xf32, #tpu.memory_space<hbm>>)
      tpu.yield
    }) : () -> ()
    %run_scoped3A_10 = arith.constant 1 : i32
    "tpu.region"() ({
      %run_scoped3A_11 = tpu.sem_alloc : memref<!tpu.dma_semaphore, #tpu.memory_space<semaphore_mem>>
      %dma_start3A = arith.constant 0 : i32
      %dma_start3A_12 = tpu.memref_slice %arg5[%arg0, %arg1, %run_scoped3A_10, %dma_start3A] : memref<2x16x2x10240xf32, #tpu.memory_space<hbm>> -> memref<1x1x1x10240xf32, #tpu.memory_space<hbm>>
      %dma_start3A_13 = tpu.memref_squeeze %dma_start3A_12 : memref<1x1x1x10240xf32, #tpu.memory_space<hbm>> -> memref<10240xf32, #tpu.memory_space<hbm>>
      %dma_start3A_14 = arith.constant 0 : i32
      %dma_start3A_15 = tpu.memref_slice %arg5[%arg0, %arg1, %run_scoped3A_10, %dma_start3A_14] : memref<2x16x2x10240xf32, #tpu.memory_space<hbm>> -> memref<1x1x1x10240xf32, #tpu.memory_space<hbm>>
      %dma_start3A_16 = tpu.memref_squeeze %dma_start3A_15 : memref<1x1x1x10240xf32, #tpu.memory_space<hbm>> -> memref<10240xf32, #tpu.memory_space<hbm>>
      tpu.enqueue_dma source(%arg9 : memref<10240xf32, #tpu.memory_space<vmem>>) target(%dma_start3A_16 : memref<10240xf32, #tpu.memory_space<hbm>>) target_semaphore(%run_scoped3A_11 : memref<!tpu.dma_semaphore, #tpu.memory_space<semaphore_mem>>)
      %dma_wait3A = arith.constant 0 : i32
      %dma_wait3A_17 = tpu.memref_slice %arg5[%arg0, %arg1, %run_scoped3A_10, %dma_wait3A] : memref<2x16x2x10240xf32, #tpu.memory_space<hbm>> -> memref<1x1x1x10240xf32, #tpu.memory_space<hbm>>
      %dma_wait3A_18 = tpu.memref_squeeze %dma_wait3A_17 : memref<1x1x1x10240xf32, #tpu.memory_space<hbm>> -> memref<10240xf32, #tpu.memory_space<hbm>>
      %dma_wait3A_19 = arith.constant 0 : i32
      %dma_wait3A_20 = tpu.memref_slice %arg5[%arg0, %arg1, %run_scoped3A_10, %dma_wait3A_19] : memref<2x16x2x10240xf32, #tpu.memory_space<hbm>> -> memref<1x1x1x10240xf32, #tpu.memory_space<hbm>>
      %dma_wait3A_21 = tpu.memref_squeeze %dma_wait3A_20 : memref<1x1x1x10240xf32, #tpu.memory_space<hbm>> -> memref<10240xf32, #tpu.memory_space<hbm>>
      tpu.wait_dma2 semaphore(%run_scoped3A_11 : memref<!tpu.dma_semaphore, #tpu.memory_space<semaphore_mem>>) src(%arg9 : memref<10240xf32, #tpu.memory_space<vmem>>) dst(%dma_wait3A_21 : memref<10240xf32, #tpu.memory_space<hbm>>)
      tpu.yield
    }) : () -> ()
    return
  }
}

#map = affine_map<(d0, d1) -> (0, 0)>
#map1 = affine_map<(d0, d1) -> (0, 0, 0)>
module attributes {stable_mosaic.version = 14 : i64} {
  func.func @_agg_body(%arg0: i32, %arg1: i32, %arg2: memref<10240x128xf32, #tpu.memory_space<hbm>>, %arg3: memref<2560x128xi32, #tpu.memory_space<hbm>>, %arg4: memref<2560x128xi32, #tpu.memory_space<hbm>>, %arg5: memref<640x128xf32, #tpu.memory_space<hbm>>, %arg6: memref<2x10240x128xf32, #tpu.memory_space<hbm>>, %arg7: memref<8x128xi32, #tpu.memory_space<vmem>>, %arg8: memref<8x128xi32, #tpu.memory_space<vmem>>, %arg9: memref<8x128xi32, #tpu.memory_space<vmem>>, %arg10: memref<8x128xi32, #tpu.memory_space<vmem>>, %arg11: memref<128x128xf32, #tpu.memory_space<vmem>>, %arg12: memref<128x128xf32, #tpu.memory_space<vmem>>, %arg13: memref<10240x128xf32, #tpu.memory_space<vmem_shared>>, %arg14: memref<!tpu.dma_semaphore, #tpu.memory_space<semaphore_mem>>, %arg15: memref<!tpu.dma_semaphore, #tpu.memory_space<semaphore_mem>>, %arg16: memref<!tpu.dma_semaphore, #tpu.memory_space<semaphore_mem>>, %arg17: memref<!tpu.dma_semaphore, #tpu.memory_space<semaphore_mem>>) attributes {dimension_semantics = [#tpu.dimension_semantics<core_parallel>, #tpu.dimension_semantics<subcore_parallel>], iteration_bounds = array<i64: 2, 16>, scalar_prefetch = 0 : i64, scratch_operands = 11 : i64, tpu.core_type = #tpu.core_type<sc_vector_subcore>, window_params = [{transform_indices = #map}, {transform_indices = #map}, {transform_indices = #map}, {transform_indices = #map}, {transform_indices = #map1}]} {
    %mul3A = arith.constant 16 : i32
    %mul3A_0 = arith.muli %arg0, %mul3A : i32
    %add3A = arith.addi %mul3A_0, %arg1 : i32
    %mul3A_1 = arith.constant 80 : i32
    %mul3A_2 = arith.muli %add3A, %mul3A_1 : i32
    %mul3A_3 = arith.constant 640 : i32
    %mul3A_4 = arith.muli %arg1, %mul3A_3 : i32
    "tpu.region"() ({
      %run_scoped3A = tpu.sem_alloc : memref<!tpu.dma_semaphore, #tpu.memory_space<semaphore_mem>>
      %dma_start3A_23 = arith.constant 0 : i32
      %dma_start3A_24 = tpu.memref_slice %arg13[%mul3A_4, %dma_start3A_23] : memref<10240x128xf32, #tpu.memory_space<vmem_shared>> -> memref<640x128xf32, #tpu.memory_space<vmem_shared>>
      tpu.enqueue_dma source(%arg5 : memref<640x128xf32, #tpu.memory_space<hbm>>) target(%dma_start3A_24 : memref<640x128xf32, #tpu.memory_space<vmem_shared>>) target_semaphore(%run_scoped3A : memref<!tpu.dma_semaphore, #tpu.memory_space<semaphore_mem>>)
      %dma_wait3A = arith.constant 0 : i32
      %dma_wait3A_25 = tpu.memref_slice %arg13[%mul3A_4, %dma_wait3A] : memref<10240x128xf32, #tpu.memory_space<vmem_shared>> -> memref<640x128xf32, #tpu.memory_space<vmem_shared>>
      tpu.wait_dma2 semaphore(%run_scoped3A : memref<!tpu.dma_semaphore, #tpu.memory_space<semaphore_mem>>) src(%arg5 : memref<640x128xf32, #tpu.memory_space<hbm>>) dst(%dma_wait3A_25 : memref<640x128xf32, #tpu.memory_space<vmem_shared>>)
      tpu.yield
    }) : () -> ()
    %barrier3A = arith.constant 0 : index
    tpu.barrier barrier_id(%barrier3A)
    %add3A_5 = arith.constant 0 : i32
    %add3A_6 = arith.addi %mul3A_2, %add3A_5 : i32
    %dma_start3A = arith.constant 0 : i32
    %dma_start3A_7 = tpu.memref_slice %arg3[%add3A_6, %dma_start3A] : memref<2560x128xi32, #tpu.memory_space<hbm>> -> memref<8x128xi32, #tpu.memory_space<hbm>>
    %dma_start3A_8 = arith.constant 0 : i32
    %dma_start3A_9 = tpu.memref_slice %arg3[%add3A_6, %dma_start3A_8] : memref<2560x128xi32, #tpu.memory_space<hbm>> -> memref<8x128xi32, #tpu.memory_space<hbm>>
    tpu.enqueue_dma source(%dma_start3A_9 : memref<8x128xi32, #tpu.memory_space<hbm>>) target(%arg7 : memref<8x128xi32, #tpu.memory_space<vmem>>) target_semaphore(%arg16 : memref<!tpu.dma_semaphore, #tpu.memory_space<semaphore_mem>>)
    %dma_start3A_10 = arith.constant 0 : i32
    %dma_start3A_11 = tpu.memref_slice %arg4[%add3A_6, %dma_start3A_10] : memref<2560x128xi32, #tpu.memory_space<hbm>> -> memref<8x128xi32, #tpu.memory_space<hbm>>
    %dma_start3A_12 = arith.constant 0 : i32
    %dma_start3A_13 = tpu.memref_slice %arg4[%add3A_6, %dma_start3A_12] : memref<2560x128xi32, #tpu.memory_space<hbm>> -> memref<8x128xi32, #tpu.memory_space<hbm>>
    tpu.enqueue_dma source(%dma_start3A_13 : memref<8x128xi32, #tpu.memory_space<hbm>>) target(%arg8 : memref<8x128xi32, #tpu.memory_space<vmem>>) target_semaphore(%arg16 : memref<!tpu.dma_semaphore, #tpu.memory_space<semaphore_mem>>)
    %scan3A = arith.constant 0 : i32
    %scan3A_14 = arith.constant 5 : i32
    %scan3A_15 = arith.addi %scan3A, %scan3A_14 : i32
    %scan3A_16 = arith.constant 1 : i32
    scf.for %scan3A_23 = %scan3A to %scan3A_15 step %scan3A_16  : i32 {
      %mul3A_24 = arith.constant 1 : i32
      %mul3A_25 = arith.muli %scan3A_23, %mul3A_24 : i32
      %add3A_26 = arith.constant 0 : i32
      %add3A_27 = arith.addi %add3A_26, %mul3A_25 : i32
      %mul3A_28 = arith.constant 2 : i32
      %mul3A_29 = arith.muli %mul3A_28, %add3A_27 : i32
      %mul3A_30 = arith.constant 8 : i32
      %mul3A_31 = arith.muli %mul3A_29, %mul3A_30 : i32
      %add3A_32 = arith.addi %mul3A_2, %mul3A_31 : i32
      %dma_wait3A = arith.constant 0 : i32
      %dma_wait3A_33 = tpu.memref_slice %arg3[%add3A_32, %dma_wait3A] : memref<2560x128xi32, #tpu.memory_space<hbm>> -> memref<8x128xi32, #tpu.memory_space<hbm>>
      %dma_wait3A_34 = arith.constant 0 : i32
      %dma_wait3A_35 = tpu.memref_slice %arg3[%add3A_32, %dma_wait3A_34] : memref<2560x128xi32, #tpu.memory_space<hbm>> -> memref<8x128xi32, #tpu.memory_space<hbm>>
      tpu.wait_dma2 semaphore(%arg16 : memref<!tpu.dma_semaphore, #tpu.memory_space<semaphore_mem>>) src(%dma_wait3A_35 : memref<8x128xi32, #tpu.memory_space<hbm>>) dst(%arg7 : memref<8x128xi32, #tpu.memory_space<vmem>>)
      %dma_wait3A_36 = arith.constant 0 : i32
      %dma_wait3A_37 = tpu.memref_slice %arg4[%add3A_32, %dma_wait3A_36] : memref<2560x128xi32, #tpu.memory_space<hbm>> -> memref<8x128xi32, #tpu.memory_space<hbm>>
      %dma_wait3A_38 = arith.constant 0 : i32
      %dma_wait3A_39 = tpu.memref_slice %arg4[%add3A_32, %dma_wait3A_38] : memref<2560x128xi32, #tpu.memory_space<hbm>> -> memref<8x128xi32, #tpu.memory_space<hbm>>
      tpu.wait_dma2 semaphore(%arg16 : memref<!tpu.dma_semaphore, #tpu.memory_space<semaphore_mem>>) src(%dma_wait3A_39 : memref<8x128xi32, #tpu.memory_space<hbm>>) dst(%arg8 : memref<8x128xi32, #tpu.memory_space<vmem>>)
      %add3A_40 = arith.constant 1 : i32
      %add3A_41 = arith.addi %mul3A_29, %add3A_40 : i32
      %mul3A_42 = arith.constant 8 : i32
      %mul3A_43 = arith.muli %add3A_41, %mul3A_42 : i32
      %add3A_44 = arith.addi %mul3A_2, %mul3A_43 : i32
      %dma_start3A_45 = arith.constant 0 : i32
      %dma_start3A_46 = tpu.memref_slice %arg3[%add3A_44, %dma_start3A_45] : memref<2560x128xi32, #tpu.memory_space<hbm>> -> memref<8x128xi32, #tpu.memory_space<hbm>>
      %dma_start3A_47 = arith.constant 0 : i32
      %dma_start3A_48 = tpu.memref_slice %arg3[%add3A_44, %dma_start3A_47] : memref<2560x128xi32, #tpu.memory_space<hbm>> -> memref<8x128xi32, #tpu.memory_space<hbm>>
      tpu.enqueue_dma source(%dma_start3A_48 : memref<8x128xi32, #tpu.memory_space<hbm>>) target(%arg9 : memref<8x128xi32, #tpu.memory_space<vmem>>) target_semaphore(%arg17 : memref<!tpu.dma_semaphore, #tpu.memory_space<semaphore_mem>>)
      %dma_start3A_49 = arith.constant 0 : i32
      %dma_start3A_50 = tpu.memref_slice %arg4[%add3A_44, %dma_start3A_49] : memref<2560x128xi32, #tpu.memory_space<hbm>> -> memref<8x128xi32, #tpu.memory_space<hbm>>
      %dma_start3A_51 = arith.constant 0 : i32
      %dma_start3A_52 = tpu.memref_slice %arg4[%add3A_44, %dma_start3A_51] : memref<2560x128xi32, #tpu.memory_space<hbm>> -> memref<8x128xi32, #tpu.memory_space<hbm>>
      tpu.enqueue_dma source(%dma_start3A_52 : memref<8x128xi32, #tpu.memory_space<hbm>>) target(%arg10 : memref<8x128xi32, #tpu.memory_space<vmem>>) target_semaphore(%arg17 : memref<!tpu.dma_semaphore, #tpu.memory_space<semaphore_mem>>)
      %dma_start3A_53 = arith.constant 0 : i32
      %dma_start3A_54 = arith.constant 0 : i32
      %dma_start3A_55 = tpu.memref_slice %arg7[%dma_start3A_53, %dma_start3A_54] : memref<8x128xi32, #tpu.memory_space<vmem>> -> memref<1x128xi32, #tpu.memory_space<vmem>>
      %dma_start3A_56 = tpu.memref_squeeze %dma_start3A_55 : memref<1x128xi32, #tpu.memory_space<vmem>> -> memref<128xi32, #tpu.memory_space<vmem>>
      %dma_start3A_57 = arith.constant 0 : i32
      %dma_start3A_58 = arith.constant 0 : i32
      %dma_start3A_59 = tpu.memref_slice %arg2[%dma_start3A_57, %dma_start3A_58] : memref<10240x128xf32, #tpu.memory_space<hbm>> -> memref<10240x128xf32, #tpu.memory_space<hbm>>
      tpu.enqueue_indirect_dma source(%dma_start3A_59 : memref<10240x128xf32, #tpu.memory_space<hbm>>) target(%arg11 : memref<128x128xf32, #tpu.memory_space<vmem>>) offsets(%dma_start3A_56 : memref<128xi32, #tpu.memory_space<vmem>>) semaphore(%arg14 : memref<!tpu.dma_semaphore, #tpu.memory_space<semaphore_mem>>)
      %dma_start3A_60 = arith.constant 1 : i32
      %dma_start3A_61 = arith.constant 0 : i32
      %dma_start3A_62 = tpu.memref_slice %arg7[%dma_start3A_60, %dma_start3A_61] : memref<8x128xi32, #tpu.memory_space<vmem>> -> memref<1x128xi32, #tpu.memory_space<vmem>>
      %dma_start3A_63 = tpu.memref_squeeze %dma_start3A_62 : memref<1x128xi32, #tpu.memory_space<vmem>> -> memref<128xi32, #tpu.memory_space<vmem>>
      %dma_start3A_64 = arith.constant 0 : i32
      %dma_start3A_65 = arith.constant 0 : i32
      %dma_start3A_66 = tpu.memref_slice %arg2[%dma_start3A_64, %dma_start3A_65] : memref<10240x128xf32, #tpu.memory_space<hbm>> -> memref<10240x128xf32, #tpu.memory_space<hbm>>
      tpu.enqueue_indirect_dma source(%dma_start3A_66 : memref<10240x128xf32, #tpu.memory_space<hbm>>) target(%arg12 : memref<128x128xf32, #tpu.memory_space<vmem>>) offsets(%dma_start3A_63 : memref<128xi32, #tpu.memory_space<vmem>>) semaphore(%arg15 : memref<!tpu.dma_semaphore, #tpu.memory_space<semaphore_mem>>)
      %dma_wait3A_67 = arith.constant 0 : i32
      %dma_wait3A_68 = arith.constant 0 : i32
      %dma_wait3A_69 = tpu.memref_slice %arg7[%dma_wait3A_67, %dma_wait3A_68] : memref<8x128xi32, #tpu.memory_space<vmem>> -> memref<1x128xi32, #tpu.memory_space<vmem>>
      %dma_wait3A_70 = tpu.memref_squeeze %dma_wait3A_69 : memref<1x128xi32, #tpu.memory_space<vmem>> -> memref<128xi32, #tpu.memory_space<vmem>>
      %dma_wait3A_71 = arith.constant 0 : i32
      %dma_wait3A_72 = arith.constant 0 : i32
      %dma_wait3A_73 = tpu.memref_slice %arg2[%dma_wait3A_71, %dma_wait3A_72] : memref<10240x128xf32, #tpu.memory_space<hbm>> -> memref<10240x128xf32, #tpu.memory_space<hbm>>
      tpu.wait_indirect_dma semaphore(%arg14 : memref<!tpu.dma_semaphore, #tpu.memory_space<semaphore_mem>>) src(%dma_wait3A_73 : memref<10240x128xf32, #tpu.memory_space<hbm>>) dst(%arg11 : memref<128x128xf32, #tpu.memory_space<vmem>>)
      %run_scoped3A = arith.constant 0 : i32
      "tpu.region"() ({
        %run_scoped3A_309 = tpu.sem_alloc : memref<!tpu.dma_semaphore, #tpu.memory_space<semaphore_mem>>
        %dma_start3A_310 = arith.constant 0 : i32
        %dma_start3A_311 = tpu.memref_slice %arg8[%run_scoped3A, %dma_start3A_310] : memref<8x128xi32, #tpu.memory_space<vmem>> -> memref<1x128xi32, #tpu.memory_space<vmem>>
        %dma_start3A_312 = tpu.memref_squeeze %dma_start3A_311 : memref<1x128xi32, #tpu.memory_space<vmem>> -> memref<128xi32, #tpu.memory_space<vmem>>
        %dma_start3A_313 = arith.constant 0 : i32
        %dma_start3A_314 = arith.constant 0 : i32
        %dma_start3A_315 = tpu.memref_slice %arg13[%dma_start3A_313, %dma_start3A_314] : memref<10240x128xf32, #tpu.memory_space<vmem_shared>> -> memref<10240x128xf32, #tpu.memory_space<vmem_shared>>
        tpu.enqueue_indirect_dma source(%arg11 : memref<128x128xf32, #tpu.memory_space<vmem>>) target(%dma_start3A_315 : memref<10240x128xf32, #tpu.memory_space<vmem_shared>>) offsets(%dma_start3A_312 : memref<128xi32, #tpu.memory_space<vmem>>) semaphore(%run_scoped3A_309 : memref<!tpu.dma_semaphore, #tpu.memory_space<semaphore_mem>>) {add = true}
        %dma_wait3A_316 = arith.constant 0 : i32
        %dma_wait3A_317 = tpu.memref_slice %arg8[%run_scoped3A, %dma_wait3A_316] : memref<8x128xi32, #tpu.memory_space<vmem>> -> memref<1x128xi32, #tpu.memory_space<vmem>>
        %dma_wait3A_318 = tpu.memref_squeeze %dma_wait3A_317 : memref<1x128xi32, #tpu.memory_space<vmem>> -> memref<128xi32, #tpu.memory_space<vmem>>
        %dma_wait3A_319 = arith.constant 0 : i32
        %dma_wait3A_320 = arith.constant 0 : i32
        %dma_wait3A_321 = tpu.memref_slice %arg13[%dma_wait3A_319, %dma_wait3A_320] : memref<10240x128xf32, #tpu.memory_space<vmem_shared>> -> memref<10240x128xf32, #tpu.memory_space<vmem_shared>>
        tpu.wait_indirect_dma semaphore(%run_scoped3A_309 : memref<!tpu.dma_semaphore, #tpu.memory_space<semaphore_mem>>) src(%arg11 : memref<128x128xf32, #tpu.memory_space<vmem>>) dst(%dma_wait3A_321 : memref<10240x128xf32, #tpu.memory_space<vmem_shared>>)
        tpu.yield
      }) : () -> ()
      %dma_start3A_74 = arith.constant 2 : i32
      %dma_start3A_75 = arith.constant 0 : i32
      %dma_start3A_76 = tpu.memref_slice %arg7[%dma_start3A_74, %dma_start3A_75] : memref<8x128xi32, #tpu.memory_space<vmem>> -> memref<1x128xi32, #tpu.memory_space<vmem>>
      %dma_start3A_77 = tpu.memref_squeeze %dma_start3A_76 : memref<1x128xi32, #tpu.memory_space<vmem>> -> memref<128xi32, #tpu.memory_space<vmem>>
      %dma_start3A_78 = arith.constant 0 : i32
      %dma_start3A_79 = arith.constant 0 : i32
      %dma_start3A_80 = tpu.memref_slice %arg2[%dma_start3A_78, %dma_start3A_79] : memref<10240x128xf32, #tpu.memory_space<hbm>> -> memref<10240x128xf32, #tpu.memory_space<hbm>>
      tpu.enqueue_indirect_dma source(%dma_start3A_80 : memref<10240x128xf32, #tpu.memory_space<hbm>>) target(%arg11 : memref<128x128xf32, #tpu.memory_space<vmem>>) offsets(%dma_start3A_77 : memref<128xi32, #tpu.memory_space<vmem>>) semaphore(%arg14 : memref<!tpu.dma_semaphore, #tpu.memory_space<semaphore_mem>>)
      %dma_wait3A_81 = arith.constant 1 : i32
      %dma_wait3A_82 = arith.constant 0 : i32
      %dma_wait3A_83 = tpu.memref_slice %arg7[%dma_wait3A_81, %dma_wait3A_82] : memref<8x128xi32, #tpu.memory_space<vmem>> -> memref<1x128xi32, #tpu.memory_space<vmem>>
      %dma_wait3A_84 = tpu.memref_squeeze %dma_wait3A_83 : memref<1x128xi32, #tpu.memory_space<vmem>> -> memref<128xi32, #tpu.memory_space<vmem>>
      %dma_wait3A_85 = arith.constant 0 : i32
      %dma_wait3A_86 = arith.constant 0 : i32
      %dma_wait3A_87 = tpu.memref_slice %arg2[%dma_wait3A_85, %dma_wait3A_86] : memref<10240x128xf32, #tpu.memory_space<hbm>> -> memref<10240x128xf32, #tpu.memory_space<hbm>>
      tpu.wait_indirect_dma semaphore(%arg15 : memref<!tpu.dma_semaphore, #tpu.memory_space<semaphore_mem>>) src(%dma_wait3A_87 : memref<10240x128xf32, #tpu.memory_space<hbm>>) dst(%arg12 : memref<128x128xf32, #tpu.memory_space<vmem>>)
      %run_scoped3A_88 = arith.constant 1 : i32
      "tpu.region"() ({
        %run_scoped3A_309 = tpu.sem_alloc : memref<!tpu.dma_semaphore, #tpu.memory_space<semaphore_mem>>
        %dma_start3A_310 = arith.constant 0 : i32
        %dma_start3A_311 = tpu.memref_slice %arg8[%run_scoped3A_88, %dma_start3A_310] : memref<8x128xi32, #tpu.memory_space<vmem>> -> memref<1x128xi32, #tpu.memory_space<vmem>>
        %dma_start3A_312 = tpu.memref_squeeze %dma_start3A_311 : memref<1x128xi32, #tpu.memory_space<vmem>> -> memref<128xi32, #tpu.memory_space<vmem>>
        %dma_start3A_313 = arith.constant 0 : i32
        %dma_start3A_314 = arith.constant 0 : i32
        %dma_start3A_315 = tpu.memref_slice %arg13[%dma_start3A_313, %dma_start3A_314] : memref<10240x128xf32, #tpu.memory_space<vmem_shared>> -> memref<10240x128xf32, #tpu.memory_space<vmem_shared>>
        tpu.enqueue_indirect_dma source(%arg12 : memref<128x128xf32, #tpu.memory_space<vmem>>) target(%dma_start3A_315 : memref<10240x128xf32, #tpu.memory_space<vmem_shared>>) offsets(%dma_start3A_312 : memref<128xi32, #tpu.memory_space<vmem>>) semaphore(%run_scoped3A_309 : memref<!tpu.dma_semaphore, #tpu.memory_space<semaphore_mem>>) {add = true}
        %dma_wait3A_316 = arith.constant 0 : i32
        %dma_wait3A_317 = tpu.memref_slice %arg8[%run_scoped3A_88, %dma_wait3A_316] : memref<8x128xi32, #tpu.memory_space<vmem>> -> memref<1x128xi32, #tpu.memory_space<vmem>>
        %dma_wait3A_318 = tpu.memref_squeeze %dma_wait3A_317 : memref<1x128xi32, #tpu.memory_space<vmem>> -> memref<128xi32, #tpu.memory_space<vmem>>
        %dma_wait3A_319 = arith.constant 0 : i32
        %dma_wait3A_320 = arith.constant 0 : i32
        %dma_wait3A_321 = tpu.memref_slice %arg13[%dma_wait3A_319, %dma_wait3A_320] : memref<10240x128xf32, #tpu.memory_space<vmem_shared>> -> memref<10240x128xf32, #tpu.memory_space<vmem_shared>>
        tpu.wait_indirect_dma semaphore(%run_scoped3A_309 : memref<!tpu.dma_semaphore, #tpu.memory_space<semaphore_mem>>) src(%arg12 : memref<128x128xf32, #tpu.memory_space<vmem>>) dst(%dma_wait3A_321 : memref<10240x128xf32, #tpu.memory_space<vmem_shared>>)
        tpu.yield
      }) : () -> ()
      %dma_start3A_89 = arith.constant 3 : i32
      %dma_start3A_90 = arith.constant 0 : i32
      %dma_start3A_91 = tpu.memref_slice %arg7[%dma_start3A_89, %dma_start3A_90] : memref<8x128xi32, #tpu.memory_space<vmem>> -> memref<1x128xi32, #tpu.memory_space<vmem>>
      %dma_start3A_92 = tpu.memref_squeeze %dma_start3A_91 : memref<1x128xi32, #tpu.memory_space<vmem>> -> memref<128xi32, #tpu.memory_space<vmem>>
      %dma_start3A_93 = arith.constant 0 : i32
      %dma_start3A_94 = arith.constant 0 : i32
      %dma_start3A_95 = tpu.memref_slice %arg2[%dma_start3A_93, %dma_start3A_94] : memref<10240x128xf32, #tpu.memory_space<hbm>> -> memref<10240x128xf32, #tpu.memory_space<hbm>>
      tpu.enqueue_indirect_dma source(%dma_start3A_95 : memref<10240x128xf32, #tpu.memory_space<hbm>>) target(%arg12 : memref<128x128xf32, #tpu.memory_space<vmem>>) offsets(%dma_start3A_92 : memref<128xi32, #tpu.memory_space<vmem>>) semaphore(%arg15 : memref<!tpu.dma_semaphore, #tpu.memory_space<semaphore_mem>>)
      %dma_wait3A_96 = arith.constant 2 : i32
      %dma_wait3A_97 = arith.constant 0 : i32
      %dma_wait3A_98 = tpu.memref_slice %arg7[%dma_wait3A_96, %dma_wait3A_97] : memref<8x128xi32, #tpu.memory_space<vmem>> -> memref<1x128xi32, #tpu.memory_space<vmem>>
      %dma_wait3A_99 = tpu.memref_squeeze %dma_wait3A_98 : memref<1x128xi32, #tpu.memory_space<vmem>> -> memref<128xi32, #tpu.memory_space<vmem>>
      %dma_wait3A_100 = arith.constant 0 : i32
      %dma_wait3A_101 = arith.constant 0 : i32
      %dma_wait3A_102 = tpu.memref_slice %arg2[%dma_wait3A_100, %dma_wait3A_101] : memref<10240x128xf32, #tpu.memory_space<hbm>> -> memref<10240x128xf32, #tpu.memory_space<hbm>>
      tpu.wait_indirect_dma semaphore(%arg14 : memref<!tpu.dma_semaphore, #tpu.memory_space<semaphore_mem>>) src(%dma_wait3A_102 : memref<10240x128xf32, #tpu.memory_space<hbm>>) dst(%arg11 : memref<128x128xf32, #tpu.memory_space<vmem>>)
      %run_scoped3A_103 = arith.constant 2 : i32
      "tpu.region"() ({
        %run_scoped3A_309 = tpu.sem_alloc : memref<!tpu.dma_semaphore, #tpu.memory_space<semaphore_mem>>
        %dma_start3A_310 = arith.constant 0 : i32
        %dma_start3A_311 = tpu.memref_slice %arg8[%run_scoped3A_103, %dma_start3A_310] : memref<8x128xi32, #tpu.memory_space<vmem>> -> memref<1x128xi32, #tpu.memory_space<vmem>>
        %dma_start3A_312 = tpu.memref_squeeze %dma_start3A_311 : memref<1x128xi32, #tpu.memory_space<vmem>> -> memref<128xi32, #tpu.memory_space<vmem>>
        %dma_start3A_313 = arith.constant 0 : i32
        %dma_start3A_314 = arith.constant 0 : i32
        %dma_start3A_315 = tpu.memref_slice %arg13[%dma_start3A_313, %dma_start3A_314] : memref<10240x128xf32, #tpu.memory_space<vmem_shared>> -> memref<10240x128xf32, #tpu.memory_space<vmem_shared>>
        tpu.enqueue_indirect_dma source(%arg11 : memref<128x128xf32, #tpu.memory_space<vmem>>) target(%dma_start3A_315 : memref<10240x128xf32, #tpu.memory_space<vmem_shared>>) offsets(%dma_start3A_312 : memref<128xi32, #tpu.memory_space<vmem>>) semaphore(%run_scoped3A_309 : memref<!tpu.dma_semaphore, #tpu.memory_space<semaphore_mem>>) {add = true}
        %dma_wait3A_316 = arith.constant 0 : i32
        %dma_wait3A_317 = tpu.memref_slice %arg8[%run_scoped3A_103, %dma_wait3A_316] : memref<8x128xi32, #tpu.memory_space<vmem>> -> memref<1x128xi32, #tpu.memory_space<vmem>>
        %dma_wait3A_318 = tpu.memref_squeeze %dma_wait3A_317 : memref<1x128xi32, #tpu.memory_space<vmem>> -> memref<128xi32, #tpu.memory_space<vmem>>
        %dma_wait3A_319 = arith.constant 0 : i32
        %dma_wait3A_320 = arith.constant 0 : i32
        %dma_wait3A_321 = tpu.memref_slice %arg13[%dma_wait3A_319, %dma_wait3A_320] : memref<10240x128xf32, #tpu.memory_space<vmem_shared>> -> memref<10240x128xf32, #tpu.memory_space<vmem_shared>>
        tpu.wait_indirect_dma semaphore(%run_scoped3A_309 : memref<!tpu.dma_semaphore, #tpu.memory_space<semaphore_mem>>) src(%arg11 : memref<128x128xf32, #tpu.memory_space<vmem>>) dst(%dma_wait3A_321 : memref<10240x128xf32, #tpu.memory_space<vmem_shared>>)
        tpu.yield
      }) : () -> ()
      %dma_start3A_104 = arith.constant 4 : i32
      %dma_start3A_105 = arith.constant 0 : i32
      %dma_start3A_106 = tpu.memref_slice %arg7[%dma_start3A_104, %dma_start3A_105] : memref<8x128xi32, #tpu.memory_space<vmem>> -> memref<1x128xi32, #tpu.memory_space<vmem>>
      %dma_start3A_107 = tpu.memref_squeeze %dma_start3A_106 : memref<1x128xi32, #tpu.memory_space<vmem>> -> memref<128xi32, #tpu.memory_space<vmem>>
      %dma_start3A_108 = arith.constant 0 : i32
      %dma_start3A_109 = arith.constant 0 : i32
      %dma_start3A_110 = tpu.memref_slice %arg2[%dma_start3A_108, %dma_start3A_109] : memref<10240x128xf32, #tpu.memory_space<hbm>> -> memref<10240x128xf32, #tpu.memory_space<hbm>>
      tpu.enqueue_indirect_dma source(%dma_start3A_110 : memref<10240x128xf32, #tpu.memory_space<hbm>>) target(%arg11 : memref<128x128xf32, #tpu.memory_space<vmem>>) offsets(%dma_start3A_107 : memref<128xi32, #tpu.memory_space<vmem>>) semaphore(%arg14 : memref<!tpu.dma_semaphore, #tpu.memory_space<semaphore_mem>>)
      %dma_wait3A_111 = arith.constant 3 : i32
      %dma_wait3A_112 = arith.constant 0 : i32
      %dma_wait3A_113 = tpu.memref_slice %arg7[%dma_wait3A_111, %dma_wait3A_112] : memref<8x128xi32, #tpu.memory_space<vmem>> -> memref<1x128xi32, #tpu.memory_space<vmem>>
      %dma_wait3A_114 = tpu.memref_squeeze %dma_wait3A_113 : memref<1x128xi32, #tpu.memory_space<vmem>> -> memref<128xi32, #tpu.memory_space<vmem>>
      %dma_wait3A_115 = arith.constant 0 : i32
      %dma_wait3A_116 = arith.constant 0 : i32
      %dma_wait3A_117 = tpu.memref_slice %arg2[%dma_wait3A_115, %dma_wait3A_116] : memref<10240x128xf32, #tpu.memory_space<hbm>> -> memref<10240x128xf32, #tpu.memory_space<hbm>>
      tpu.wait_indirect_dma semaphore(%arg15 : memref<!tpu.dma_semaphore, #tpu.memory_space<semaphore_mem>>) src(%dma_wait3A_117 : memref<10240x128xf32, #tpu.memory_space<hbm>>) dst(%arg12 : memref<128x128xf32, #tpu.memory_space<vmem>>)
      %run_scoped3A_118 = arith.constant 3 : i32
      "tpu.region"() ({
        %run_scoped3A_309 = tpu.sem_alloc : memref<!tpu.dma_semaphore, #tpu.memory_space<semaphore_mem>>
        %dma_start3A_310 = arith.constant 0 : i32
        %dma_start3A_311 = tpu.memref_slice %arg8[%run_scoped3A_118, %dma_start3A_310] : memref<8x128xi32, #tpu.memory_space<vmem>> -> memref<1x128xi32, #tpu.memory_space<vmem>>
        %dma_start3A_312 = tpu.memref_squeeze %dma_start3A_311 : memref<1x128xi32, #tpu.memory_space<vmem>> -> memref<128xi32, #tpu.memory_space<vmem>>
        %dma_start3A_313 = arith.constant 0 : i32
        %dma_start3A_314 = arith.constant 0 : i32
        %dma_start3A_315 = tpu.memref_slice %arg13[%dma_start3A_313, %dma_start3A_314] : memref<10240x128xf32, #tpu.memory_space<vmem_shared>> -> memref<10240x128xf32, #tpu.memory_space<vmem_shared>>
        tpu.enqueue_indirect_dma source(%arg12 : memref<128x128xf32, #tpu.memory_space<vmem>>) target(%dma_start3A_315 : memref<10240x128xf32, #tpu.memory_space<vmem_shared>>) offsets(%dma_start3A_312 : memref<128xi32, #tpu.memory_space<vmem>>) semaphore(%run_scoped3A_309 : memref<!tpu.dma_semaphore, #tpu.memory_space<semaphore_mem>>) {add = true}
        %dma_wait3A_316 = arith.constant 0 : i32
        %dma_wait3A_317 = tpu.memref_slice %arg8[%run_scoped3A_118, %dma_wait3A_316] : memref<8x128xi32, #tpu.memory_space<vmem>> -> memref<1x128xi32, #tpu.memory_space<vmem>>
        %dma_wait3A_318 = tpu.memref_squeeze %dma_wait3A_317 : memref<1x128xi32, #tpu.memory_space<vmem>> -> memref<128xi32, #tpu.memory_space<vmem>>
        %dma_wait3A_319 = arith.constant 0 : i32
        %dma_wait3A_320 = arith.constant 0 : i32
        %dma_wait3A_321 = tpu.memref_slice %arg13[%dma_wait3A_319, %dma_wait3A_320] : memref<10240x128xf32, #tpu.memory_space<vmem_shared>> -> memref<10240x128xf32, #tpu.memory_space<vmem_shared>>
        tpu.wait_indirect_dma semaphore(%run_scoped3A_309 : memref<!tpu.dma_semaphore, #tpu.memory_space<semaphore_mem>>) src(%arg12 : memref<128x128xf32, #tpu.memory_space<vmem>>) dst(%dma_wait3A_321 : memref<10240x128xf32, #tpu.memory_space<vmem_shared>>)
        tpu.yield
      }) : () -> ()
      %dma_start3A_119 = arith.constant 5 : i32
      %dma_start3A_120 = arith.constant 0 : i32
      %dma_start3A_121 = tpu.memref_slice %arg7[%dma_start3A_119, %dma_start3A_120] : memref<8x128xi32, #tpu.memory_space<vmem>> -> memref<1x128xi32, #tpu.memory_space<vmem>>
      %dma_start3A_122 = tpu.memref_squeeze %dma_start3A_121 : memref<1x128xi32, #tpu.memory_space<vmem>> -> memref<128xi32, #tpu.memory_space<vmem>>
      %dma_start3A_123 = arith.constant 0 : i32
      %dma_start3A_124 = arith.constant 0 : i32
      %dma_start3A_125 = tpu.memref_slice %arg2[%dma_start3A_123, %dma_start3A_124] : memref<10240x128xf32, #tpu.memory_space<hbm>> -> memref<10240x128xf32, #tpu.memory_space<hbm>>
      tpu.enqueue_indirect_dma source(%dma_start3A_125 : memref<10240x128xf32, #tpu.memory_space<hbm>>) target(%arg12 : memref<128x128xf32, #tpu.memory_space<vmem>>) offsets(%dma_start3A_122 : memref<128xi32, #tpu.memory_space<vmem>>) semaphore(%arg15 : memref<!tpu.dma_semaphore, #tpu.memory_space<semaphore_mem>>)
      %dma_wait3A_126 = arith.constant 4 : i32
      %dma_wait3A_127 = arith.constant 0 : i32
      %dma_wait3A_128 = tpu.memref_slice %arg7[%dma_wait3A_126, %dma_wait3A_127] : memref<8x128xi32, #tpu.memory_space<vmem>> -> memref<1x128xi32, #tpu.memory_space<vmem>>
      %dma_wait3A_129 = tpu.memref_squeeze %dma_wait3A_128 : memref<1x128xi32, #tpu.memory_space<vmem>> -> memref<128xi32, #tpu.memory_space<vmem>>
      %dma_wait3A_130 = arith.constant 0 : i32
      %dma_wait3A_131 = arith.constant 0 : i32
      %dma_wait3A_132 = tpu.memref_slice %arg2[%dma_wait3A_130, %dma_wait3A_131] : memref<10240x128xf32, #tpu.memory_space<hbm>> -> memref<10240x128xf32, #tpu.memory_space<hbm>>
      tpu.wait_indirect_dma semaphore(%arg14 : memref<!tpu.dma_semaphore, #tpu.memory_space<semaphore_mem>>) src(%dma_wait3A_132 : memref<10240x128xf32, #tpu.memory_space<hbm>>) dst(%arg11 : memref<128x128xf32, #tpu.memory_space<vmem>>)
      %run_scoped3A_133 = arith.constant 4 : i32
      "tpu.region"() ({
        %run_scoped3A_309 = tpu.sem_alloc : memref<!tpu.dma_semaphore, #tpu.memory_space<semaphore_mem>>
        %dma_start3A_310 = arith.constant 0 : i32
        %dma_start3A_311 = tpu.memref_slice %arg8[%run_scoped3A_133, %dma_start3A_310] : memref<8x128xi32, #tpu.memory_space<vmem>> -> memref<1x128xi32, #tpu.memory_space<vmem>>
        %dma_start3A_312 = tpu.memref_squeeze %dma_start3A_311 : memref<1x128xi32, #tpu.memory_space<vmem>> -> memref<128xi32, #tpu.memory_space<vmem>>
        %dma_start3A_313 = arith.constant 0 : i32
        %dma_start3A_314 = arith.constant 0 : i32
        %dma_start3A_315 = tpu.memref_slice %arg13[%dma_start3A_313, %dma_start3A_314] : memref<10240x128xf32, #tpu.memory_space<vmem_shared>> -> memref<10240x128xf32, #tpu.memory_space<vmem_shared>>
        tpu.enqueue_indirect_dma source(%arg11 : memref<128x128xf32, #tpu.memory_space<vmem>>) target(%dma_start3A_315 : memref<10240x128xf32, #tpu.memory_space<vmem_shared>>) offsets(%dma_start3A_312 : memref<128xi32, #tpu.memory_space<vmem>>) semaphore(%run_scoped3A_309 : memref<!tpu.dma_semaphore, #tpu.memory_space<semaphore_mem>>) {add = true}
        %dma_wait3A_316 = arith.constant 0 : i32
        %dma_wait3A_317 = tpu.memref_slice %arg8[%run_scoped3A_133, %dma_wait3A_316] : memref<8x128xi32, #tpu.memory_space<vmem>> -> memref<1x128xi32, #tpu.memory_space<vmem>>
        %dma_wait3A_318 = tpu.memref_squeeze %dma_wait3A_317 : memref<1x128xi32, #tpu.memory_space<vmem>> -> memref<128xi32, #tpu.memory_space<vmem>>
        %dma_wait3A_319 = arith.constant 0 : i32
        %dma_wait3A_320 = arith.constant 0 : i32
        %dma_wait3A_321 = tpu.memref_slice %arg13[%dma_wait3A_319, %dma_wait3A_320] : memref<10240x128xf32, #tpu.memory_space<vmem_shared>> -> memref<10240x128xf32, #tpu.memory_space<vmem_shared>>
        tpu.wait_indirect_dma semaphore(%run_scoped3A_309 : memref<!tpu.dma_semaphore, #tpu.memory_space<semaphore_mem>>) src(%arg11 : memref<128x128xf32, #tpu.memory_space<vmem>>) dst(%dma_wait3A_321 : memref<10240x128xf32, #tpu.memory_space<vmem_shared>>)
        tpu.yield
      }) : () -> ()
      %dma_start3A_134 = arith.constant 6 : i32
      %dma_start3A_135 = arith.constant 0 : i32
      %dma_start3A_136 = tpu.memref_slice %arg7[%dma_start3A_134, %dma_start3A_135] : memref<8x128xi32, #tpu.memory_space<vmem>> -> memref<1x128xi32, #tpu.memory_space<vmem>>
      %dma_start3A_137 = tpu.memref_squeeze %dma_start3A_136 : memref<1x128xi32, #tpu.memory_space<vmem>> -> memref<128xi32, #tpu.memory_space<vmem>>
      %dma_start3A_138 = arith.constant 0 : i32
      %dma_start3A_139 = arith.constant 0 : i32
      %dma_start3A_140 = tpu.memref_slice %arg2[%dma_start3A_138, %dma_start3A_139] : memref<10240x128xf32, #tpu.memory_space<hbm>> -> memref<10240x128xf32, #tpu.memory_space<hbm>>
      tpu.enqueue_indirect_dma source(%dma_start3A_140 : memref<10240x128xf32, #tpu.memory_space<hbm>>) target(%arg11 : memref<128x128xf32, #tpu.memory_space<vmem>>) offsets(%dma_start3A_137 : memref<128xi32, #tpu.memory_space<vmem>>) semaphore(%arg14 : memref<!tpu.dma_semaphore, #tpu.memory_space<semaphore_mem>>)
      %dma_wait3A_141 = arith.constant 5 : i32
      %dma_wait3A_142 = arith.constant 0 : i32
      %dma_wait3A_143 = tpu.memref_slice %arg7[%dma_wait3A_141, %dma_wait3A_142] : memref<8x128xi32, #tpu.memory_space<vmem>> -> memref<1x128xi32, #tpu.memory_space<vmem>>
      %dma_wait3A_144 = tpu.memref_squeeze %dma_wait3A_143 : memref<1x128xi32, #tpu.memory_space<vmem>> -> memref<128xi32, #tpu.memory_space<vmem>>
      %dma_wait3A_145 = arith.constant 0 : i32
      %dma_wait3A_146 = arith.constant 0 : i32
      %dma_wait3A_147 = tpu.memref_slice %arg2[%dma_wait3A_145, %dma_wait3A_146] : memref<10240x128xf32, #tpu.memory_space<hbm>> -> memref<10240x128xf32, #tpu.memory_space<hbm>>
      tpu.wait_indirect_dma semaphore(%arg15 : memref<!tpu.dma_semaphore, #tpu.memory_space<semaphore_mem>>) src(%dma_wait3A_147 : memref<10240x128xf32, #tpu.memory_space<hbm>>) dst(%arg12 : memref<128x128xf32, #tpu.memory_space<vmem>>)
      %run_scoped3A_148 = arith.constant 5 : i32
      "tpu.region"() ({
        %run_scoped3A_309 = tpu.sem_alloc : memref<!tpu.dma_semaphore, #tpu.memory_space<semaphore_mem>>
        %dma_start3A_310 = arith.constant 0 : i32
        %dma_start3A_311 = tpu.memref_slice %arg8[%run_scoped3A_148, %dma_start3A_310] : memref<8x128xi32, #tpu.memory_space<vmem>> -> memref<1x128xi32, #tpu.memory_space<vmem>>
        %dma_start3A_312 = tpu.memref_squeeze %dma_start3A_311 : memref<1x128xi32, #tpu.memory_space<vmem>> -> memref<128xi32, #tpu.memory_space<vmem>>
        %dma_start3A_313 = arith.constant 0 : i32
        %dma_start3A_314 = arith.constant 0 : i32
        %dma_start3A_315 = tpu.memref_slice %arg13[%dma_start3A_313, %dma_start3A_314] : memref<10240x128xf32, #tpu.memory_space<vmem_shared>> -> memref<10240x128xf32, #tpu.memory_space<vmem_shared>>
        tpu.enqueue_indirect_dma source(%arg12 : memref<128x128xf32, #tpu.memory_space<vmem>>) target(%dma_start3A_315 : memref<10240x128xf32, #tpu.memory_space<vmem_shared>>) offsets(%dma_start3A_312 : memref<128xi32, #tpu.memory_space<vmem>>) semaphore(%run_scoped3A_309 : memref<!tpu.dma_semaphore, #tpu.memory_space<semaphore_mem>>) {add = true}
        %dma_wait3A_316 = arith.constant 0 : i32
        %dma_wait3A_317 = tpu.memref_slice %arg8[%run_scoped3A_148, %dma_wait3A_316] : memref<8x128xi32, #tpu.memory_space<vmem>> -> memref<1x128xi32, #tpu.memory_space<vmem>>
        %dma_wait3A_318 = tpu.memref_squeeze %dma_wait3A_317 : memref<1x128xi32, #tpu.memory_space<vmem>> -> memref<128xi32, #tpu.memory_space<vmem>>
        %dma_wait3A_319 = arith.constant 0 : i32
        %dma_wait3A_320 = arith.constant 0 : i32
        %dma_wait3A_321 = tpu.memref_slice %arg13[%dma_wait3A_319, %dma_wait3A_320] : memref<10240x128xf32, #tpu.memory_space<vmem_shared>> -> memref<10240x128xf32, #tpu.memory_space<vmem_shared>>
        tpu.wait_indirect_dma semaphore(%run_scoped3A_309 : memref<!tpu.dma_semaphore, #tpu.memory_space<semaphore_mem>>) src(%arg12 : memref<128x128xf32, #tpu.memory_space<vmem>>) dst(%dma_wait3A_321 : memref<10240x128xf32, #tpu.memory_space<vmem_shared>>)
        tpu.yield
      }) : () -> ()
      %dma_start3A_149 = arith.constant 7 : i32
      %dma_start3A_150 = arith.constant 0 : i32
      %dma_start3A_151 = tpu.memref_slice %arg7[%dma_start3A_149, %dma_start3A_150] : memref<8x128xi32, #tpu.memory_space<vmem>> -> memref<1x128xi32, #tpu.memory_space<vmem>>
      %dma_start3A_152 = tpu.memref_squeeze %dma_start3A_151 : memref<1x128xi32, #tpu.memory_space<vmem>> -> memref<128xi32, #tpu.memory_space<vmem>>
      %dma_start3A_153 = arith.constant 0 : i32
      %dma_start3A_154 = arith.constant 0 : i32
      %dma_start3A_155 = tpu.memref_slice %arg2[%dma_start3A_153, %dma_start3A_154] : memref<10240x128xf32, #tpu.memory_space<hbm>> -> memref<10240x128xf32, #tpu.memory_space<hbm>>
      tpu.enqueue_indirect_dma source(%dma_start3A_155 : memref<10240x128xf32, #tpu.memory_space<hbm>>) target(%arg12 : memref<128x128xf32, #tpu.memory_space<vmem>>) offsets(%dma_start3A_152 : memref<128xi32, #tpu.memory_space<vmem>>) semaphore(%arg15 : memref<!tpu.dma_semaphore, #tpu.memory_space<semaphore_mem>>)
      %dma_wait3A_156 = arith.constant 6 : i32
      %dma_wait3A_157 = arith.constant 0 : i32
      %dma_wait3A_158 = tpu.memref_slice %arg7[%dma_wait3A_156, %dma_wait3A_157] : memref<8x128xi32, #tpu.memory_space<vmem>> -> memref<1x128xi32, #tpu.memory_space<vmem>>
      %dma_wait3A_159 = tpu.memref_squeeze %dma_wait3A_158 : memref<1x128xi32, #tpu.memory_space<vmem>> -> memref<128xi32, #tpu.memory_space<vmem>>
      %dma_wait3A_160 = arith.constant 0 : i32
      %dma_wait3A_161 = arith.constant 0 : i32
      %dma_wait3A_162 = tpu.memref_slice %arg2[%dma_wait3A_160, %dma_wait3A_161] : memref<10240x128xf32, #tpu.memory_space<hbm>> -> memref<10240x128xf32, #tpu.memory_space<hbm>>
      tpu.wait_indirect_dma semaphore(%arg14 : memref<!tpu.dma_semaphore, #tpu.memory_space<semaphore_mem>>) src(%dma_wait3A_162 : memref<10240x128xf32, #tpu.memory_space<hbm>>) dst(%arg11 : memref<128x128xf32, #tpu.memory_space<vmem>>)
      %run_scoped3A_163 = arith.constant 6 : i32
      "tpu.region"() ({
        %run_scoped3A_309 = tpu.sem_alloc : memref<!tpu.dma_semaphore, #tpu.memory_space<semaphore_mem>>
        %dma_start3A_310 = arith.constant 0 : i32
        %dma_start3A_311 = tpu.memref_slice %arg8[%run_scoped3A_163, %dma_start3A_310] : memref<8x128xi32, #tpu.memory_space<vmem>> -> memref<1x128xi32, #tpu.memory_space<vmem>>
        %dma_start3A_312 = tpu.memref_squeeze %dma_start3A_311 : memref<1x128xi32, #tpu.memory_space<vmem>> -> memref<128xi32, #tpu.memory_space<vmem>>
        %dma_start3A_313 = arith.constant 0 : i32
        %dma_start3A_314 = arith.constant 0 : i32
        %dma_start3A_315 = tpu.memref_slice %arg13[%dma_start3A_313, %dma_start3A_314] : memref<10240x128xf32, #tpu.memory_space<vmem_shared>> -> memref<10240x128xf32, #tpu.memory_space<vmem_shared>>
        tpu.enqueue_indirect_dma source(%arg11 : memref<128x128xf32, #tpu.memory_space<vmem>>) target(%dma_start3A_315 : memref<10240x128xf32, #tpu.memory_space<vmem_shared>>) offsets(%dma_start3A_312 : memref<128xi32, #tpu.memory_space<vmem>>) semaphore(%run_scoped3A_309 : memref<!tpu.dma_semaphore, #tpu.memory_space<semaphore_mem>>) {add = true}
        %dma_wait3A_316 = arith.constant 0 : i32
        %dma_wait3A_317 = tpu.memref_slice %arg8[%run_scoped3A_163, %dma_wait3A_316] : memref<8x128xi32, #tpu.memory_space<vmem>> -> memref<1x128xi32, #tpu.memory_space<vmem>>
        %dma_wait3A_318 = tpu.memref_squeeze %dma_wait3A_317 : memref<1x128xi32, #tpu.memory_space<vmem>> -> memref<128xi32, #tpu.memory_space<vmem>>
        %dma_wait3A_319 = arith.constant 0 : i32
        %dma_wait3A_320 = arith.constant 0 : i32
        %dma_wait3A_321 = tpu.memref_slice %arg13[%dma_wait3A_319, %dma_wait3A_320] : memref<10240x128xf32, #tpu.memory_space<vmem_shared>> -> memref<10240x128xf32, #tpu.memory_space<vmem_shared>>
        tpu.wait_indirect_dma semaphore(%run_scoped3A_309 : memref<!tpu.dma_semaphore, #tpu.memory_space<semaphore_mem>>) src(%arg11 : memref<128x128xf32, #tpu.memory_space<vmem>>) dst(%dma_wait3A_321 : memref<10240x128xf32, #tpu.memory_space<vmem_shared>>)
        tpu.yield
      }) : () -> ()
      %dma_wait3A_164 = arith.constant 7 : i32
      %dma_wait3A_165 = arith.constant 0 : i32
      %dma_wait3A_166 = tpu.memref_slice %arg7[%dma_wait3A_164, %dma_wait3A_165] : memref<8x128xi32, #tpu.memory_space<vmem>> -> memref<1x128xi32, #tpu.memory_space<vmem>>
      %dma_wait3A_167 = tpu.memref_squeeze %dma_wait3A_166 : memref<1x128xi32, #tpu.memory_space<vmem>> -> memref<128xi32, #tpu.memory_space<vmem>>
      %dma_wait3A_168 = arith.constant 0 : i32
      %dma_wait3A_169 = arith.constant 0 : i32
      %dma_wait3A_170 = tpu.memref_slice %arg2[%dma_wait3A_168, %dma_wait3A_169] : memref<10240x128xf32, #tpu.memory_space<hbm>> -> memref<10240x128xf32, #tpu.memory_space<hbm>>
      tpu.wait_indirect_dma semaphore(%arg15 : memref<!tpu.dma_semaphore, #tpu.memory_space<semaphore_mem>>) src(%dma_wait3A_170 : memref<10240x128xf32, #tpu.memory_space<hbm>>) dst(%arg12 : memref<128x128xf32, #tpu.memory_space<vmem>>)
      %run_scoped3A_171 = arith.constant 7 : i32
      "tpu.region"() ({
        %run_scoped3A_309 = tpu.sem_alloc : memref<!tpu.dma_semaphore, #tpu.memory_space<semaphore_mem>>
        %dma_start3A_310 = arith.constant 0 : i32
        %dma_start3A_311 = tpu.memref_slice %arg8[%run_scoped3A_171, %dma_start3A_310] : memref<8x128xi32, #tpu.memory_space<vmem>> -> memref<1x128xi32, #tpu.memory_space<vmem>>
        %dma_start3A_312 = tpu.memref_squeeze %dma_start3A_311 : memref<1x128xi32, #tpu.memory_space<vmem>> -> memref<128xi32, #tpu.memory_space<vmem>>
        %dma_start3A_313 = arith.constant 0 : i32
        %dma_start3A_314 = arith.constant 0 : i32
        %dma_start3A_315 = tpu.memref_slice %arg13[%dma_start3A_313, %dma_start3A_314] : memref<10240x128xf32, #tpu.memory_space<vmem_shared>> -> memref<10240x128xf32, #tpu.memory_space<vmem_shared>>
        tpu.enqueue_indirect_dma source(%arg12 : memref<128x128xf32, #tpu.memory_space<vmem>>) target(%dma_start3A_315 : memref<10240x128xf32, #tpu.memory_space<vmem_shared>>) offsets(%dma_start3A_312 : memref<128xi32, #tpu.memory_space<vmem>>) semaphore(%run_scoped3A_309 : memref<!tpu.dma_semaphore, #tpu.memory_space<semaphore_mem>>) {add = true}
        %dma_wait3A_316 = arith.constant 0 : i32
        %dma_wait3A_317 = tpu.memref_slice %arg8[%run_scoped3A_171, %dma_wait3A_316] : memref<8x128xi32, #tpu.memory_space<vmem>> -> memref<1x128xi32, #tpu.memory_space<vmem>>
        %dma_wait3A_318 = tpu.memref_squeeze %dma_wait3A_317 : memref<1x128xi32, #tpu.memory_space<vmem>> -> memref<128xi32, #tpu.memory_space<vmem>>
        %dma_wait3A_319 = arith.constant 0 : i32
        %dma_wait3A_320 = arith.constant 0 : i32
        %dma_wait3A_321 = tpu.memref_slice %arg13[%dma_wait3A_319, %dma_wait3A_320] : memref<10240x128xf32, #tpu.memory_space<vmem_shared>> -> memref<10240x128xf32, #tpu.memory_space<vmem_shared>>
        tpu.wait_indirect_dma semaphore(%run_scoped3A_309 : memref<!tpu.dma_semaphore, #tpu.memory_space<semaphore_mem>>) src(%arg12 : memref<128x128xf32, #tpu.memory_space<vmem>>) dst(%dma_wait3A_321 : memref<10240x128xf32, #tpu.memory_space<vmem_shared>>)
        tpu.yield
      }) : () -> ()
      %add3A_172 = arith.constant 1 : i32
      %add3A_173 = arith.addi %mul3A_29, %add3A_172 : i32
      %mul3A_174 = arith.constant 8 : i32
      %mul3A_175 = arith.muli %add3A_173, %mul3A_174 : i32
      %add3A_176 = arith.addi %mul3A_2, %mul3A_175 : i32
      %dma_wait3A_177 = arith.constant 0 : i32
      %dma_wait3A_178 = tpu.memref_slice %arg3[%add3A_176, %dma_wait3A_177] : memref<2560x128xi32, #tpu.memory_space<hbm>> -> memref<8x128xi32, #tpu.memory_space<hbm>>
      %dma_wait3A_179 = arith.constant 0 : i32
      %dma_wait3A_180 = tpu.memref_slice %arg3[%add3A_176, %dma_wait3A_179] : memref<2560x128xi32, #tpu.memory_space<hbm>> -> memref<8x128xi32, #tpu.memory_space<hbm>>
      tpu.wait_dma2 semaphore(%arg17 : memref<!tpu.dma_semaphore, #tpu.memory_space<semaphore_mem>>) src(%dma_wait3A_180 : memref<8x128xi32, #tpu.memory_space<hbm>>) dst(%arg9 : memref<8x128xi32, #tpu.memory_space<vmem>>)
      %dma_wait3A_181 = arith.constant 0 : i32
      %dma_wait3A_182 = tpu.memref_slice %arg4[%add3A_176, %dma_wait3A_181] : memref<2560x128xi32, #tpu.memory_space<hbm>> -> memref<8x128xi32, #tpu.memory_space<hbm>>
      %dma_wait3A_183 = arith.constant 0 : i32
      %dma_wait3A_184 = tpu.memref_slice %arg4[%add3A_176, %dma_wait3A_183] : memref<2560x128xi32, #tpu.memory_space<hbm>> -> memref<8x128xi32, #tpu.memory_space<hbm>>
      tpu.wait_dma2 semaphore(%arg17 : memref<!tpu.dma_semaphore, #tpu.memory_space<semaphore_mem>>) src(%dma_wait3A_184 : memref<8x128xi32, #tpu.memory_space<hbm>>) dst(%arg10 : memref<8x128xi32, #tpu.memory_space<vmem>>)
      %add3A_185 = arith.constant 2 : i32
      %add3A_186 = arith.addi %mul3A_29, %add3A_185 : i32
      %lt3A = arith.constant 10 : i32
      %lt3A_187 = arith.cmpi slt, %add3A_186, %lt3A : i32
      %convert_element_type3A = arith.extui %lt3A_187 : i1 to i32
      %cond3A = arith.constant 0 : i32
      %cond3A_188 = arith.cmpi ne, %convert_element_type3A, %cond3A : i32
      scf.if %cond3A_188 {
        %add3A_309 = arith.constant 2 : i32
        %add3A_310 = arith.addi %mul3A_29, %add3A_309 : i32
        %mul3A_311 = arith.constant 8 : i32
        %mul3A_312 = arith.muli %add3A_310, %mul3A_311 : i32
        %add3A_313 = arith.addi %mul3A_2, %mul3A_312 : i32
        %dma_start3A_314 = arith.constant 0 : i32
        %dma_start3A_315 = tpu.memref_slice %arg3[%add3A_313, %dma_start3A_314] : memref<2560x128xi32, #tpu.memory_space<hbm>> -> memref<8x128xi32, #tpu.memory_space<hbm>>
        %dma_start3A_316 = arith.constant 0 : i32
        %dma_start3A_317 = tpu.memref_slice %arg3[%add3A_313, %dma_start3A_316] : memref<2560x128xi32, #tpu.memory_space<hbm>> -> memref<8x128xi32, #tpu.memory_space<hbm>>
        tpu.enqueue_dma source(%dma_start3A_317 : memref<8x128xi32, #tpu.memory_space<hbm>>) target(%arg7 : memref<8x128xi32, #tpu.memory_space<vmem>>) target_semaphore(%arg16 : memref<!tpu.dma_semaphore, #tpu.memory_space<semaphore_mem>>)
        %dma_start3A_318 = arith.constant 0 : i32
        %dma_start3A_319 = tpu.memref_slice %arg4[%add3A_313, %dma_start3A_318] : memref<2560x128xi32, #tpu.memory_space<hbm>> -> memref<8x128xi32, #tpu.memory_space<hbm>>
        %dma_start3A_320 = arith.constant 0 : i32
        %dma_start3A_321 = tpu.memref_slice %arg4[%add3A_313, %dma_start3A_320] : memref<2560x128xi32, #tpu.memory_space<hbm>> -> memref<8x128xi32, #tpu.memory_space<hbm>>
        tpu.enqueue_dma source(%dma_start3A_321 : memref<8x128xi32, #tpu.memory_space<hbm>>) target(%arg8 : memref<8x128xi32, #tpu.memory_space<vmem>>) target_semaphore(%arg16 : memref<!tpu.dma_semaphore, #tpu.memory_space<semaphore_mem>>)
      } else {
      }
      %dma_start3A_189 = arith.constant 0 : i32
      %dma_start3A_190 = arith.constant 0 : i32
      %dma_start3A_191 = tpu.memref_slice %arg9[%dma_start3A_189, %dma_start3A_190] : memref<8x128xi32, #tpu.memory_space<vmem>> -> memref<1x128xi32, #tpu.memory_space<vmem>>
      %dma_start3A_192 = tpu.memref_squeeze %dma_start3A_191 : memref<1x128xi32, #tpu.memory_space<vmem>> -> memref<128xi32, #tpu.memory_space<vmem>>
      %dma_start3A_193 = arith.constant 0 : i32
      %dma_start3A_194 = arith.constant 0 : i32
      %dma_start3A_195 = tpu.memref_slice %arg2[%dma_start3A_193, %dma_start3A_194] : memref<10240x128xf32, #tpu.memory_space<hbm>> -> memref<10240x128xf32, #tpu.memory_space<hbm>>
      tpu.enqueue_indirect_dma source(%dma_start3A_195 : memref<10240x128xf32, #tpu.memory_space<hbm>>) target(%arg11 : memref<128x128xf32, #tpu.memory_space<vmem>>) offsets(%dma_start3A_192 : memref<128xi32, #tpu.memory_space<vmem>>) semaphore(%arg14 : memref<!tpu.dma_semaphore, #tpu.memory_space<semaphore_mem>>)
      %dma_start3A_196 = arith.constant 1 : i32
      %dma_start3A_197 = arith.constant 0 : i32
      %dma_start3A_198 = tpu.memref_slice %arg9[%dma_start3A_196, %dma_start3A_197] : memref<8x128xi32, #tpu.memory_space<vmem>> -> memref<1x128xi32, #tpu.memory_space<vmem>>
      %dma_start3A_199 = tpu.memref_squeeze %dma_start3A_198 : memref<1x128xi32, #tpu.memory_space<vmem>> -> memref<128xi32, #tpu.memory_space<vmem>>
      %dma_start3A_200 = arith.constant 0 : i32
      %dma_start3A_201 = arith.constant 0 : i32
      %dma_start3A_202 = tpu.memref_slice %arg2[%dma_start3A_200, %dma_start3A_201] : memref<10240x128xf32, #tpu.memory_space<hbm>> -> memref<10240x128xf32, #tpu.memory_space<hbm>>
      tpu.enqueue_indirect_dma source(%dma_start3A_202 : memref<10240x128xf32, #tpu.memory_space<hbm>>) target(%arg12 : memref<128x128xf32, #tpu.memory_space<vmem>>) offsets(%dma_start3A_199 : memref<128xi32, #tpu.memory_space<vmem>>) semaphore(%arg15 : memref<!tpu.dma_semaphore, #tpu.memory_space<semaphore_mem>>)
      %dma_wait3A_203 = arith.constant 0 : i32
      %dma_wait3A_204 = arith.constant 0 : i32
      %dma_wait3A_205 = tpu.memref_slice %arg9[%dma_wait3A_203, %dma_wait3A_204] : memref<8x128xi32, #tpu.memory_space<vmem>> -> memref<1x128xi32, #tpu.memory_space<vmem>>
      %dma_wait3A_206 = tpu.memref_squeeze %dma_wait3A_205 : memref<1x128xi32, #tpu.memory_space<vmem>> -> memref<128xi32, #tpu.memory_space<vmem>>
      %dma_wait3A_207 = arith.constant 0 : i32
      %dma_wait3A_208 = arith.constant 0 : i32
      %dma_wait3A_209 = tpu.memref_slice %arg2[%dma_wait3A_207, %dma_wait3A_208] : memref<10240x128xf32, #tpu.memory_space<hbm>> -> memref<10240x128xf32, #tpu.memory_space<hbm>>
      tpu.wait_indirect_dma semaphore(%arg14 : memref<!tpu.dma_semaphore, #tpu.memory_space<semaphore_mem>>) src(%dma_wait3A_209 : memref<10240x128xf32, #tpu.memory_space<hbm>>) dst(%arg11 : memref<128x128xf32, #tpu.memory_space<vmem>>)
      %run_scoped3A_210 = arith.constant 0 : i32
      "tpu.region"() ({
        %run_scoped3A_309 = tpu.sem_alloc : memref<!tpu.dma_semaphore, #tpu.memory_space<semaphore_mem>>
        %dma_start3A_310 = arith.constant 0 : i32
        %dma_start3A_311 = tpu.memref_slice %arg10[%run_scoped3A_210, %dma_start3A_310] : memref<8x128xi32, #tpu.memory_space<vmem>> -> memref<1x128xi32, #tpu.memory_space<vmem>>
        %dma_start3A_312 = tpu.memref_squeeze %dma_start3A_311 : memref<1x128xi32, #tpu.memory_space<vmem>> -> memref<128xi32, #tpu.memory_space<vmem>>
        %dma_start3A_313 = arith.constant 0 : i32
        %dma_start3A_314 = arith.constant 0 : i32
        %dma_start3A_315 = tpu.memref_slice %arg13[%dma_start3A_313, %dma_start3A_314] : memref<10240x128xf32, #tpu.memory_space<vmem_shared>> -> memref<10240x128xf32, #tpu.memory_space<vmem_shared>>
        tpu.enqueue_indirect_dma source(%arg11 : memref<128x128xf32, #tpu.memory_space<vmem>>) target(%dma_start3A_315 : memref<10240x128xf32, #tpu.memory_space<vmem_shared>>) offsets(%dma_start3A_312 : memref<128xi32, #tpu.memory_space<vmem>>) semaphore(%run_scoped3A_309 : memref<!tpu.dma_semaphore, #tpu.memory_space<semaphore_mem>>) {add = true}
        %dma_wait3A_316 = arith.constant 0 : i32
        %dma_wait3A_317 = tpu.memref_slice %arg10[%run_scoped3A_210, %dma_wait3A_316] : memref<8x128xi32, #tpu.memory_space<vmem>> -> memref<1x128xi32, #tpu.memory_space<vmem>>
        %dma_wait3A_318 = tpu.memref_squeeze %dma_wait3A_317 : memref<1x128xi32, #tpu.memory_space<vmem>> -> memref<128xi32, #tpu.memory_space<vmem>>
        %dma_wait3A_319 = arith.constant 0 : i32
        %dma_wait3A_320 = arith.constant 0 : i32
        %dma_wait3A_321 = tpu.memref_slice %arg13[%dma_wait3A_319, %dma_wait3A_320] : memref<10240x128xf32, #tpu.memory_space<vmem_shared>> -> memref<10240x128xf32, #tpu.memory_space<vmem_shared>>
        tpu.wait_indirect_dma semaphore(%run_scoped3A_309 : memref<!tpu.dma_semaphore, #tpu.memory_space<semaphore_mem>>) src(%arg11 : memref<128x128xf32, #tpu.memory_space<vmem>>) dst(%dma_wait3A_321 : memref<10240x128xf32, #tpu.memory_space<vmem_shared>>)
        tpu.yield
      }) : () -> ()
      %dma_start3A_211 = arith.constant 2 : i32
      %dma_start3A_212 = arith.constant 0 : i32
      %dma_start3A_213 = tpu.memref_slice %arg9[%dma_start3A_211, %dma_start3A_212] : memref<8x128xi32, #tpu.memory_space<vmem>> -> memref<1x128xi32, #tpu.memory_space<vmem>>
      %dma_start3A_214 = tpu.memref_squeeze %dma_start3A_213 : memref<1x128xi32, #tpu.memory_space<vmem>> -> memref<128xi32, #tpu.memory_space<vmem>>
      %dma_start3A_215 = arith.constant 0 : i32
      %dma_start3A_216 = arith.constant 0 : i32
      %dma_start3A_217 = tpu.memref_slice %arg2[%dma_start3A_215, %dma_start3A_216] : memref<10240x128xf32, #tpu.memory_space<hbm>> -> memref<10240x128xf32, #tpu.memory_space<hbm>>
      tpu.enqueue_indirect_dma source(%dma_start3A_217 : memref<10240x128xf32, #tpu.memory_space<hbm>>) target(%arg11 : memref<128x128xf32, #tpu.memory_space<vmem>>) offsets(%dma_start3A_214 : memref<128xi32, #tpu.memory_space<vmem>>) semaphore(%arg14 : memref<!tpu.dma_semaphore, #tpu.memory_space<semaphore_mem>>)
      %dma_wait3A_218 = arith.constant 1 : i32
      %dma_wait3A_219 = arith.constant 0 : i32
      %dma_wait3A_220 = tpu.memref_slice %arg9[%dma_wait3A_218, %dma_wait3A_219] : memref<8x128xi32, #tpu.memory_space<vmem>> -> memref<1x128xi32, #tpu.memory_space<vmem>>
      %dma_wait3A_221 = tpu.memref_squeeze %dma_wait3A_220 : memref<1x128xi32, #tpu.memory_space<vmem>> -> memref<128xi32, #tpu.memory_space<vmem>>
      %dma_wait3A_222 = arith.constant 0 : i32
      %dma_wait3A_223 = arith.constant 0 : i32
      %dma_wait3A_224 = tpu.memref_slice %arg2[%dma_wait3A_222, %dma_wait3A_223] : memref<10240x128xf32, #tpu.memory_space<hbm>> -> memref<10240x128xf32, #tpu.memory_space<hbm>>
      tpu.wait_indirect_dma semaphore(%arg15 : memref<!tpu.dma_semaphore, #tpu.memory_space<semaphore_mem>>) src(%dma_wait3A_224 : memref<10240x128xf32, #tpu.memory_space<hbm>>) dst(%arg12 : memref<128x128xf32, #tpu.memory_space<vmem>>)
      %run_scoped3A_225 = arith.constant 1 : i32
      "tpu.region"() ({
        %run_scoped3A_309 = tpu.sem_alloc : memref<!tpu.dma_semaphore, #tpu.memory_space<semaphore_mem>>
        %dma_start3A_310 = arith.constant 0 : i32
        %dma_start3A_311 = tpu.memref_slice %arg10[%run_scoped3A_225, %dma_start3A_310] : memref<8x128xi32, #tpu.memory_space<vmem>> -> memref<1x128xi32, #tpu.memory_space<vmem>>
        %dma_start3A_312 = tpu.memref_squeeze %dma_start3A_311 : memref<1x128xi32, #tpu.memory_space<vmem>> -> memref<128xi32, #tpu.memory_space<vmem>>
        %dma_start3A_313 = arith.constant 0 : i32
        %dma_start3A_314 = arith.constant 0 : i32
        %dma_start3A_315 = tpu.memref_slice %arg13[%dma_start3A_313, %dma_start3A_314] : memref<10240x128xf32, #tpu.memory_space<vmem_shared>> -> memref<10240x128xf32, #tpu.memory_space<vmem_shared>>
        tpu.enqueue_indirect_dma source(%arg12 : memref<128x128xf32, #tpu.memory_space<vmem>>) target(%dma_start3A_315 : memref<10240x128xf32, #tpu.memory_space<vmem_shared>>) offsets(%dma_start3A_312 : memref<128xi32, #tpu.memory_space<vmem>>) semaphore(%run_scoped3A_309 : memref<!tpu.dma_semaphore, #tpu.memory_space<semaphore_mem>>) {add = true}
        %dma_wait3A_316 = arith.constant 0 : i32
        %dma_wait3A_317 = tpu.memref_slice %arg10[%run_scoped3A_225, %dma_wait3A_316] : memref<8x128xi32, #tpu.memory_space<vmem>> -> memref<1x128xi32, #tpu.memory_space<vmem>>
        %dma_wait3A_318 = tpu.memref_squeeze %dma_wait3A_317 : memref<1x128xi32, #tpu.memory_space<vmem>> -> memref<128xi32, #tpu.memory_space<vmem>>
        %dma_wait3A_319 = arith.constant 0 : i32
        %dma_wait3A_320 = arith.constant 0 : i32
        %dma_wait3A_321 = tpu.memref_slice %arg13[%dma_wait3A_319, %dma_wait3A_320] : memref<10240x128xf32, #tpu.memory_space<vmem_shared>> -> memref<10240x128xf32, #tpu.memory_space<vmem_shared>>
        tpu.wait_indirect_dma semaphore(%run_scoped3A_309 : memref<!tpu.dma_semaphore, #tpu.memory_space<semaphore_mem>>) src(%arg12 : memref<128x128xf32, #tpu.memory_space<vmem>>) dst(%dma_wait3A_321 : memref<10240x128xf32, #tpu.memory_space<vmem_shared>>)
        tpu.yield
      }) : () -> ()
      %dma_start3A_226 = arith.constant 3 : i32
      %dma_start3A_227 = arith.constant 0 : i32
      %dma_start3A_228 = tpu.memref_slice %arg9[%dma_start3A_226, %dma_start3A_227] : memref<8x128xi32, #tpu.memory_space<vmem>> -> memref<1x128xi32, #tpu.memory_space<vmem>>
      %dma_start3A_229 = tpu.memref_squeeze %dma_start3A_228 : memref<1x128xi32, #tpu.memory_space<vmem>> -> memref<128xi32, #tpu.memory_space<vmem>>
      %dma_start3A_230 = arith.constant 0 : i32
      %dma_start3A_231 = arith.constant 0 : i32
      %dma_start3A_232 = tpu.memref_slice %arg2[%dma_start3A_230, %dma_start3A_231] : memref<10240x128xf32, #tpu.memory_space<hbm>> -> memref<10240x128xf32, #tpu.memory_space<hbm>>
      tpu.enqueue_indirect_dma source(%dma_start3A_232 : memref<10240x128xf32, #tpu.memory_space<hbm>>) target(%arg12 : memref<128x128xf32, #tpu.memory_space<vmem>>) offsets(%dma_start3A_229 : memref<128xi32, #tpu.memory_space<vmem>>) semaphore(%arg15 : memref<!tpu.dma_semaphore, #tpu.memory_space<semaphore_mem>>)
      %dma_wait3A_233 = arith.constant 2 : i32
      %dma_wait3A_234 = arith.constant 0 : i32
      %dma_wait3A_235 = tpu.memref_slice %arg9[%dma_wait3A_233, %dma_wait3A_234] : memref<8x128xi32, #tpu.memory_space<vmem>> -> memref<1x128xi32, #tpu.memory_space<vmem>>
      %dma_wait3A_236 = tpu.memref_squeeze %dma_wait3A_235 : memref<1x128xi32, #tpu.memory_space<vmem>> -> memref<128xi32, #tpu.memory_space<vmem>>
      %dma_wait3A_237 = arith.constant 0 : i32
      %dma_wait3A_238 = arith.constant 0 : i32
      %dma_wait3A_239 = tpu.memref_slice %arg2[%dma_wait3A_237, %dma_wait3A_238] : memref<10240x128xf32, #tpu.memory_space<hbm>> -> memref<10240x128xf32, #tpu.memory_space<hbm>>
      tpu.wait_indirect_dma semaphore(%arg14 : memref<!tpu.dma_semaphore, #tpu.memory_space<semaphore_mem>>) src(%dma_wait3A_239 : memref<10240x128xf32, #tpu.memory_space<hbm>>) dst(%arg11 : memref<128x128xf32, #tpu.memory_space<vmem>>)
      %run_scoped3A_240 = arith.constant 2 : i32
      "tpu.region"() ({
        %run_scoped3A_309 = tpu.sem_alloc : memref<!tpu.dma_semaphore, #tpu.memory_space<semaphore_mem>>
        %dma_start3A_310 = arith.constant 0 : i32
        %dma_start3A_311 = tpu.memref_slice %arg10[%run_scoped3A_240, %dma_start3A_310] : memref<8x128xi32, #tpu.memory_space<vmem>> -> memref<1x128xi32, #tpu.memory_space<vmem>>
        %dma_start3A_312 = tpu.memref_squeeze %dma_start3A_311 : memref<1x128xi32, #tpu.memory_space<vmem>> -> memref<128xi32, #tpu.memory_space<vmem>>
        %dma_start3A_313 = arith.constant 0 : i32
        %dma_start3A_314 = arith.constant 0 : i32
        %dma_start3A_315 = tpu.memref_slice %arg13[%dma_start3A_313, %dma_start3A_314] : memref<10240x128xf32, #tpu.memory_space<vmem_shared>> -> memref<10240x128xf32, #tpu.memory_space<vmem_shared>>
        tpu.enqueue_indirect_dma source(%arg11 : memref<128x128xf32, #tpu.memory_space<vmem>>) target(%dma_start3A_315 : memref<10240x128xf32, #tpu.memory_space<vmem_shared>>) offsets(%dma_start3A_312 : memref<128xi32, #tpu.memory_space<vmem>>) semaphore(%run_scoped3A_309 : memref<!tpu.dma_semaphore, #tpu.memory_space<semaphore_mem>>) {add = true}
        %dma_wait3A_316 = arith.constant 0 : i32
        %dma_wait3A_317 = tpu.memref_slice %arg10[%run_scoped3A_240, %dma_wait3A_316] : memref<8x128xi32, #tpu.memory_space<vmem>> -> memref<1x128xi32, #tpu.memory_space<vmem>>
        %dma_wait3A_318 = tpu.memref_squeeze %dma_wait3A_317 : memref<1x128xi32, #tpu.memory_space<vmem>> -> memref<128xi32, #tpu.memory_space<vmem>>
        %dma_wait3A_319 = arith.constant 0 : i32
        %dma_wait3A_320 = arith.constant 0 : i32
        %dma_wait3A_321 = tpu.memref_slice %arg13[%dma_wait3A_319, %dma_wait3A_320] : memref<10240x128xf32, #tpu.memory_space<vmem_shared>> -> memref<10240x128xf32, #tpu.memory_space<vmem_shared>>
        tpu.wait_indirect_dma semaphore(%run_scoped3A_309 : memref<!tpu.dma_semaphore, #tpu.memory_space<semaphore_mem>>) src(%arg11 : memref<128x128xf32, #tpu.memory_space<vmem>>) dst(%dma_wait3A_321 : memref<10240x128xf32, #tpu.memory_space<vmem_shared>>)
        tpu.yield
      }) : () -> ()
      %dma_start3A_241 = arith.constant 4 : i32
      %dma_start3A_242 = arith.constant 0 : i32
      %dma_start3A_243 = tpu.memref_slice %arg9[%dma_start3A_241, %dma_start3A_242] : memref<8x128xi32, #tpu.memory_space<vmem>> -> memref<1x128xi32, #tpu.memory_space<vmem>>
      %dma_start3A_244 = tpu.memref_squeeze %dma_start3A_243 : memref<1x128xi32, #tpu.memory_space<vmem>> -> memref<128xi32, #tpu.memory_space<vmem>>
      %dma_start3A_245 = arith.constant 0 : i32
      %dma_start3A_246 = arith.constant 0 : i32
      %dma_start3A_247 = tpu.memref_slice %arg2[%dma_start3A_245, %dma_start3A_246] : memref<10240x128xf32, #tpu.memory_space<hbm>> -> memref<10240x128xf32, #tpu.memory_space<hbm>>
      tpu.enqueue_indirect_dma source(%dma_start3A_247 : memref<10240x128xf32, #tpu.memory_space<hbm>>) target(%arg11 : memref<128x128xf32, #tpu.memory_space<vmem>>) offsets(%dma_start3A_244 : memref<128xi32, #tpu.memory_space<vmem>>) semaphore(%arg14 : memref<!tpu.dma_semaphore, #tpu.memory_space<semaphore_mem>>)
      %dma_wait3A_248 = arith.constant 3 : i32
      %dma_wait3A_249 = arith.constant 0 : i32
      %dma_wait3A_250 = tpu.memref_slice %arg9[%dma_wait3A_248, %dma_wait3A_249] : memref<8x128xi32, #tpu.memory_space<vmem>> -> memref<1x128xi32, #tpu.memory_space<vmem>>
      %dma_wait3A_251 = tpu.memref_squeeze %dma_wait3A_250 : memref<1x128xi32, #tpu.memory_space<vmem>> -> memref<128xi32, #tpu.memory_space<vmem>>
      %dma_wait3A_252 = arith.constant 0 : i32
      %dma_wait3A_253 = arith.constant 0 : i32
      %dma_wait3A_254 = tpu.memref_slice %arg2[%dma_wait3A_252, %dma_wait3A_253] : memref<10240x128xf32, #tpu.memory_space<hbm>> -> memref<10240x128xf32, #tpu.memory_space<hbm>>
      tpu.wait_indirect_dma semaphore(%arg15 : memref<!tpu.dma_semaphore, #tpu.memory_space<semaphore_mem>>) src(%dma_wait3A_254 : memref<10240x128xf32, #tpu.memory_space<hbm>>) dst(%arg12 : memref<128x128xf32, #tpu.memory_space<vmem>>)
      %run_scoped3A_255 = arith.constant 3 : i32
      "tpu.region"() ({
        %run_scoped3A_309 = tpu.sem_alloc : memref<!tpu.dma_semaphore, #tpu.memory_space<semaphore_mem>>
        %dma_start3A_310 = arith.constant 0 : i32
        %dma_start3A_311 = tpu.memref_slice %arg10[%run_scoped3A_255, %dma_start3A_310] : memref<8x128xi32, #tpu.memory_space<vmem>> -> memref<1x128xi32, #tpu.memory_space<vmem>>
        %dma_start3A_312 = tpu.memref_squeeze %dma_start3A_311 : memref<1x128xi32, #tpu.memory_space<vmem>> -> memref<128xi32, #tpu.memory_space<vmem>>
        %dma_start3A_313 = arith.constant 0 : i32
        %dma_start3A_314 = arith.constant 0 : i32
        %dma_start3A_315 = tpu.memref_slice %arg13[%dma_start3A_313, %dma_start3A_314] : memref<10240x128xf32, #tpu.memory_space<vmem_shared>> -> memref<10240x128xf32, #tpu.memory_space<vmem_shared>>
        tpu.enqueue_indirect_dma source(%arg12 : memref<128x128xf32, #tpu.memory_space<vmem>>) target(%dma_start3A_315 : memref<10240x128xf32, #tpu.memory_space<vmem_shared>>) offsets(%dma_start3A_312 : memref<128xi32, #tpu.memory_space<vmem>>) semaphore(%run_scoped3A_309 : memref<!tpu.dma_semaphore, #tpu.memory_space<semaphore_mem>>) {add = true}
        %dma_wait3A_316 = arith.constant 0 : i32
        %dma_wait3A_317 = tpu.memref_slice %arg10[%run_scoped3A_255, %dma_wait3A_316] : memref<8x128xi32, #tpu.memory_space<vmem>> -> memref<1x128xi32, #tpu.memory_space<vmem>>
        %dma_wait3A_318 = tpu.memref_squeeze %dma_wait3A_317 : memref<1x128xi32, #tpu.memory_space<vmem>> -> memref<128xi32, #tpu.memory_space<vmem>>
        %dma_wait3A_319 = arith.constant 0 : i32
        %dma_wait3A_320 = arith.constant 0 : i32
        %dma_wait3A_321 = tpu.memref_slice %arg13[%dma_wait3A_319, %dma_wait3A_320] : memref<10240x128xf32, #tpu.memory_space<vmem_shared>> -> memref<10240x128xf32, #tpu.memory_space<vmem_shared>>
        tpu.wait_indirect_dma semaphore(%run_scoped3A_309 : memref<!tpu.dma_semaphore, #tpu.memory_space<semaphore_mem>>) src(%arg12 : memref<128x128xf32, #tpu.memory_space<vmem>>) dst(%dma_wait3A_321 : memref<10240x128xf32, #tpu.memory_space<vmem_shared>>)
        tpu.yield
      }) : () -> ()
      %dma_start3A_256 = arith.constant 5 : i32
      %dma_start3A_257 = arith.constant 0 : i32
      %dma_start3A_258 = tpu.memref_slice %arg9[%dma_start3A_256, %dma_start3A_257] : memref<8x128xi32, #tpu.memory_space<vmem>> -> memref<1x128xi32, #tpu.memory_space<vmem>>
      %dma_start3A_259 = tpu.memref_squeeze %dma_start3A_258 : memref<1x128xi32, #tpu.memory_space<vmem>> -> memref<128xi32, #tpu.memory_space<vmem>>
      %dma_start3A_260 = arith.constant 0 : i32
      %dma_start3A_261 = arith.constant 0 : i32
      %dma_start3A_262 = tpu.memref_slice %arg2[%dma_start3A_260, %dma_start3A_261] : memref<10240x128xf32, #tpu.memory_space<hbm>> -> memref<10240x128xf32, #tpu.memory_space<hbm>>
      tpu.enqueue_indirect_dma source(%dma_start3A_262 : memref<10240x128xf32, #tpu.memory_space<hbm>>) target(%arg12 : memref<128x128xf32, #tpu.memory_space<vmem>>) offsets(%dma_start3A_259 : memref<128xi32, #tpu.memory_space<vmem>>) semaphore(%arg15 : memref<!tpu.dma_semaphore, #tpu.memory_space<semaphore_mem>>)
      %dma_wait3A_263 = arith.constant 4 : i32
      %dma_wait3A_264 = arith.constant 0 : i32
      %dma_wait3A_265 = tpu.memref_slice %arg9[%dma_wait3A_263, %dma_wait3A_264] : memref<8x128xi32, #tpu.memory_space<vmem>> -> memref<1x128xi32, #tpu.memory_space<vmem>>
      %dma_wait3A_266 = tpu.memref_squeeze %dma_wait3A_265 : memref<1x128xi32, #tpu.memory_space<vmem>> -> memref<128xi32, #tpu.memory_space<vmem>>
      %dma_wait3A_267 = arith.constant 0 : i32
      %dma_wait3A_268 = arith.constant 0 : i32
      %dma_wait3A_269 = tpu.memref_slice %arg2[%dma_wait3A_267, %dma_wait3A_268] : memref<10240x128xf32, #tpu.memory_space<hbm>> -> memref<10240x128xf32, #tpu.memory_space<hbm>>
      tpu.wait_indirect_dma semaphore(%arg14 : memref<!tpu.dma_semaphore, #tpu.memory_space<semaphore_mem>>) src(%dma_wait3A_269 : memref<10240x128xf32, #tpu.memory_space<hbm>>) dst(%arg11 : memref<128x128xf32, #tpu.memory_space<vmem>>)
      %run_scoped3A_270 = arith.constant 4 : i32
      "tpu.region"() ({
        %run_scoped3A_309 = tpu.sem_alloc : memref<!tpu.dma_semaphore, #tpu.memory_space<semaphore_mem>>
        %dma_start3A_310 = arith.constant 0 : i32
        %dma_start3A_311 = tpu.memref_slice %arg10[%run_scoped3A_270, %dma_start3A_310] : memref<8x128xi32, #tpu.memory_space<vmem>> -> memref<1x128xi32, #tpu.memory_space<vmem>>
        %dma_start3A_312 = tpu.memref_squeeze %dma_start3A_311 : memref<1x128xi32, #tpu.memory_space<vmem>> -> memref<128xi32, #tpu.memory_space<vmem>>
        %dma_start3A_313 = arith.constant 0 : i32
        %dma_start3A_314 = arith.constant 0 : i32
        %dma_start3A_315 = tpu.memref_slice %arg13[%dma_start3A_313, %dma_start3A_314] : memref<10240x128xf32, #tpu.memory_space<vmem_shared>> -> memref<10240x128xf32, #tpu.memory_space<vmem_shared>>
        tpu.enqueue_indirect_dma source(%arg11 : memref<128x128xf32, #tpu.memory_space<vmem>>) target(%dma_start3A_315 : memref<10240x128xf32, #tpu.memory_space<vmem_shared>>) offsets(%dma_start3A_312 : memref<128xi32, #tpu.memory_space<vmem>>) semaphore(%run_scoped3A_309 : memref<!tpu.dma_semaphore, #tpu.memory_space<semaphore_mem>>) {add = true}
        %dma_wait3A_316 = arith.constant 0 : i32
        %dma_wait3A_317 = tpu.memref_slice %arg10[%run_scoped3A_270, %dma_wait3A_316] : memref<8x128xi32, #tpu.memory_space<vmem>> -> memref<1x128xi32, #tpu.memory_space<vmem>>
        %dma_wait3A_318 = tpu.memref_squeeze %dma_wait3A_317 : memref<1x128xi32, #tpu.memory_space<vmem>> -> memref<128xi32, #tpu.memory_space<vmem>>
        %dma_wait3A_319 = arith.constant 0 : i32
        %dma_wait3A_320 = arith.constant 0 : i32
        %dma_wait3A_321 = tpu.memref_slice %arg13[%dma_wait3A_319, %dma_wait3A_320] : memref<10240x128xf32, #tpu.memory_space<vmem_shared>> -> memref<10240x128xf32, #tpu.memory_space<vmem_shared>>
        tpu.wait_indirect_dma semaphore(%run_scoped3A_309 : memref<!tpu.dma_semaphore, #tpu.memory_space<semaphore_mem>>) src(%arg11 : memref<128x128xf32, #tpu.memory_space<vmem>>) dst(%dma_wait3A_321 : memref<10240x128xf32, #tpu.memory_space<vmem_shared>>)
        tpu.yield
      }) : () -> ()
      %dma_start3A_271 = arith.constant 6 : i32
      %dma_start3A_272 = arith.constant 0 : i32
      %dma_start3A_273 = tpu.memref_slice %arg9[%dma_start3A_271, %dma_start3A_272] : memref<8x128xi32, #tpu.memory_space<vmem>> -> memref<1x128xi32, #tpu.memory_space<vmem>>
      %dma_start3A_274 = tpu.memref_squeeze %dma_start3A_273 : memref<1x128xi32, #tpu.memory_space<vmem>> -> memref<128xi32, #tpu.memory_space<vmem>>
      %dma_start3A_275 = arith.constant 0 : i32
      %dma_start3A_276 = arith.constant 0 : i32
      %dma_start3A_277 = tpu.memref_slice %arg2[%dma_start3A_275, %dma_start3A_276] : memref<10240x128xf32, #tpu.memory_space<hbm>> -> memref<10240x128xf32, #tpu.memory_space<hbm>>
      tpu.enqueue_indirect_dma source(%dma_start3A_277 : memref<10240x128xf32, #tpu.memory_space<hbm>>) target(%arg11 : memref<128x128xf32, #tpu.memory_space<vmem>>) offsets(%dma_start3A_274 : memref<128xi32, #tpu.memory_space<vmem>>) semaphore(%arg14 : memref<!tpu.dma_semaphore, #tpu.memory_space<semaphore_mem>>)
      %dma_wait3A_278 = arith.constant 5 : i32
      %dma_wait3A_279 = arith.constant 0 : i32
      %dma_wait3A_280 = tpu.memref_slice %arg9[%dma_wait3A_278, %dma_wait3A_279] : memref<8x128xi32, #tpu.memory_space<vmem>> -> memref<1x128xi32, #tpu.memory_space<vmem>>
      %dma_wait3A_281 = tpu.memref_squeeze %dma_wait3A_280 : memref<1x128xi32, #tpu.memory_space<vmem>> -> memref<128xi32, #tpu.memory_space<vmem>>
      %dma_wait3A_282 = arith.constant 0 : i32
      %dma_wait3A_283 = arith.constant 0 : i32
      %dma_wait3A_284 = tpu.memref_slice %arg2[%dma_wait3A_282, %dma_wait3A_283] : memref<10240x128xf32, #tpu.memory_space<hbm>> -> memref<10240x128xf32, #tpu.memory_space<hbm>>
      tpu.wait_indirect_dma semaphore(%arg15 : memref<!tpu.dma_semaphore, #tpu.memory_space<semaphore_mem>>) src(%dma_wait3A_284 : memref<10240x128xf32, #tpu.memory_space<hbm>>) dst(%arg12 : memref<128x128xf32, #tpu.memory_space<vmem>>)
      %run_scoped3A_285 = arith.constant 5 : i32
      "tpu.region"() ({
        %run_scoped3A_309 = tpu.sem_alloc : memref<!tpu.dma_semaphore, #tpu.memory_space<semaphore_mem>>
        %dma_start3A_310 = arith.constant 0 : i32
        %dma_start3A_311 = tpu.memref_slice %arg10[%run_scoped3A_285, %dma_start3A_310] : memref<8x128xi32, #tpu.memory_space<vmem>> -> memref<1x128xi32, #tpu.memory_space<vmem>>
        %dma_start3A_312 = tpu.memref_squeeze %dma_start3A_311 : memref<1x128xi32, #tpu.memory_space<vmem>> -> memref<128xi32, #tpu.memory_space<vmem>>
        %dma_start3A_313 = arith.constant 0 : i32
        %dma_start3A_314 = arith.constant 0 : i32
        %dma_start3A_315 = tpu.memref_slice %arg13[%dma_start3A_313, %dma_start3A_314] : memref<10240x128xf32, #tpu.memory_space<vmem_shared>> -> memref<10240x128xf32, #tpu.memory_space<vmem_shared>>
        tpu.enqueue_indirect_dma source(%arg12 : memref<128x128xf32, #tpu.memory_space<vmem>>) target(%dma_start3A_315 : memref<10240x128xf32, #tpu.memory_space<vmem_shared>>) offsets(%dma_start3A_312 : memref<128xi32, #tpu.memory_space<vmem>>) semaphore(%run_scoped3A_309 : memref<!tpu.dma_semaphore, #tpu.memory_space<semaphore_mem>>) {add = true}
        %dma_wait3A_316 = arith.constant 0 : i32
        %dma_wait3A_317 = tpu.memref_slice %arg10[%run_scoped3A_285, %dma_wait3A_316] : memref<8x128xi32, #tpu.memory_space<vmem>> -> memref<1x128xi32, #tpu.memory_space<vmem>>
        %dma_wait3A_318 = tpu.memref_squeeze %dma_wait3A_317 : memref<1x128xi32, #tpu.memory_space<vmem>> -> memref<128xi32, #tpu.memory_space<vmem>>
        %dma_wait3A_319 = arith.constant 0 : i32
        %dma_wait3A_320 = arith.constant 0 : i32
        %dma_wait3A_321 = tpu.memref_slice %arg13[%dma_wait3A_319, %dma_wait3A_320] : memref<10240x128xf32, #tpu.memory_space<vmem_shared>> -> memref<10240x128xf32, #tpu.memory_space<vmem_shared>>
        tpu.wait_indirect_dma semaphore(%run_scoped3A_309 : memref<!tpu.dma_semaphore, #tpu.memory_space<semaphore_mem>>) src(%arg12 : memref<128x128xf32, #tpu.memory_space<vmem>>) dst(%dma_wait3A_321 : memref<10240x128xf32, #tpu.memory_space<vmem_shared>>)
        tpu.yield
      }) : () -> ()
      %dma_start3A_286 = arith.constant 7 : i32
      %dma_start3A_287 = arith.constant 0 : i32
      %dma_start3A_288 = tpu.memref_slice %arg9[%dma_start3A_286, %dma_start3A_287] : memref<8x128xi32, #tpu.memory_space<vmem>> -> memref<1x128xi32, #tpu.memory_space<vmem>>
      %dma_start3A_289 = tpu.memref_squeeze %dma_start3A_288 : memref<1x128xi32, #tpu.memory_space<vmem>> -> memref<128xi32, #tpu.memory_space<vmem>>
      %dma_start3A_290 = arith.constant 0 : i32
      %dma_start3A_291 = arith.constant 0 : i32
      %dma_start3A_292 = tpu.memref_slice %arg2[%dma_start3A_290, %dma_start3A_291] : memref<10240x128xf32, #tpu.memory_space<hbm>> -> memref<10240x128xf32, #tpu.memory_space<hbm>>
      tpu.enqueue_indirect_dma source(%dma_start3A_292 : memref<10240x128xf32, #tpu.memory_space<hbm>>) target(%arg12 : memref<128x128xf32, #tpu.memory_space<vmem>>) offsets(%dma_start3A_289 : memref<128xi32, #tpu.memory_space<vmem>>) semaphore(%arg15 : memref<!tpu.dma_semaphore, #tpu.memory_space<semaphore_mem>>)
      %dma_wait3A_293 = arith.constant 6 : i32
      %dma_wait3A_294 = arith.constant 0 : i32
      %dma_wait3A_295 = tpu.memref_slice %arg9[%dma_wait3A_293, %dma_wait3A_294] : memref<8x128xi32, #tpu.memory_space<vmem>> -> memref<1x128xi32, #tpu.memory_space<vmem>>
      %dma_wait3A_296 = tpu.memref_squeeze %dma_wait3A_295 : memref<1x128xi32, #tpu.memory_space<vmem>> -> memref<128xi32, #tpu.memory_space<vmem>>
      %dma_wait3A_297 = arith.constant 0 : i32
      %dma_wait3A_298 = arith.constant 0 : i32
      %dma_wait3A_299 = tpu.memref_slice %arg2[%dma_wait3A_297, %dma_wait3A_298] : memref<10240x128xf32, #tpu.memory_space<hbm>> -> memref<10240x128xf32, #tpu.memory_space<hbm>>
      tpu.wait_indirect_dma semaphore(%arg14 : memref<!tpu.dma_semaphore, #tpu.memory_space<semaphore_mem>>) src(%dma_wait3A_299 : memref<10240x128xf32, #tpu.memory_space<hbm>>) dst(%arg11 : memref<128x128xf32, #tpu.memory_space<vmem>>)
      %run_scoped3A_300 = arith.constant 6 : i32
      "tpu.region"() ({
        %run_scoped3A_309 = tpu.sem_alloc : memref<!tpu.dma_semaphore, #tpu.memory_space<semaphore_mem>>
        %dma_start3A_310 = arith.constant 0 : i32
        %dma_start3A_311 = tpu.memref_slice %arg10[%run_scoped3A_300, %dma_start3A_310] : memref<8x128xi32, #tpu.memory_space<vmem>> -> memref<1x128xi32, #tpu.memory_space<vmem>>
        %dma_start3A_312 = tpu.memref_squeeze %dma_start3A_311 : memref<1x128xi32, #tpu.memory_space<vmem>> -> memref<128xi32, #tpu.memory_space<vmem>>
        %dma_start3A_313 = arith.constant 0 : i32
        %dma_start3A_314 = arith.constant 0 : i32
        %dma_start3A_315 = tpu.memref_slice %arg13[%dma_start3A_313, %dma_start3A_314] : memref<10240x128xf32, #tpu.memory_space<vmem_shared>> -> memref<10240x128xf32, #tpu.memory_space<vmem_shared>>
        tpu.enqueue_indirect_dma source(%arg11 : memref<128x128xf32, #tpu.memory_space<vmem>>) target(%dma_start3A_315 : memref<10240x128xf32, #tpu.memory_space<vmem_shared>>) offsets(%dma_start3A_312 : memref<128xi32, #tpu.memory_space<vmem>>) semaphore(%run_scoped3A_309 : memref<!tpu.dma_semaphore, #tpu.memory_space<semaphore_mem>>) {add = true}
        %dma_wait3A_316 = arith.constant 0 : i32
        %dma_wait3A_317 = tpu.memref_slice %arg10[%run_scoped3A_300, %dma_wait3A_316] : memref<8x128xi32, #tpu.memory_space<vmem>> -> memref<1x128xi32, #tpu.memory_space<vmem>>
        %dma_wait3A_318 = tpu.memref_squeeze %dma_wait3A_317 : memref<1x128xi32, #tpu.memory_space<vmem>> -> memref<128xi32, #tpu.memory_space<vmem>>
        %dma_wait3A_319 = arith.constant 0 : i32
        %dma_wait3A_320 = arith.constant 0 : i32
        %dma_wait3A_321 = tpu.memref_slice %arg13[%dma_wait3A_319, %dma_wait3A_320] : memref<10240x128xf32, #tpu.memory_space<vmem_shared>> -> memref<10240x128xf32, #tpu.memory_space<vmem_shared>>
        tpu.wait_indirect_dma semaphore(%run_scoped3A_309 : memref<!tpu.dma_semaphore, #tpu.memory_space<semaphore_mem>>) src(%arg11 : memref<128x128xf32, #tpu.memory_space<vmem>>) dst(%dma_wait3A_321 : memref<10240x128xf32, #tpu.memory_space<vmem_shared>>)
        tpu.yield
      }) : () -> ()
      %dma_wait3A_301 = arith.constant 7 : i32
      %dma_wait3A_302 = arith.constant 0 : i32
      %dma_wait3A_303 = tpu.memref_slice %arg9[%dma_wait3A_301, %dma_wait3A_302] : memref<8x128xi32, #tpu.memory_space<vmem>> -> memref<1x128xi32, #tpu.memory_space<vmem>>
      %dma_wait3A_304 = tpu.memref_squeeze %dma_wait3A_303 : memref<1x128xi32, #tpu.memory_space<vmem>> -> memref<128xi32, #tpu.memory_space<vmem>>
      %dma_wait3A_305 = arith.constant 0 : i32
      %dma_wait3A_306 = arith.constant 0 : i32
      %dma_wait3A_307 = tpu.memref_slice %arg2[%dma_wait3A_305, %dma_wait3A_306] : memref<10240x128xf32, #tpu.memory_space<hbm>> -> memref<10240x128xf32, #tpu.memory_space<hbm>>
      tpu.wait_indirect_dma semaphore(%arg15 : memref<!tpu.dma_semaphore, #tpu.memory_space<semaphore_mem>>) src(%dma_wait3A_307 : memref<10240x128xf32, #tpu.memory_space<hbm>>) dst(%arg12 : memref<128x128xf32, #tpu.memory_space<vmem>>)
      %run_scoped3A_308 = arith.constant 7 : i32
      "tpu.region"() ({
        %run_scoped3A_309 = tpu.sem_alloc : memref<!tpu.dma_semaphore, #tpu.memory_space<semaphore_mem>>
        %dma_start3A_310 = arith.constant 0 : i32
        %dma_start3A_311 = tpu.memref_slice %arg10[%run_scoped3A_308, %dma_start3A_310] : memref<8x128xi32, #tpu.memory_space<vmem>> -> memref<1x128xi32, #tpu.memory_space<vmem>>
        %dma_start3A_312 = tpu.memref_squeeze %dma_start3A_311 : memref<1x128xi32, #tpu.memory_space<vmem>> -> memref<128xi32, #tpu.memory_space<vmem>>
        %dma_start3A_313 = arith.constant 0 : i32
        %dma_start3A_314 = arith.constant 0 : i32
        %dma_start3A_315 = tpu.memref_slice %arg13[%dma_start3A_313, %dma_start3A_314] : memref<10240x128xf32, #tpu.memory_space<vmem_shared>> -> memref<10240x128xf32, #tpu.memory_space<vmem_shared>>
        tpu.enqueue_indirect_dma source(%arg12 : memref<128x128xf32, #tpu.memory_space<vmem>>) target(%dma_start3A_315 : memref<10240x128xf32, #tpu.memory_space<vmem_shared>>) offsets(%dma_start3A_312 : memref<128xi32, #tpu.memory_space<vmem>>) semaphore(%run_scoped3A_309 : memref<!tpu.dma_semaphore, #tpu.memory_space<semaphore_mem>>) {add = true}
        %dma_wait3A_316 = arith.constant 0 : i32
        %dma_wait3A_317 = tpu.memref_slice %arg10[%run_scoped3A_308, %dma_wait3A_316] : memref<8x128xi32, #tpu.memory_space<vmem>> -> memref<1x128xi32, #tpu.memory_space<vmem>>
        %dma_wait3A_318 = tpu.memref_squeeze %dma_wait3A_317 : memref<1x128xi32, #tpu.memory_space<vmem>> -> memref<128xi32, #tpu.memory_space<vmem>>
        %dma_wait3A_319 = arith.constant 0 : i32
        %dma_wait3A_320 = arith.constant 0 : i32
        %dma_wait3A_321 = tpu.memref_slice %arg13[%dma_wait3A_319, %dma_wait3A_320] : memref<10240x128xf32, #tpu.memory_space<vmem_shared>> -> memref<10240x128xf32, #tpu.memory_space<vmem_shared>>
        tpu.wait_indirect_dma semaphore(%run_scoped3A_309 : memref<!tpu.dma_semaphore, #tpu.memory_space<semaphore_mem>>) src(%arg12 : memref<128x128xf32, #tpu.memory_space<vmem>>) dst(%dma_wait3A_321 : memref<10240x128xf32, #tpu.memory_space<vmem_shared>>)
        tpu.yield
      }) : () -> ()
    }
    %scan3A_17 = arith.constant 5 : i32
    %barrier3A_18 = arith.constant 0 : index
    tpu.barrier barrier_id(%barrier3A_18)
    %mul3A_19 = arith.constant 640 : i32
    %mul3A_20 = arith.muli %arg1, %mul3A_19 : i32
    %mul3A_21 = arith.constant 640 : i32
    %mul3A_22 = arith.muli %arg1, %mul3A_21 : i32
    "tpu.region"() ({
      %run_scoped3A = tpu.sem_alloc : memref<!tpu.dma_semaphore, #tpu.memory_space<semaphore_mem>>
      %dma_start3A_23 = arith.constant 0 : i32
      %dma_start3A_24 = tpu.memref_slice %arg6[%arg0, %mul3A_22, %dma_start3A_23] : memref<2x10240x128xf32, #tpu.memory_space<hbm>> -> memref<1x640x128xf32, #tpu.memory_space<hbm>>
      %dma_start3A_25 = tpu.memref_squeeze %dma_start3A_24 : memref<1x640x128xf32, #tpu.memory_space<hbm>> -> memref<640x128xf32, #tpu.memory_space<hbm>>
      %dma_start3A_26 = arith.constant 0 : i32
      %dma_start3A_27 = tpu.memref_slice %arg13[%mul3A_20, %dma_start3A_26] : memref<10240x128xf32, #tpu.memory_space<vmem_shared>> -> memref<640x128xf32, #tpu.memory_space<vmem_shared>>
      tpu.enqueue_dma source(%dma_start3A_27 : memref<640x128xf32, #tpu.memory_space<vmem_shared>>) target(%dma_start3A_25 : memref<640x128xf32, #tpu.memory_space<hbm>>) target_semaphore(%run_scoped3A : memref<!tpu.dma_semaphore, #tpu.memory_space<semaphore_mem>>)
      %dma_wait3A = arith.constant 0 : i32
      %dma_wait3A_28 = tpu.memref_slice %arg6[%arg0, %mul3A_22, %dma_wait3A] : memref<2x10240x128xf32, #tpu.memory_space<hbm>> -> memref<1x640x128xf32, #tpu.memory_space<hbm>>
      %dma_wait3A_29 = tpu.memref_squeeze %dma_wait3A_28 : memref<1x640x128xf32, #tpu.memory_space<hbm>> -> memref<640x128xf32, #tpu.memory_space<hbm>>
      %dma_wait3A_30 = arith.constant 0 : i32
      %dma_wait3A_31 = tpu.memref_slice %arg13[%mul3A_20, %dma_wait3A_30] : memref<10240x128xf32, #tpu.memory_space<vmem_shared>> -> memref<640x128xf32, #tpu.memory_space<vmem_shared>>
      tpu.wait_dma2 semaphore(%run_scoped3A : memref<!tpu.dma_semaphore, #tpu.memory_space<semaphore_mem>>) src(%dma_wait3A_31 : memref<640x128xf32, #tpu.memory_space<vmem_shared>>) dst(%dma_wait3A_29 : memref<640x128xf32, #tpu.memory_space<hbm>>)
      tpu.yield
    }) : () -> ()
    return
  }
}

#map = affine_map<(d0, d1) -> (0, 0)>
#map1 = affine_map<(d0, d1) -> (0, 0, 0)>
module attributes {stable_mosaic.version = 14 : i64} {
  func.func @_agg_body(%arg0: i32, %arg1: i32, %arg2: memref<10240x128xf32, #tpu.memory_space<hbm>>, %arg3: memref<2560x128xi32, #tpu.memory_space<hbm>>, %arg4: memref<2560x128xi32, #tpu.memory_space<hbm>>, %arg5: memref<640x128xf32, #tpu.memory_space<hbm>>, %arg6: memref<2x10240x128xf32, #tpu.memory_space<hbm>>, %arg7: memref<8x128xi32, #tpu.memory_space<vmem>>, %arg8: memref<8x128xi32, #tpu.memory_space<vmem>>, %arg9: memref<8x128xi32, #tpu.memory_space<vmem>>, %arg10: memref<8x128xi32, #tpu.memory_space<vmem>>, %arg11: memref<128x128xf32, #tpu.memory_space<vmem>>, %arg12: memref<128x128xf32, #tpu.memory_space<vmem>>, %arg13: memref<10240x128xf32, #tpu.memory_space<vmem_shared>>, %arg14: memref<!tpu.dma_semaphore, #tpu.memory_space<semaphore_mem>>, %arg15: memref<!tpu.dma_semaphore, #tpu.memory_space<semaphore_mem>>, %arg16: memref<!tpu.dma_semaphore, #tpu.memory_space<semaphore_mem>>, %arg17: memref<!tpu.dma_semaphore, #tpu.memory_space<semaphore_mem>>) attributes {dimension_semantics = [#tpu.dimension_semantics<core_parallel>, #tpu.dimension_semantics<subcore_parallel>], iteration_bounds = array<i64: 2, 16>, scalar_prefetch = 0 : i64, scratch_operands = 11 : i64, tpu.core_type = #tpu.core_type<sc_vector_subcore>, window_params = [{transform_indices = #map}, {transform_indices = #map}, {transform_indices = #map}, {transform_indices = #map}, {transform_indices = #map1}]} {
    %mul3A = arith.constant 16 : i32
    %mul3A_0 = arith.muli %arg0, %mul3A : i32
    %add3A = arith.addi %mul3A_0, %arg1 : i32
    %mul3A_1 = arith.constant 80 : i32
    %mul3A_2 = arith.muli %add3A, %mul3A_1 : i32
    %mul3A_3 = arith.constant 640 : i32
    %mul3A_4 = arith.muli %arg1, %mul3A_3 : i32
    "tpu.region"() ({
      %run_scoped3A = tpu.sem_alloc : memref<!tpu.dma_semaphore, #tpu.memory_space<semaphore_mem>>
      %dma_start3A_23 = arith.constant 0 : i32
      %dma_start3A_24 = tpu.memref_slice %arg13[%mul3A_4, %dma_start3A_23] : memref<10240x128xf32, #tpu.memory_space<vmem_shared>> -> memref<640x128xf32, #tpu.memory_space<vmem_shared>>
      tpu.enqueue_dma source(%arg5 : memref<640x128xf32, #tpu.memory_space<hbm>>) target(%dma_start3A_24 : memref<640x128xf32, #tpu.memory_space<vmem_shared>>) target_semaphore(%run_scoped3A : memref<!tpu.dma_semaphore, #tpu.memory_space<semaphore_mem>>)
      %dma_wait3A = arith.constant 0 : i32
      %dma_wait3A_25 = tpu.memref_slice %arg13[%mul3A_4, %dma_wait3A] : memref<10240x128xf32, #tpu.memory_space<vmem_shared>> -> memref<640x128xf32, #tpu.memory_space<vmem_shared>>
      tpu.wait_dma2 semaphore(%run_scoped3A : memref<!tpu.dma_semaphore, #tpu.memory_space<semaphore_mem>>) src(%arg5 : memref<640x128xf32, #tpu.memory_space<hbm>>) dst(%dma_wait3A_25 : memref<640x128xf32, #tpu.memory_space<vmem_shared>>)
      tpu.yield
    }) : () -> ()
    %barrier3A = arith.constant 0 : index
    tpu.barrier barrier_id(%barrier3A)
    %add3A_5 = arith.constant 0 : i32
    %add3A_6 = arith.addi %mul3A_2, %add3A_5 : i32
    %dma_start3A = arith.constant 0 : i32
    %dma_start3A_7 = tpu.memref_slice %arg3[%add3A_6, %dma_start3A] : memref<2560x128xi32, #tpu.memory_space<hbm>> -> memref<8x128xi32, #tpu.memory_space<hbm>>
    %dma_start3A_8 = arith.constant 0 : i32
    %dma_start3A_9 = tpu.memref_slice %arg3[%add3A_6, %dma_start3A_8] : memref<2560x128xi32, #tpu.memory_space<hbm>> -> memref<8x128xi32, #tpu.memory_space<hbm>>
    tpu.enqueue_dma source(%dma_start3A_9 : memref<8x128xi32, #tpu.memory_space<hbm>>) target(%arg7 : memref<8x128xi32, #tpu.memory_space<vmem>>) target_semaphore(%arg16 : memref<!tpu.dma_semaphore, #tpu.memory_space<semaphore_mem>>)
    %dma_start3A_10 = arith.constant 0 : i32
    %dma_start3A_11 = tpu.memref_slice %arg4[%add3A_6, %dma_start3A_10] : memref<2560x128xi32, #tpu.memory_space<hbm>> -> memref<8x128xi32, #tpu.memory_space<hbm>>
    %dma_start3A_12 = arith.constant 0 : i32
    %dma_start3A_13 = tpu.memref_slice %arg4[%add3A_6, %dma_start3A_12] : memref<2560x128xi32, #tpu.memory_space<hbm>> -> memref<8x128xi32, #tpu.memory_space<hbm>>
    tpu.enqueue_dma source(%dma_start3A_13 : memref<8x128xi32, #tpu.memory_space<hbm>>) target(%arg8 : memref<8x128xi32, #tpu.memory_space<vmem>>) target_semaphore(%arg16 : memref<!tpu.dma_semaphore, #tpu.memory_space<semaphore_mem>>)
    %scan3A = arith.constant 0 : i32
    %scan3A_14 = arith.constant 5 : i32
    %scan3A_15 = arith.addi %scan3A, %scan3A_14 : i32
    %scan3A_16 = arith.constant 1 : i32
    scf.for %scan3A_23 = %scan3A to %scan3A_15 step %scan3A_16  : i32 {
      %mul3A_24 = arith.constant 1 : i32
      %mul3A_25 = arith.muli %scan3A_23, %mul3A_24 : i32
      %add3A_26 = arith.constant 0 : i32
      %add3A_27 = arith.addi %add3A_26, %mul3A_25 : i32
      %mul3A_28 = arith.constant 2 : i32
      %mul3A_29 = arith.muli %mul3A_28, %add3A_27 : i32
      %mul3A_30 = arith.constant 8 : i32
      %mul3A_31 = arith.muli %mul3A_29, %mul3A_30 : i32
      %add3A_32 = arith.addi %mul3A_2, %mul3A_31 : i32
      %dma_wait3A = arith.constant 0 : i32
      %dma_wait3A_33 = tpu.memref_slice %arg3[%add3A_32, %dma_wait3A] : memref<2560x128xi32, #tpu.memory_space<hbm>> -> memref<8x128xi32, #tpu.memory_space<hbm>>
      %dma_wait3A_34 = arith.constant 0 : i32
      %dma_wait3A_35 = tpu.memref_slice %arg3[%add3A_32, %dma_wait3A_34] : memref<2560x128xi32, #tpu.memory_space<hbm>> -> memref<8x128xi32, #tpu.memory_space<hbm>>
      tpu.wait_dma2 semaphore(%arg16 : memref<!tpu.dma_semaphore, #tpu.memory_space<semaphore_mem>>) src(%dma_wait3A_35 : memref<8x128xi32, #tpu.memory_space<hbm>>) dst(%arg7 : memref<8x128xi32, #tpu.memory_space<vmem>>)
      %dma_wait3A_36 = arith.constant 0 : i32
      %dma_wait3A_37 = tpu.memref_slice %arg4[%add3A_32, %dma_wait3A_36] : memref<2560x128xi32, #tpu.memory_space<hbm>> -> memref<8x128xi32, #tpu.memory_space<hbm>>
      %dma_wait3A_38 = arith.constant 0 : i32
      %dma_wait3A_39 = tpu.memref_slice %arg4[%add3A_32, %dma_wait3A_38] : memref<2560x128xi32, #tpu.memory_space<hbm>> -> memref<8x128xi32, #tpu.memory_space<hbm>>
      tpu.wait_dma2 semaphore(%arg16 : memref<!tpu.dma_semaphore, #tpu.memory_space<semaphore_mem>>) src(%dma_wait3A_39 : memref<8x128xi32, #tpu.memory_space<hbm>>) dst(%arg8 : memref<8x128xi32, #tpu.memory_space<vmem>>)
      %add3A_40 = arith.constant 1 : i32
      %add3A_41 = arith.addi %mul3A_29, %add3A_40 : i32
      %mul3A_42 = arith.constant 8 : i32
      %mul3A_43 = arith.muli %add3A_41, %mul3A_42 : i32
      %add3A_44 = arith.addi %mul3A_2, %mul3A_43 : i32
      %dma_start3A_45 = arith.constant 0 : i32
      %dma_start3A_46 = tpu.memref_slice %arg3[%add3A_44, %dma_start3A_45] : memref<2560x128xi32, #tpu.memory_space<hbm>> -> memref<8x128xi32, #tpu.memory_space<hbm>>
      %dma_start3A_47 = arith.constant 0 : i32
      %dma_start3A_48 = tpu.memref_slice %arg3[%add3A_44, %dma_start3A_47] : memref<2560x128xi32, #tpu.memory_space<hbm>> -> memref<8x128xi32, #tpu.memory_space<hbm>>
      tpu.enqueue_dma source(%dma_start3A_48 : memref<8x128xi32, #tpu.memory_space<hbm>>) target(%arg9 : memref<8x128xi32, #tpu.memory_space<vmem>>) target_semaphore(%arg17 : memref<!tpu.dma_semaphore, #tpu.memory_space<semaphore_mem>>)
      %dma_start3A_49 = arith.constant 0 : i32
      %dma_start3A_50 = tpu.memref_slice %arg4[%add3A_44, %dma_start3A_49] : memref<2560x128xi32, #tpu.memory_space<hbm>> -> memref<8x128xi32, #tpu.memory_space<hbm>>
      %dma_start3A_51 = arith.constant 0 : i32
      %dma_start3A_52 = tpu.memref_slice %arg4[%add3A_44, %dma_start3A_51] : memref<2560x128xi32, #tpu.memory_space<hbm>> -> memref<8x128xi32, #tpu.memory_space<hbm>>
      tpu.enqueue_dma source(%dma_start3A_52 : memref<8x128xi32, #tpu.memory_space<hbm>>) target(%arg10 : memref<8x128xi32, #tpu.memory_space<vmem>>) target_semaphore(%arg17 : memref<!tpu.dma_semaphore, #tpu.memory_space<semaphore_mem>>)
      %dma_start3A_53 = arith.constant 0 : i32
      %dma_start3A_54 = arith.constant 0 : i32
      %dma_start3A_55 = tpu.memref_slice %arg7[%dma_start3A_53, %dma_start3A_54] : memref<8x128xi32, #tpu.memory_space<vmem>> -> memref<1x128xi32, #tpu.memory_space<vmem>>
      %dma_start3A_56 = tpu.memref_squeeze %dma_start3A_55 : memref<1x128xi32, #tpu.memory_space<vmem>> -> memref<128xi32, #tpu.memory_space<vmem>>
      %dma_start3A_57 = arith.constant 0 : i32
      %dma_start3A_58 = arith.constant 0 : i32
      %dma_start3A_59 = tpu.memref_slice %arg2[%dma_start3A_57, %dma_start3A_58] : memref<10240x128xf32, #tpu.memory_space<hbm>> -> memref<10240x128xf32, #tpu.memory_space<hbm>>
      tpu.enqueue_indirect_dma source(%dma_start3A_59 : memref<10240x128xf32, #tpu.memory_space<hbm>>) target(%arg11 : memref<128x128xf32, #tpu.memory_space<vmem>>) offsets(%dma_start3A_56 : memref<128xi32, #tpu.memory_space<vmem>>) semaphore(%arg14 : memref<!tpu.dma_semaphore, #tpu.memory_space<semaphore_mem>>)
      %dma_start3A_60 = arith.constant 1 : i32
      %dma_start3A_61 = arith.constant 0 : i32
      %dma_start3A_62 = tpu.memref_slice %arg7[%dma_start3A_60, %dma_start3A_61] : memref<8x128xi32, #tpu.memory_space<vmem>> -> memref<1x128xi32, #tpu.memory_space<vmem>>
      %dma_start3A_63 = tpu.memref_squeeze %dma_start3A_62 : memref<1x128xi32, #tpu.memory_space<vmem>> -> memref<128xi32, #tpu.memory_space<vmem>>
      %dma_start3A_64 = arith.constant 0 : i32
      %dma_start3A_65 = arith.constant 0 : i32
      %dma_start3A_66 = tpu.memref_slice %arg2[%dma_start3A_64, %dma_start3A_65] : memref<10240x128xf32, #tpu.memory_space<hbm>> -> memref<10240x128xf32, #tpu.memory_space<hbm>>
      tpu.enqueue_indirect_dma source(%dma_start3A_66 : memref<10240x128xf32, #tpu.memory_space<hbm>>) target(%arg12 : memref<128x128xf32, #tpu.memory_space<vmem>>) offsets(%dma_start3A_63 : memref<128xi32, #tpu.memory_space<vmem>>) semaphore(%arg15 : memref<!tpu.dma_semaphore, #tpu.memory_space<semaphore_mem>>)
      %dma_wait3A_67 = arith.constant 0 : i32
      %dma_wait3A_68 = arith.constant 0 : i32
      %dma_wait3A_69 = tpu.memref_slice %arg7[%dma_wait3A_67, %dma_wait3A_68] : memref<8x128xi32, #tpu.memory_space<vmem>> -> memref<1x128xi32, #tpu.memory_space<vmem>>
      %dma_wait3A_70 = tpu.memref_squeeze %dma_wait3A_69 : memref<1x128xi32, #tpu.memory_space<vmem>> -> memref<128xi32, #tpu.memory_space<vmem>>
      %dma_wait3A_71 = arith.constant 0 : i32
      %dma_wait3A_72 = arith.constant 0 : i32
      %dma_wait3A_73 = tpu.memref_slice %arg2[%dma_wait3A_71, %dma_wait3A_72] : memref<10240x128xf32, #tpu.memory_space<hbm>> -> memref<10240x128xf32, #tpu.memory_space<hbm>>
      tpu.wait_indirect_dma semaphore(%arg14 : memref<!tpu.dma_semaphore, #tpu.memory_space<semaphore_mem>>) src(%dma_wait3A_73 : memref<10240x128xf32, #tpu.memory_space<hbm>>) dst(%arg11 : memref<128x128xf32, #tpu.memory_space<vmem>>)
      %run_scoped3A = arith.constant 0 : i32
      "tpu.region"() ({
        %run_scoped3A_309 = tpu.sem_alloc : memref<!tpu.dma_semaphore, #tpu.memory_space<semaphore_mem>>
        %dma_start3A_310 = arith.constant 0 : i32
        %dma_start3A_311 = tpu.memref_slice %arg8[%run_scoped3A, %dma_start3A_310] : memref<8x128xi32, #tpu.memory_space<vmem>> -> memref<1x128xi32, #tpu.memory_space<vmem>>
        %dma_start3A_312 = tpu.memref_squeeze %dma_start3A_311 : memref<1x128xi32, #tpu.memory_space<vmem>> -> memref<128xi32, #tpu.memory_space<vmem>>
        %dma_start3A_313 = arith.constant 0 : i32
        %dma_start3A_314 = arith.constant 0 : i32
        %dma_start3A_315 = tpu.memref_slice %arg13[%dma_start3A_313, %dma_start3A_314] : memref<10240x128xf32, #tpu.memory_space<vmem_shared>> -> memref<10240x128xf32, #tpu.memory_space<vmem_shared>>
        tpu.enqueue_indirect_dma source(%arg11 : memref<128x128xf32, #tpu.memory_space<vmem>>) target(%dma_start3A_315 : memref<10240x128xf32, #tpu.memory_space<vmem_shared>>) offsets(%dma_start3A_312 : memref<128xi32, #tpu.memory_space<vmem>>) semaphore(%run_scoped3A_309 : memref<!tpu.dma_semaphore, #tpu.memory_space<semaphore_mem>>) {add = true}
        %dma_wait3A_316 = arith.constant 0 : i32
        %dma_wait3A_317 = tpu.memref_slice %arg8[%run_scoped3A, %dma_wait3A_316] : memref<8x128xi32, #tpu.memory_space<vmem>> -> memref<1x128xi32, #tpu.memory_space<vmem>>
        %dma_wait3A_318 = tpu.memref_squeeze %dma_wait3A_317 : memref<1x128xi32, #tpu.memory_space<vmem>> -> memref<128xi32, #tpu.memory_space<vmem>>
        %dma_wait3A_319 = arith.constant 0 : i32
        %dma_wait3A_320 = arith.constant 0 : i32
        %dma_wait3A_321 = tpu.memref_slice %arg13[%dma_wait3A_319, %dma_wait3A_320] : memref<10240x128xf32, #tpu.memory_space<vmem_shared>> -> memref<10240x128xf32, #tpu.memory_space<vmem_shared>>
        tpu.wait_indirect_dma semaphore(%run_scoped3A_309 : memref<!tpu.dma_semaphore, #tpu.memory_space<semaphore_mem>>) src(%arg11 : memref<128x128xf32, #tpu.memory_space<vmem>>) dst(%dma_wait3A_321 : memref<10240x128xf32, #tpu.memory_space<vmem_shared>>)
        tpu.yield
      }) : () -> ()
      %dma_start3A_74 = arith.constant 2 : i32
      %dma_start3A_75 = arith.constant 0 : i32
      %dma_start3A_76 = tpu.memref_slice %arg7[%dma_start3A_74, %dma_start3A_75] : memref<8x128xi32, #tpu.memory_space<vmem>> -> memref<1x128xi32, #tpu.memory_space<vmem>>
      %dma_start3A_77 = tpu.memref_squeeze %dma_start3A_76 : memref<1x128xi32, #tpu.memory_space<vmem>> -> memref<128xi32, #tpu.memory_space<vmem>>
      %dma_start3A_78 = arith.constant 0 : i32
      %dma_start3A_79 = arith.constant 0 : i32
      %dma_start3A_80 = tpu.memref_slice %arg2[%dma_start3A_78, %dma_start3A_79] : memref<10240x128xf32, #tpu.memory_space<hbm>> -> memref<10240x128xf32, #tpu.memory_space<hbm>>
      tpu.enqueue_indirect_dma source(%dma_start3A_80 : memref<10240x128xf32, #tpu.memory_space<hbm>>) target(%arg11 : memref<128x128xf32, #tpu.memory_space<vmem>>) offsets(%dma_start3A_77 : memref<128xi32, #tpu.memory_space<vmem>>) semaphore(%arg14 : memref<!tpu.dma_semaphore, #tpu.memory_space<semaphore_mem>>)
      %dma_wait3A_81 = arith.constant 1 : i32
      %dma_wait3A_82 = arith.constant 0 : i32
      %dma_wait3A_83 = tpu.memref_slice %arg7[%dma_wait3A_81, %dma_wait3A_82] : memref<8x128xi32, #tpu.memory_space<vmem>> -> memref<1x128xi32, #tpu.memory_space<vmem>>
      %dma_wait3A_84 = tpu.memref_squeeze %dma_wait3A_83 : memref<1x128xi32, #tpu.memory_space<vmem>> -> memref<128xi32, #tpu.memory_space<vmem>>
      %dma_wait3A_85 = arith.constant 0 : i32
      %dma_wait3A_86 = arith.constant 0 : i32
      %dma_wait3A_87 = tpu.memref_slice %arg2[%dma_wait3A_85, %dma_wait3A_86] : memref<10240x128xf32, #tpu.memory_space<hbm>> -> memref<10240x128xf32, #tpu.memory_space<hbm>>
      tpu.wait_indirect_dma semaphore(%arg15 : memref<!tpu.dma_semaphore, #tpu.memory_space<semaphore_mem>>) src(%dma_wait3A_87 : memref<10240x128xf32, #tpu.memory_space<hbm>>) dst(%arg12 : memref<128x128xf32, #tpu.memory_space<vmem>>)
      %run_scoped3A_88 = arith.constant 1 : i32
      "tpu.region"() ({
        %run_scoped3A_309 = tpu.sem_alloc : memref<!tpu.dma_semaphore, #tpu.memory_space<semaphore_mem>>
        %dma_start3A_310 = arith.constant 0 : i32
        %dma_start3A_311 = tpu.memref_slice %arg8[%run_scoped3A_88, %dma_start3A_310] : memref<8x128xi32, #tpu.memory_space<vmem>> -> memref<1x128xi32, #tpu.memory_space<vmem>>
        %dma_start3A_312 = tpu.memref_squeeze %dma_start3A_311 : memref<1x128xi32, #tpu.memory_space<vmem>> -> memref<128xi32, #tpu.memory_space<vmem>>
        %dma_start3A_313 = arith.constant 0 : i32
        %dma_start3A_314 = arith.constant 0 : i32
        %dma_start3A_315 = tpu.memref_slice %arg13[%dma_start3A_313, %dma_start3A_314] : memref<10240x128xf32, #tpu.memory_space<vmem_shared>> -> memref<10240x128xf32, #tpu.memory_space<vmem_shared>>
        tpu.enqueue_indirect_dma source(%arg12 : memref<128x128xf32, #tpu.memory_space<vmem>>) target(%dma_start3A_315 : memref<10240x128xf32, #tpu.memory_space<vmem_shared>>) offsets(%dma_start3A_312 : memref<128xi32, #tpu.memory_space<vmem>>) semaphore(%run_scoped3A_309 : memref<!tpu.dma_semaphore, #tpu.memory_space<semaphore_mem>>) {add = true}
        %dma_wait3A_316 = arith.constant 0 : i32
        %dma_wait3A_317 = tpu.memref_slice %arg8[%run_scoped3A_88, %dma_wait3A_316] : memref<8x128xi32, #tpu.memory_space<vmem>> -> memref<1x128xi32, #tpu.memory_space<vmem>>
        %dma_wait3A_318 = tpu.memref_squeeze %dma_wait3A_317 : memref<1x128xi32, #tpu.memory_space<vmem>> -> memref<128xi32, #tpu.memory_space<vmem>>
        %dma_wait3A_319 = arith.constant 0 : i32
        %dma_wait3A_320 = arith.constant 0 : i32
        %dma_wait3A_321 = tpu.memref_slice %arg13[%dma_wait3A_319, %dma_wait3A_320] : memref<10240x128xf32, #tpu.memory_space<vmem_shared>> -> memref<10240x128xf32, #tpu.memory_space<vmem_shared>>
        tpu.wait_indirect_dma semaphore(%run_scoped3A_309 : memref<!tpu.dma_semaphore, #tpu.memory_space<semaphore_mem>>) src(%arg12 : memref<128x128xf32, #tpu.memory_space<vmem>>) dst(%dma_wait3A_321 : memref<10240x128xf32, #tpu.memory_space<vmem_shared>>)
        tpu.yield
      }) : () -> ()
      %dma_start3A_89 = arith.constant 3 : i32
      %dma_start3A_90 = arith.constant 0 : i32
      %dma_start3A_91 = tpu.memref_slice %arg7[%dma_start3A_89, %dma_start3A_90] : memref<8x128xi32, #tpu.memory_space<vmem>> -> memref<1x128xi32, #tpu.memory_space<vmem>>
      %dma_start3A_92 = tpu.memref_squeeze %dma_start3A_91 : memref<1x128xi32, #tpu.memory_space<vmem>> -> memref<128xi32, #tpu.memory_space<vmem>>
      %dma_start3A_93 = arith.constant 0 : i32
      %dma_start3A_94 = arith.constant 0 : i32
      %dma_start3A_95 = tpu.memref_slice %arg2[%dma_start3A_93, %dma_start3A_94] : memref<10240x128xf32, #tpu.memory_space<hbm>> -> memref<10240x128xf32, #tpu.memory_space<hbm>>
      tpu.enqueue_indirect_dma source(%dma_start3A_95 : memref<10240x128xf32, #tpu.memory_space<hbm>>) target(%arg12 : memref<128x128xf32, #tpu.memory_space<vmem>>) offsets(%dma_start3A_92 : memref<128xi32, #tpu.memory_space<vmem>>) semaphore(%arg15 : memref<!tpu.dma_semaphore, #tpu.memory_space<semaphore_mem>>)
      %dma_wait3A_96 = arith.constant 2 : i32
      %dma_wait3A_97 = arith.constant 0 : i32
      %dma_wait3A_98 = tpu.memref_slice %arg7[%dma_wait3A_96, %dma_wait3A_97] : memref<8x128xi32, #tpu.memory_space<vmem>> -> memref<1x128xi32, #tpu.memory_space<vmem>>
      %dma_wait3A_99 = tpu.memref_squeeze %dma_wait3A_98 : memref<1x128xi32, #tpu.memory_space<vmem>> -> memref<128xi32, #tpu.memory_space<vmem>>
      %dma_wait3A_100 = arith.constant 0 : i32
      %dma_wait3A_101 = arith.constant 0 : i32
      %dma_wait3A_102 = tpu.memref_slice %arg2[%dma_wait3A_100, %dma_wait3A_101] : memref<10240x128xf32, #tpu.memory_space<hbm>> -> memref<10240x128xf32, #tpu.memory_space<hbm>>
      tpu.wait_indirect_dma semaphore(%arg14 : memref<!tpu.dma_semaphore, #tpu.memory_space<semaphore_mem>>) src(%dma_wait3A_102 : memref<10240x128xf32, #tpu.memory_space<hbm>>) dst(%arg11 : memref<128x128xf32, #tpu.memory_space<vmem>>)
      %run_scoped3A_103 = arith.constant 2 : i32
      "tpu.region"() ({
        %run_scoped3A_309 = tpu.sem_alloc : memref<!tpu.dma_semaphore, #tpu.memory_space<semaphore_mem>>
        %dma_start3A_310 = arith.constant 0 : i32
        %dma_start3A_311 = tpu.memref_slice %arg8[%run_scoped3A_103, %dma_start3A_310] : memref<8x128xi32, #tpu.memory_space<vmem>> -> memref<1x128xi32, #tpu.memory_space<vmem>>
        %dma_start3A_312 = tpu.memref_squeeze %dma_start3A_311 : memref<1x128xi32, #tpu.memory_space<vmem>> -> memref<128xi32, #tpu.memory_space<vmem>>
        %dma_start3A_313 = arith.constant 0 : i32
        %dma_start3A_314 = arith.constant 0 : i32
        %dma_start3A_315 = tpu.memref_slice %arg13[%dma_start3A_313, %dma_start3A_314] : memref<10240x128xf32, #tpu.memory_space<vmem_shared>> -> memref<10240x128xf32, #tpu.memory_space<vmem_shared>>
        tpu.enqueue_indirect_dma source(%arg11 : memref<128x128xf32, #tpu.memory_space<vmem>>) target(%dma_start3A_315 : memref<10240x128xf32, #tpu.memory_space<vmem_shared>>) offsets(%dma_start3A_312 : memref<128xi32, #tpu.memory_space<vmem>>) semaphore(%run_scoped3A_309 : memref<!tpu.dma_semaphore, #tpu.memory_space<semaphore_mem>>) {add = true}
        %dma_wait3A_316 = arith.constant 0 : i32
        %dma_wait3A_317 = tpu.memref_slice %arg8[%run_scoped3A_103, %dma_wait3A_316] : memref<8x128xi32, #tpu.memory_space<vmem>> -> memref<1x128xi32, #tpu.memory_space<vmem>>
        %dma_wait3A_318 = tpu.memref_squeeze %dma_wait3A_317 : memref<1x128xi32, #tpu.memory_space<vmem>> -> memref<128xi32, #tpu.memory_space<vmem>>
        %dma_wait3A_319 = arith.constant 0 : i32
        %dma_wait3A_320 = arith.constant 0 : i32
        %dma_wait3A_321 = tpu.memref_slice %arg13[%dma_wait3A_319, %dma_wait3A_320] : memref<10240x128xf32, #tpu.memory_space<vmem_shared>> -> memref<10240x128xf32, #tpu.memory_space<vmem_shared>>
        tpu.wait_indirect_dma semaphore(%run_scoped3A_309 : memref<!tpu.dma_semaphore, #tpu.memory_space<semaphore_mem>>) src(%arg11 : memref<128x128xf32, #tpu.memory_space<vmem>>) dst(%dma_wait3A_321 : memref<10240x128xf32, #tpu.memory_space<vmem_shared>>)
        tpu.yield
      }) : () -> ()
      %dma_start3A_104 = arith.constant 4 : i32
      %dma_start3A_105 = arith.constant 0 : i32
      %dma_start3A_106 = tpu.memref_slice %arg7[%dma_start3A_104, %dma_start3A_105] : memref<8x128xi32, #tpu.memory_space<vmem>> -> memref<1x128xi32, #tpu.memory_space<vmem>>
      %dma_start3A_107 = tpu.memref_squeeze %dma_start3A_106 : memref<1x128xi32, #tpu.memory_space<vmem>> -> memref<128xi32, #tpu.memory_space<vmem>>
      %dma_start3A_108 = arith.constant 0 : i32
      %dma_start3A_109 = arith.constant 0 : i32
      %dma_start3A_110 = tpu.memref_slice %arg2[%dma_start3A_108, %dma_start3A_109] : memref<10240x128xf32, #tpu.memory_space<hbm>> -> memref<10240x128xf32, #tpu.memory_space<hbm>>
      tpu.enqueue_indirect_dma source(%dma_start3A_110 : memref<10240x128xf32, #tpu.memory_space<hbm>>) target(%arg11 : memref<128x128xf32, #tpu.memory_space<vmem>>) offsets(%dma_start3A_107 : memref<128xi32, #tpu.memory_space<vmem>>) semaphore(%arg14 : memref<!tpu.dma_semaphore, #tpu.memory_space<semaphore_mem>>)
      %dma_wait3A_111 = arith.constant 3 : i32
      %dma_wait3A_112 = arith.constant 0 : i32
      %dma_wait3A_113 = tpu.memref_slice %arg7[%dma_wait3A_111, %dma_wait3A_112] : memref<8x128xi32, #tpu.memory_space<vmem>> -> memref<1x128xi32, #tpu.memory_space<vmem>>
      %dma_wait3A_114 = tpu.memref_squeeze %dma_wait3A_113 : memref<1x128xi32, #tpu.memory_space<vmem>> -> memref<128xi32, #tpu.memory_space<vmem>>
      %dma_wait3A_115 = arith.constant 0 : i32
      %dma_wait3A_116 = arith.constant 0 : i32
      %dma_wait3A_117 = tpu.memref_slice %arg2[%dma_wait3A_115, %dma_wait3A_116] : memref<10240x128xf32, #tpu.memory_space<hbm>> -> memref<10240x128xf32, #tpu.memory_space<hbm>>
      tpu.wait_indirect_dma semaphore(%arg15 : memref<!tpu.dma_semaphore, #tpu.memory_space<semaphore_mem>>) src(%dma_wait3A_117 : memref<10240x128xf32, #tpu.memory_space<hbm>>) dst(%arg12 : memref<128x128xf32, #tpu.memory_space<vmem>>)
      %run_scoped3A_118 = arith.constant 3 : i32
      "tpu.region"() ({
        %run_scoped3A_309 = tpu.sem_alloc : memref<!tpu.dma_semaphore, #tpu.memory_space<semaphore_mem>>
        %dma_start3A_310 = arith.constant 0 : i32
        %dma_start3A_311 = tpu.memref_slice %arg8[%run_scoped3A_118, %dma_start3A_310] : memref<8x128xi32, #tpu.memory_space<vmem>> -> memref<1x128xi32, #tpu.memory_space<vmem>>
        %dma_start3A_312 = tpu.memref_squeeze %dma_start3A_311 : memref<1x128xi32, #tpu.memory_space<vmem>> -> memref<128xi32, #tpu.memory_space<vmem>>
        %dma_start3A_313 = arith.constant 0 : i32
        %dma_start3A_314 = arith.constant 0 : i32
        %dma_start3A_315 = tpu.memref_slice %arg13[%dma_start3A_313, %dma_start3A_314] : memref<10240x128xf32, #tpu.memory_space<vmem_shared>> -> memref<10240x128xf32, #tpu.memory_space<vmem_shared>>
        tpu.enqueue_indirect_dma source(%arg12 : memref<128x128xf32, #tpu.memory_space<vmem>>) target(%dma_start3A_315 : memref<10240x128xf32, #tpu.memory_space<vmem_shared>>) offsets(%dma_start3A_312 : memref<128xi32, #tpu.memory_space<vmem>>) semaphore(%run_scoped3A_309 : memref<!tpu.dma_semaphore, #tpu.memory_space<semaphore_mem>>) {add = true}
        %dma_wait3A_316 = arith.constant 0 : i32
        %dma_wait3A_317 = tpu.memref_slice %arg8[%run_scoped3A_118, %dma_wait3A_316] : memref<8x128xi32, #tpu.memory_space<vmem>> -> memref<1x128xi32, #tpu.memory_space<vmem>>
        %dma_wait3A_318 = tpu.memref_squeeze %dma_wait3A_317 : memref<1x128xi32, #tpu.memory_space<vmem>> -> memref<128xi32, #tpu.memory_space<vmem>>
        %dma_wait3A_319 = arith.constant 0 : i32
        %dma_wait3A_320 = arith.constant 0 : i32
        %dma_wait3A_321 = tpu.memref_slice %arg13[%dma_wait3A_319, %dma_wait3A_320] : memref<10240x128xf32, #tpu.memory_space<vmem_shared>> -> memref<10240x128xf32, #tpu.memory_space<vmem_shared>>
        tpu.wait_indirect_dma semaphore(%run_scoped3A_309 : memref<!tpu.dma_semaphore, #tpu.memory_space<semaphore_mem>>) src(%arg12 : memref<128x128xf32, #tpu.memory_space<vmem>>) dst(%dma_wait3A_321 : memref<10240x128xf32, #tpu.memory_space<vmem_shared>>)
        tpu.yield
      }) : () -> ()
      %dma_start3A_119 = arith.constant 5 : i32
      %dma_start3A_120 = arith.constant 0 : i32
      %dma_start3A_121 = tpu.memref_slice %arg7[%dma_start3A_119, %dma_start3A_120] : memref<8x128xi32, #tpu.memory_space<vmem>> -> memref<1x128xi32, #tpu.memory_space<vmem>>
      %dma_start3A_122 = tpu.memref_squeeze %dma_start3A_121 : memref<1x128xi32, #tpu.memory_space<vmem>> -> memref<128xi32, #tpu.memory_space<vmem>>
      %dma_start3A_123 = arith.constant 0 : i32
      %dma_start3A_124 = arith.constant 0 : i32
      %dma_start3A_125 = tpu.memref_slice %arg2[%dma_start3A_123, %dma_start3A_124] : memref<10240x128xf32, #tpu.memory_space<hbm>> -> memref<10240x128xf32, #tpu.memory_space<hbm>>
      tpu.enqueue_indirect_dma source(%dma_start3A_125 : memref<10240x128xf32, #tpu.memory_space<hbm>>) target(%arg12 : memref<128x128xf32, #tpu.memory_space<vmem>>) offsets(%dma_start3A_122 : memref<128xi32, #tpu.memory_space<vmem>>) semaphore(%arg15 : memref<!tpu.dma_semaphore, #tpu.memory_space<semaphore_mem>>)
      %dma_wait3A_126 = arith.constant 4 : i32
      %dma_wait3A_127 = arith.constant 0 : i32
      %dma_wait3A_128 = tpu.memref_slice %arg7[%dma_wait3A_126, %dma_wait3A_127] : memref<8x128xi32, #tpu.memory_space<vmem>> -> memref<1x128xi32, #tpu.memory_space<vmem>>
      %dma_wait3A_129 = tpu.memref_squeeze %dma_wait3A_128 : memref<1x128xi32, #tpu.memory_space<vmem>> -> memref<128xi32, #tpu.memory_space<vmem>>
      %dma_wait3A_130 = arith.constant 0 : i32
      %dma_wait3A_131 = arith.constant 0 : i32
      %dma_wait3A_132 = tpu.memref_slice %arg2[%dma_wait3A_130, %dma_wait3A_131] : memref<10240x128xf32, #tpu.memory_space<hbm>> -> memref<10240x128xf32, #tpu.memory_space<hbm>>
      tpu.wait_indirect_dma semaphore(%arg14 : memref<!tpu.dma_semaphore, #tpu.memory_space<semaphore_mem>>) src(%dma_wait3A_132 : memref<10240x128xf32, #tpu.memory_space<hbm>>) dst(%arg11 : memref<128x128xf32, #tpu.memory_space<vmem>>)
      %run_scoped3A_133 = arith.constant 4 : i32
      "tpu.region"() ({
        %run_scoped3A_309 = tpu.sem_alloc : memref<!tpu.dma_semaphore, #tpu.memory_space<semaphore_mem>>
        %dma_start3A_310 = arith.constant 0 : i32
        %dma_start3A_311 = tpu.memref_slice %arg8[%run_scoped3A_133, %dma_start3A_310] : memref<8x128xi32, #tpu.memory_space<vmem>> -> memref<1x128xi32, #tpu.memory_space<vmem>>
        %dma_start3A_312 = tpu.memref_squeeze %dma_start3A_311 : memref<1x128xi32, #tpu.memory_space<vmem>> -> memref<128xi32, #tpu.memory_space<vmem>>
        %dma_start3A_313 = arith.constant 0 : i32
        %dma_start3A_314 = arith.constant 0 : i32
        %dma_start3A_315 = tpu.memref_slice %arg13[%dma_start3A_313, %dma_start3A_314] : memref<10240x128xf32, #tpu.memory_space<vmem_shared>> -> memref<10240x128xf32, #tpu.memory_space<vmem_shared>>
        tpu.enqueue_indirect_dma source(%arg11 : memref<128x128xf32, #tpu.memory_space<vmem>>) target(%dma_start3A_315 : memref<10240x128xf32, #tpu.memory_space<vmem_shared>>) offsets(%dma_start3A_312 : memref<128xi32, #tpu.memory_space<vmem>>) semaphore(%run_scoped3A_309 : memref<!tpu.dma_semaphore, #tpu.memory_space<semaphore_mem>>) {add = true}
        %dma_wait3A_316 = arith.constant 0 : i32
        %dma_wait3A_317 = tpu.memref_slice %arg8[%run_scoped3A_133, %dma_wait3A_316] : memref<8x128xi32, #tpu.memory_space<vmem>> -> memref<1x128xi32, #tpu.memory_space<vmem>>
        %dma_wait3A_318 = tpu.memref_squeeze %dma_wait3A_317 : memref<1x128xi32, #tpu.memory_space<vmem>> -> memref<128xi32, #tpu.memory_space<vmem>>
        %dma_wait3A_319 = arith.constant 0 : i32
        %dma_wait3A_320 = arith.constant 0 : i32
        %dma_wait3A_321 = tpu.memref_slice %arg13[%dma_wait3A_319, %dma_wait3A_320] : memref<10240x128xf32, #tpu.memory_space<vmem_shared>> -> memref<10240x128xf32, #tpu.memory_space<vmem_shared>>
        tpu.wait_indirect_dma semaphore(%run_scoped3A_309 : memref<!tpu.dma_semaphore, #tpu.memory_space<semaphore_mem>>) src(%arg11 : memref<128x128xf32, #tpu.memory_space<vmem>>) dst(%dma_wait3A_321 : memref<10240x128xf32, #tpu.memory_space<vmem_shared>>)
        tpu.yield
      }) : () -> ()
      %dma_start3A_134 = arith.constant 6 : i32
      %dma_start3A_135 = arith.constant 0 : i32
      %dma_start3A_136 = tpu.memref_slice %arg7[%dma_start3A_134, %dma_start3A_135] : memref<8x128xi32, #tpu.memory_space<vmem>> -> memref<1x128xi32, #tpu.memory_space<vmem>>
      %dma_start3A_137 = tpu.memref_squeeze %dma_start3A_136 : memref<1x128xi32, #tpu.memory_space<vmem>> -> memref<128xi32, #tpu.memory_space<vmem>>
      %dma_start3A_138 = arith.constant 0 : i32
      %dma_start3A_139 = arith.constant 0 : i32
      %dma_start3A_140 = tpu.memref_slice %arg2[%dma_start3A_138, %dma_start3A_139] : memref<10240x128xf32, #tpu.memory_space<hbm>> -> memref<10240x128xf32, #tpu.memory_space<hbm>>
      tpu.enqueue_indirect_dma source(%dma_start3A_140 : memref<10240x128xf32, #tpu.memory_space<hbm>>) target(%arg11 : memref<128x128xf32, #tpu.memory_space<vmem>>) offsets(%dma_start3A_137 : memref<128xi32, #tpu.memory_space<vmem>>) semaphore(%arg14 : memref<!tpu.dma_semaphore, #tpu.memory_space<semaphore_mem>>)
      %dma_wait3A_141 = arith.constant 5 : i32
      %dma_wait3A_142 = arith.constant 0 : i32
      %dma_wait3A_143 = tpu.memref_slice %arg7[%dma_wait3A_141, %dma_wait3A_142] : memref<8x128xi32, #tpu.memory_space<vmem>> -> memref<1x128xi32, #tpu.memory_space<vmem>>
      %dma_wait3A_144 = tpu.memref_squeeze %dma_wait3A_143 : memref<1x128xi32, #tpu.memory_space<vmem>> -> memref<128xi32, #tpu.memory_space<vmem>>
      %dma_wait3A_145 = arith.constant 0 : i32
      %dma_wait3A_146 = arith.constant 0 : i32
      %dma_wait3A_147 = tpu.memref_slice %arg2[%dma_wait3A_145, %dma_wait3A_146] : memref<10240x128xf32, #tpu.memory_space<hbm>> -> memref<10240x128xf32, #tpu.memory_space<hbm>>
      tpu.wait_indirect_dma semaphore(%arg15 : memref<!tpu.dma_semaphore, #tpu.memory_space<semaphore_mem>>) src(%dma_wait3A_147 : memref<10240x128xf32, #tpu.memory_space<hbm>>) dst(%arg12 : memref<128x128xf32, #tpu.memory_space<vmem>>)
      %run_scoped3A_148 = arith.constant 5 : i32
      "tpu.region"() ({
        %run_scoped3A_309 = tpu.sem_alloc : memref<!tpu.dma_semaphore, #tpu.memory_space<semaphore_mem>>
        %dma_start3A_310 = arith.constant 0 : i32
        %dma_start3A_311 = tpu.memref_slice %arg8[%run_scoped3A_148, %dma_start3A_310] : memref<8x128xi32, #tpu.memory_space<vmem>> -> memref<1x128xi32, #tpu.memory_space<vmem>>
        %dma_start3A_312 = tpu.memref_squeeze %dma_start3A_311 : memref<1x128xi32, #tpu.memory_space<vmem>> -> memref<128xi32, #tpu.memory_space<vmem>>
        %dma_start3A_313 = arith.constant 0 : i32
        %dma_start3A_314 = arith.constant 0 : i32
        %dma_start3A_315 = tpu.memref_slice %arg13[%dma_start3A_313, %dma_start3A_314] : memref<10240x128xf32, #tpu.memory_space<vmem_shared>> -> memref<10240x128xf32, #tpu.memory_space<vmem_shared>>
        tpu.enqueue_indirect_dma source(%arg12 : memref<128x128xf32, #tpu.memory_space<vmem>>) target(%dma_start3A_315 : memref<10240x128xf32, #tpu.memory_space<vmem_shared>>) offsets(%dma_start3A_312 : memref<128xi32, #tpu.memory_space<vmem>>) semaphore(%run_scoped3A_309 : memref<!tpu.dma_semaphore, #tpu.memory_space<semaphore_mem>>) {add = true}
        %dma_wait3A_316 = arith.constant 0 : i32
        %dma_wait3A_317 = tpu.memref_slice %arg8[%run_scoped3A_148, %dma_wait3A_316] : memref<8x128xi32, #tpu.memory_space<vmem>> -> memref<1x128xi32, #tpu.memory_space<vmem>>
        %dma_wait3A_318 = tpu.memref_squeeze %dma_wait3A_317 : memref<1x128xi32, #tpu.memory_space<vmem>> -> memref<128xi32, #tpu.memory_space<vmem>>
        %dma_wait3A_319 = arith.constant 0 : i32
        %dma_wait3A_320 = arith.constant 0 : i32
        %dma_wait3A_321 = tpu.memref_slice %arg13[%dma_wait3A_319, %dma_wait3A_320] : memref<10240x128xf32, #tpu.memory_space<vmem_shared>> -> memref<10240x128xf32, #tpu.memory_space<vmem_shared>>
        tpu.wait_indirect_dma semaphore(%run_scoped3A_309 : memref<!tpu.dma_semaphore, #tpu.memory_space<semaphore_mem>>) src(%arg12 : memref<128x128xf32, #tpu.memory_space<vmem>>) dst(%dma_wait3A_321 : memref<10240x128xf32, #tpu.memory_space<vmem_shared>>)
        tpu.yield
      }) : () -> ()
      %dma_start3A_149 = arith.constant 7 : i32
      %dma_start3A_150 = arith.constant 0 : i32
      %dma_start3A_151 = tpu.memref_slice %arg7[%dma_start3A_149, %dma_start3A_150] : memref<8x128xi32, #tpu.memory_space<vmem>> -> memref<1x128xi32, #tpu.memory_space<vmem>>
      %dma_start3A_152 = tpu.memref_squeeze %dma_start3A_151 : memref<1x128xi32, #tpu.memory_space<vmem>> -> memref<128xi32, #tpu.memory_space<vmem>>
      %dma_start3A_153 = arith.constant 0 : i32
      %dma_start3A_154 = arith.constant 0 : i32
      %dma_start3A_155 = tpu.memref_slice %arg2[%dma_start3A_153, %dma_start3A_154] : memref<10240x128xf32, #tpu.memory_space<hbm>> -> memref<10240x128xf32, #tpu.memory_space<hbm>>
      tpu.enqueue_indirect_dma source(%dma_start3A_155 : memref<10240x128xf32, #tpu.memory_space<hbm>>) target(%arg12 : memref<128x128xf32, #tpu.memory_space<vmem>>) offsets(%dma_start3A_152 : memref<128xi32, #tpu.memory_space<vmem>>) semaphore(%arg15 : memref<!tpu.dma_semaphore, #tpu.memory_space<semaphore_mem>>)
      %dma_wait3A_156 = arith.constant 6 : i32
      %dma_wait3A_157 = arith.constant 0 : i32
      %dma_wait3A_158 = tpu.memref_slice %arg7[%dma_wait3A_156, %dma_wait3A_157] : memref<8x128xi32, #tpu.memory_space<vmem>> -> memref<1x128xi32, #tpu.memory_space<vmem>>
      %dma_wait3A_159 = tpu.memref_squeeze %dma_wait3A_158 : memref<1x128xi32, #tpu.memory_space<vmem>> -> memref<128xi32, #tpu.memory_space<vmem>>
      %dma_wait3A_160 = arith.constant 0 : i32
      %dma_wait3A_161 = arith.constant 0 : i32
      %dma_wait3A_162 = tpu.memref_slice %arg2[%dma_wait3A_160, %dma_wait3A_161] : memref<10240x128xf32, #tpu.memory_space<hbm>> -> memref<10240x128xf32, #tpu.memory_space<hbm>>
      tpu.wait_indirect_dma semaphore(%arg14 : memref<!tpu.dma_semaphore, #tpu.memory_space<semaphore_mem>>) src(%dma_wait3A_162 : memref<10240x128xf32, #tpu.memory_space<hbm>>) dst(%arg11 : memref<128x128xf32, #tpu.memory_space<vmem>>)
      %run_scoped3A_163 = arith.constant 6 : i32
      "tpu.region"() ({
        %run_scoped3A_309 = tpu.sem_alloc : memref<!tpu.dma_semaphore, #tpu.memory_space<semaphore_mem>>
        %dma_start3A_310 = arith.constant 0 : i32
        %dma_start3A_311 = tpu.memref_slice %arg8[%run_scoped3A_163, %dma_start3A_310] : memref<8x128xi32, #tpu.memory_space<vmem>> -> memref<1x128xi32, #tpu.memory_space<vmem>>
        %dma_start3A_312 = tpu.memref_squeeze %dma_start3A_311 : memref<1x128xi32, #tpu.memory_space<vmem>> -> memref<128xi32, #tpu.memory_space<vmem>>
        %dma_start3A_313 = arith.constant 0 : i32
        %dma_start3A_314 = arith.constant 0 : i32
        %dma_start3A_315 = tpu.memref_slice %arg13[%dma_start3A_313, %dma_start3A_314] : memref<10240x128xf32, #tpu.memory_space<vmem_shared>> -> memref<10240x128xf32, #tpu.memory_space<vmem_shared>>
        tpu.enqueue_indirect_dma source(%arg11 : memref<128x128xf32, #tpu.memory_space<vmem>>) target(%dma_start3A_315 : memref<10240x128xf32, #tpu.memory_space<vmem_shared>>) offsets(%dma_start3A_312 : memref<128xi32, #tpu.memory_space<vmem>>) semaphore(%run_scoped3A_309 : memref<!tpu.dma_semaphore, #tpu.memory_space<semaphore_mem>>) {add = true}
        %dma_wait3A_316 = arith.constant 0 : i32
        %dma_wait3A_317 = tpu.memref_slice %arg8[%run_scoped3A_163, %dma_wait3A_316] : memref<8x128xi32, #tpu.memory_space<vmem>> -> memref<1x128xi32, #tpu.memory_space<vmem>>
        %dma_wait3A_318 = tpu.memref_squeeze %dma_wait3A_317 : memref<1x128xi32, #tpu.memory_space<vmem>> -> memref<128xi32, #tpu.memory_space<vmem>>
        %dma_wait3A_319 = arith.constant 0 : i32
        %dma_wait3A_320 = arith.constant 0 : i32
        %dma_wait3A_321 = tpu.memref_slice %arg13[%dma_wait3A_319, %dma_wait3A_320] : memref<10240x128xf32, #tpu.memory_space<vmem_shared>> -> memref<10240x128xf32, #tpu.memory_space<vmem_shared>>
        tpu.wait_indirect_dma semaphore(%run_scoped3A_309 : memref<!tpu.dma_semaphore, #tpu.memory_space<semaphore_mem>>) src(%arg11 : memref<128x128xf32, #tpu.memory_space<vmem>>) dst(%dma_wait3A_321 : memref<10240x128xf32, #tpu.memory_space<vmem_shared>>)
        tpu.yield
      }) : () -> ()
      %dma_wait3A_164 = arith.constant 7 : i32
      %dma_wait3A_165 = arith.constant 0 : i32
      %dma_wait3A_166 = tpu.memref_slice %arg7[%dma_wait3A_164, %dma_wait3A_165] : memref<8x128xi32, #tpu.memory_space<vmem>> -> memref<1x128xi32, #tpu.memory_space<vmem>>
      %dma_wait3A_167 = tpu.memref_squeeze %dma_wait3A_166 : memref<1x128xi32, #tpu.memory_space<vmem>> -> memref<128xi32, #tpu.memory_space<vmem>>
      %dma_wait3A_168 = arith.constant 0 : i32
      %dma_wait3A_169 = arith.constant 0 : i32
      %dma_wait3A_170 = tpu.memref_slice %arg2[%dma_wait3A_168, %dma_wait3A_169] : memref<10240x128xf32, #tpu.memory_space<hbm>> -> memref<10240x128xf32, #tpu.memory_space<hbm>>
      tpu.wait_indirect_dma semaphore(%arg15 : memref<!tpu.dma_semaphore, #tpu.memory_space<semaphore_mem>>) src(%dma_wait3A_170 : memref<10240x128xf32, #tpu.memory_space<hbm>>) dst(%arg12 : memref<128x128xf32, #tpu.memory_space<vmem>>)
      %run_scoped3A_171 = arith.constant 7 : i32
      "tpu.region"() ({
        %run_scoped3A_309 = tpu.sem_alloc : memref<!tpu.dma_semaphore, #tpu.memory_space<semaphore_mem>>
        %dma_start3A_310 = arith.constant 0 : i32
        %dma_start3A_311 = tpu.memref_slice %arg8[%run_scoped3A_171, %dma_start3A_310] : memref<8x128xi32, #tpu.memory_space<vmem>> -> memref<1x128xi32, #tpu.memory_space<vmem>>
        %dma_start3A_312 = tpu.memref_squeeze %dma_start3A_311 : memref<1x128xi32, #tpu.memory_space<vmem>> -> memref<128xi32, #tpu.memory_space<vmem>>
        %dma_start3A_313 = arith.constant 0 : i32
        %dma_start3A_314 = arith.constant 0 : i32
        %dma_start3A_315 = tpu.memref_slice %arg13[%dma_start3A_313, %dma_start3A_314] : memref<10240x128xf32, #tpu.memory_space<vmem_shared>> -> memref<10240x128xf32, #tpu.memory_space<vmem_shared>>
        tpu.enqueue_indirect_dma source(%arg12 : memref<128x128xf32, #tpu.memory_space<vmem>>) target(%dma_start3A_315 : memref<10240x128xf32, #tpu.memory_space<vmem_shared>>) offsets(%dma_start3A_312 : memref<128xi32, #tpu.memory_space<vmem>>) semaphore(%run_scoped3A_309 : memref<!tpu.dma_semaphore, #tpu.memory_space<semaphore_mem>>) {add = true}
        %dma_wait3A_316 = arith.constant 0 : i32
        %dma_wait3A_317 = tpu.memref_slice %arg8[%run_scoped3A_171, %dma_wait3A_316] : memref<8x128xi32, #tpu.memory_space<vmem>> -> memref<1x128xi32, #tpu.memory_space<vmem>>
        %dma_wait3A_318 = tpu.memref_squeeze %dma_wait3A_317 : memref<1x128xi32, #tpu.memory_space<vmem>> -> memref<128xi32, #tpu.memory_space<vmem>>
        %dma_wait3A_319 = arith.constant 0 : i32
        %dma_wait3A_320 = arith.constant 0 : i32
        %dma_wait3A_321 = tpu.memref_slice %arg13[%dma_wait3A_319, %dma_wait3A_320] : memref<10240x128xf32, #tpu.memory_space<vmem_shared>> -> memref<10240x128xf32, #tpu.memory_space<vmem_shared>>
        tpu.wait_indirect_dma semaphore(%run_scoped3A_309 : memref<!tpu.dma_semaphore, #tpu.memory_space<semaphore_mem>>) src(%arg12 : memref<128x128xf32, #tpu.memory_space<vmem>>) dst(%dma_wait3A_321 : memref<10240x128xf32, #tpu.memory_space<vmem_shared>>)
        tpu.yield
      }) : () -> ()
      %add3A_172 = arith.constant 1 : i32
      %add3A_173 = arith.addi %mul3A_29, %add3A_172 : i32
      %mul3A_174 = arith.constant 8 : i32
      %mul3A_175 = arith.muli %add3A_173, %mul3A_174 : i32
      %add3A_176 = arith.addi %mul3A_2, %mul3A_175 : i32
      %dma_wait3A_177 = arith.constant 0 : i32
      %dma_wait3A_178 = tpu.memref_slice %arg3[%add3A_176, %dma_wait3A_177] : memref<2560x128xi32, #tpu.memory_space<hbm>> -> memref<8x128xi32, #tpu.memory_space<hbm>>
      %dma_wait3A_179 = arith.constant 0 : i32
      %dma_wait3A_180 = tpu.memref_slice %arg3[%add3A_176, %dma_wait3A_179] : memref<2560x128xi32, #tpu.memory_space<hbm>> -> memref<8x128xi32, #tpu.memory_space<hbm>>
      tpu.wait_dma2 semaphore(%arg17 : memref<!tpu.dma_semaphore, #tpu.memory_space<semaphore_mem>>) src(%dma_wait3A_180 : memref<8x128xi32, #tpu.memory_space<hbm>>) dst(%arg9 : memref<8x128xi32, #tpu.memory_space<vmem>>)
      %dma_wait3A_181 = arith.constant 0 : i32
      %dma_wait3A_182 = tpu.memref_slice %arg4[%add3A_176, %dma_wait3A_181] : memref<2560x128xi32, #tpu.memory_space<hbm>> -> memref<8x128xi32, #tpu.memory_space<hbm>>
      %dma_wait3A_183 = arith.constant 0 : i32
      %dma_wait3A_184 = tpu.memref_slice %arg4[%add3A_176, %dma_wait3A_183] : memref<2560x128xi32, #tpu.memory_space<hbm>> -> memref<8x128xi32, #tpu.memory_space<hbm>>
      tpu.wait_dma2 semaphore(%arg17 : memref<!tpu.dma_semaphore, #tpu.memory_space<semaphore_mem>>) src(%dma_wait3A_184 : memref<8x128xi32, #tpu.memory_space<hbm>>) dst(%arg10 : memref<8x128xi32, #tpu.memory_space<vmem>>)
      %add3A_185 = arith.constant 2 : i32
      %add3A_186 = arith.addi %mul3A_29, %add3A_185 : i32
      %lt3A = arith.constant 10 : i32
      %lt3A_187 = arith.cmpi slt, %add3A_186, %lt3A : i32
      %convert_element_type3A = arith.extui %lt3A_187 : i1 to i32
      %cond3A = arith.constant 0 : i32
      %cond3A_188 = arith.cmpi ne, %convert_element_type3A, %cond3A : i32
      scf.if %cond3A_188 {
        %add3A_309 = arith.constant 2 : i32
        %add3A_310 = arith.addi %mul3A_29, %add3A_309 : i32
        %mul3A_311 = arith.constant 8 : i32
        %mul3A_312 = arith.muli %add3A_310, %mul3A_311 : i32
        %add3A_313 = arith.addi %mul3A_2, %mul3A_312 : i32
        %dma_start3A_314 = arith.constant 0 : i32
        %dma_start3A_315 = tpu.memref_slice %arg3[%add3A_313, %dma_start3A_314] : memref<2560x128xi32, #tpu.memory_space<hbm>> -> memref<8x128xi32, #tpu.memory_space<hbm>>
        %dma_start3A_316 = arith.constant 0 : i32
        %dma_start3A_317 = tpu.memref_slice %arg3[%add3A_313, %dma_start3A_316] : memref<2560x128xi32, #tpu.memory_space<hbm>> -> memref<8x128xi32, #tpu.memory_space<hbm>>
        tpu.enqueue_dma source(%dma_start3A_317 : memref<8x128xi32, #tpu.memory_space<hbm>>) target(%arg7 : memref<8x128xi32, #tpu.memory_space<vmem>>) target_semaphore(%arg16 : memref<!tpu.dma_semaphore, #tpu.memory_space<semaphore_mem>>)
        %dma_start3A_318 = arith.constant 0 : i32
        %dma_start3A_319 = tpu.memref_slice %arg4[%add3A_313, %dma_start3A_318] : memref<2560x128xi32, #tpu.memory_space<hbm>> -> memref<8x128xi32, #tpu.memory_space<hbm>>
        %dma_start3A_320 = arith.constant 0 : i32
        %dma_start3A_321 = tpu.memref_slice %arg4[%add3A_313, %dma_start3A_320] : memref<2560x128xi32, #tpu.memory_space<hbm>> -> memref<8x128xi32, #tpu.memory_space<hbm>>
        tpu.enqueue_dma source(%dma_start3A_321 : memref<8x128xi32, #tpu.memory_space<hbm>>) target(%arg8 : memref<8x128xi32, #tpu.memory_space<vmem>>) target_semaphore(%arg16 : memref<!tpu.dma_semaphore, #tpu.memory_space<semaphore_mem>>)
      } else {
      }
      %dma_start3A_189 = arith.constant 0 : i32
      %dma_start3A_190 = arith.constant 0 : i32
      %dma_start3A_191 = tpu.memref_slice %arg9[%dma_start3A_189, %dma_start3A_190] : memref<8x128xi32, #tpu.memory_space<vmem>> -> memref<1x128xi32, #tpu.memory_space<vmem>>
      %dma_start3A_192 = tpu.memref_squeeze %dma_start3A_191 : memref<1x128xi32, #tpu.memory_space<vmem>> -> memref<128xi32, #tpu.memory_space<vmem>>
      %dma_start3A_193 = arith.constant 0 : i32
      %dma_start3A_194 = arith.constant 0 : i32
      %dma_start3A_195 = tpu.memref_slice %arg2[%dma_start3A_193, %dma_start3A_194] : memref<10240x128xf32, #tpu.memory_space<hbm>> -> memref<10240x128xf32, #tpu.memory_space<hbm>>
      tpu.enqueue_indirect_dma source(%dma_start3A_195 : memref<10240x128xf32, #tpu.memory_space<hbm>>) target(%arg11 : memref<128x128xf32, #tpu.memory_space<vmem>>) offsets(%dma_start3A_192 : memref<128xi32, #tpu.memory_space<vmem>>) semaphore(%arg14 : memref<!tpu.dma_semaphore, #tpu.memory_space<semaphore_mem>>)
      %dma_start3A_196 = arith.constant 1 : i32
      %dma_start3A_197 = arith.constant 0 : i32
      %dma_start3A_198 = tpu.memref_slice %arg9[%dma_start3A_196, %dma_start3A_197] : memref<8x128xi32, #tpu.memory_space<vmem>> -> memref<1x128xi32, #tpu.memory_space<vmem>>
      %dma_start3A_199 = tpu.memref_squeeze %dma_start3A_198 : memref<1x128xi32, #tpu.memory_space<vmem>> -> memref<128xi32, #tpu.memory_space<vmem>>
      %dma_start3A_200 = arith.constant 0 : i32
      %dma_start3A_201 = arith.constant 0 : i32
      %dma_start3A_202 = tpu.memref_slice %arg2[%dma_start3A_200, %dma_start3A_201] : memref<10240x128xf32, #tpu.memory_space<hbm>> -> memref<10240x128xf32, #tpu.memory_space<hbm>>
      tpu.enqueue_indirect_dma source(%dma_start3A_202 : memref<10240x128xf32, #tpu.memory_space<hbm>>) target(%arg12 : memref<128x128xf32, #tpu.memory_space<vmem>>) offsets(%dma_start3A_199 : memref<128xi32, #tpu.memory_space<vmem>>) semaphore(%arg15 : memref<!tpu.dma_semaphore, #tpu.memory_space<semaphore_mem>>)
      %dma_wait3A_203 = arith.constant 0 : i32
      %dma_wait3A_204 = arith.constant 0 : i32
      %dma_wait3A_205 = tpu.memref_slice %arg9[%dma_wait3A_203, %dma_wait3A_204] : memref<8x128xi32, #tpu.memory_space<vmem>> -> memref<1x128xi32, #tpu.memory_space<vmem>>
      %dma_wait3A_206 = tpu.memref_squeeze %dma_wait3A_205 : memref<1x128xi32, #tpu.memory_space<vmem>> -> memref<128xi32, #tpu.memory_space<vmem>>
      %dma_wait3A_207 = arith.constant 0 : i32
      %dma_wait3A_208 = arith.constant 0 : i32
      %dma_wait3A_209 = tpu.memref_slice %arg2[%dma_wait3A_207, %dma_wait3A_208] : memref<10240x128xf32, #tpu.memory_space<hbm>> -> memref<10240x128xf32, #tpu.memory_space<hbm>>
      tpu.wait_indirect_dma semaphore(%arg14 : memref<!tpu.dma_semaphore, #tpu.memory_space<semaphore_mem>>) src(%dma_wait3A_209 : memref<10240x128xf32, #tpu.memory_space<hbm>>) dst(%arg11 : memref<128x128xf32, #tpu.memory_space<vmem>>)
      %run_scoped3A_210 = arith.constant 0 : i32
      "tpu.region"() ({
        %run_scoped3A_309 = tpu.sem_alloc : memref<!tpu.dma_semaphore, #tpu.memory_space<semaphore_mem>>
        %dma_start3A_310 = arith.constant 0 : i32
        %dma_start3A_311 = tpu.memref_slice %arg10[%run_scoped3A_210, %dma_start3A_310] : memref<8x128xi32, #tpu.memory_space<vmem>> -> memref<1x128xi32, #tpu.memory_space<vmem>>
        %dma_start3A_312 = tpu.memref_squeeze %dma_start3A_311 : memref<1x128xi32, #tpu.memory_space<vmem>> -> memref<128xi32, #tpu.memory_space<vmem>>
        %dma_start3A_313 = arith.constant 0 : i32
        %dma_start3A_314 = arith.constant 0 : i32
        %dma_start3A_315 = tpu.memref_slice %arg13[%dma_start3A_313, %dma_start3A_314] : memref<10240x128xf32, #tpu.memory_space<vmem_shared>> -> memref<10240x128xf32, #tpu.memory_space<vmem_shared>>
        tpu.enqueue_indirect_dma source(%arg11 : memref<128x128xf32, #tpu.memory_space<vmem>>) target(%dma_start3A_315 : memref<10240x128xf32, #tpu.memory_space<vmem_shared>>) offsets(%dma_start3A_312 : memref<128xi32, #tpu.memory_space<vmem>>) semaphore(%run_scoped3A_309 : memref<!tpu.dma_semaphore, #tpu.memory_space<semaphore_mem>>) {add = true}
        %dma_wait3A_316 = arith.constant 0 : i32
        %dma_wait3A_317 = tpu.memref_slice %arg10[%run_scoped3A_210, %dma_wait3A_316] : memref<8x128xi32, #tpu.memory_space<vmem>> -> memref<1x128xi32, #tpu.memory_space<vmem>>
        %dma_wait3A_318 = tpu.memref_squeeze %dma_wait3A_317 : memref<1x128xi32, #tpu.memory_space<vmem>> -> memref<128xi32, #tpu.memory_space<vmem>>
        %dma_wait3A_319 = arith.constant 0 : i32
        %dma_wait3A_320 = arith.constant 0 : i32
        %dma_wait3A_321 = tpu.memref_slice %arg13[%dma_wait3A_319, %dma_wait3A_320] : memref<10240x128xf32, #tpu.memory_space<vmem_shared>> -> memref<10240x128xf32, #tpu.memory_space<vmem_shared>>
        tpu.wait_indirect_dma semaphore(%run_scoped3A_309 : memref<!tpu.dma_semaphore, #tpu.memory_space<semaphore_mem>>) src(%arg11 : memref<128x128xf32, #tpu.memory_space<vmem>>) dst(%dma_wait3A_321 : memref<10240x128xf32, #tpu.memory_space<vmem_shared>>)
        tpu.yield
      }) : () -> ()
      %dma_start3A_211 = arith.constant 2 : i32
      %dma_start3A_212 = arith.constant 0 : i32
      %dma_start3A_213 = tpu.memref_slice %arg9[%dma_start3A_211, %dma_start3A_212] : memref<8x128xi32, #tpu.memory_space<vmem>> -> memref<1x128xi32, #tpu.memory_space<vmem>>
      %dma_start3A_214 = tpu.memref_squeeze %dma_start3A_213 : memref<1x128xi32, #tpu.memory_space<vmem>> -> memref<128xi32, #tpu.memory_space<vmem>>
      %dma_start3A_215 = arith.constant 0 : i32
      %dma_start3A_216 = arith.constant 0 : i32
      %dma_start3A_217 = tpu.memref_slice %arg2[%dma_start3A_215, %dma_start3A_216] : memref<10240x128xf32, #tpu.memory_space<hbm>> -> memref<10240x128xf32, #tpu.memory_space<hbm>>
      tpu.enqueue_indirect_dma source(%dma_start3A_217 : memref<10240x128xf32, #tpu.memory_space<hbm>>) target(%arg11 : memref<128x128xf32, #tpu.memory_space<vmem>>) offsets(%dma_start3A_214 : memref<128xi32, #tpu.memory_space<vmem>>) semaphore(%arg14 : memref<!tpu.dma_semaphore, #tpu.memory_space<semaphore_mem>>)
      %dma_wait3A_218 = arith.constant 1 : i32
      %dma_wait3A_219 = arith.constant 0 : i32
      %dma_wait3A_220 = tpu.memref_slice %arg9[%dma_wait3A_218, %dma_wait3A_219] : memref<8x128xi32, #tpu.memory_space<vmem>> -> memref<1x128xi32, #tpu.memory_space<vmem>>
      %dma_wait3A_221 = tpu.memref_squeeze %dma_wait3A_220 : memref<1x128xi32, #tpu.memory_space<vmem>> -> memref<128xi32, #tpu.memory_space<vmem>>
      %dma_wait3A_222 = arith.constant 0 : i32
      %dma_wait3A_223 = arith.constant 0 : i32
      %dma_wait3A_224 = tpu.memref_slice %arg2[%dma_wait3A_222, %dma_wait3A_223] : memref<10240x128xf32, #tpu.memory_space<hbm>> -> memref<10240x128xf32, #tpu.memory_space<hbm>>
      tpu.wait_indirect_dma semaphore(%arg15 : memref<!tpu.dma_semaphore, #tpu.memory_space<semaphore_mem>>) src(%dma_wait3A_224 : memref<10240x128xf32, #tpu.memory_space<hbm>>) dst(%arg12 : memref<128x128xf32, #tpu.memory_space<vmem>>)
      %run_scoped3A_225 = arith.constant 1 : i32
      "tpu.region"() ({
        %run_scoped3A_309 = tpu.sem_alloc : memref<!tpu.dma_semaphore, #tpu.memory_space<semaphore_mem>>
        %dma_start3A_310 = arith.constant 0 : i32
        %dma_start3A_311 = tpu.memref_slice %arg10[%run_scoped3A_225, %dma_start3A_310] : memref<8x128xi32, #tpu.memory_space<vmem>> -> memref<1x128xi32, #tpu.memory_space<vmem>>
        %dma_start3A_312 = tpu.memref_squeeze %dma_start3A_311 : memref<1x128xi32, #tpu.memory_space<vmem>> -> memref<128xi32, #tpu.memory_space<vmem>>
        %dma_start3A_313 = arith.constant 0 : i32
        %dma_start3A_314 = arith.constant 0 : i32
        %dma_start3A_315 = tpu.memref_slice %arg13[%dma_start3A_313, %dma_start3A_314] : memref<10240x128xf32, #tpu.memory_space<vmem_shared>> -> memref<10240x128xf32, #tpu.memory_space<vmem_shared>>
        tpu.enqueue_indirect_dma source(%arg12 : memref<128x128xf32, #tpu.memory_space<vmem>>) target(%dma_start3A_315 : memref<10240x128xf32, #tpu.memory_space<vmem_shared>>) offsets(%dma_start3A_312 : memref<128xi32, #tpu.memory_space<vmem>>) semaphore(%run_scoped3A_309 : memref<!tpu.dma_semaphore, #tpu.memory_space<semaphore_mem>>) {add = true}
        %dma_wait3A_316 = arith.constant 0 : i32
        %dma_wait3A_317 = tpu.memref_slice %arg10[%run_scoped3A_225, %dma_wait3A_316] : memref<8x128xi32, #tpu.memory_space<vmem>> -> memref<1x128xi32, #tpu.memory_space<vmem>>
        %dma_wait3A_318 = tpu.memref_squeeze %dma_wait3A_317 : memref<1x128xi32, #tpu.memory_space<vmem>> -> memref<128xi32, #tpu.memory_space<vmem>>
        %dma_wait3A_319 = arith.constant 0 : i32
        %dma_wait3A_320 = arith.constant 0 : i32
        %dma_wait3A_321 = tpu.memref_slice %arg13[%dma_wait3A_319, %dma_wait3A_320] : memref<10240x128xf32, #tpu.memory_space<vmem_shared>> -> memref<10240x128xf32, #tpu.memory_space<vmem_shared>>
        tpu.wait_indirect_dma semaphore(%run_scoped3A_309 : memref<!tpu.dma_semaphore, #tpu.memory_space<semaphore_mem>>) src(%arg12 : memref<128x128xf32, #tpu.memory_space<vmem>>) dst(%dma_wait3A_321 : memref<10240x128xf32, #tpu.memory_space<vmem_shared>>)
        tpu.yield
      }) : () -> ()
      %dma_start3A_226 = arith.constant 3 : i32
      %dma_start3A_227 = arith.constant 0 : i32
      %dma_start3A_228 = tpu.memref_slice %arg9[%dma_start3A_226, %dma_start3A_227] : memref<8x128xi32, #tpu.memory_space<vmem>> -> memref<1x128xi32, #tpu.memory_space<vmem>>
      %dma_start3A_229 = tpu.memref_squeeze %dma_start3A_228 : memref<1x128xi32, #tpu.memory_space<vmem>> -> memref<128xi32, #tpu.memory_space<vmem>>
      %dma_start3A_230 = arith.constant 0 : i32
      %dma_start3A_231 = arith.constant 0 : i32
      %dma_start3A_232 = tpu.memref_slice %arg2[%dma_start3A_230, %dma_start3A_231] : memref<10240x128xf32, #tpu.memory_space<hbm>> -> memref<10240x128xf32, #tpu.memory_space<hbm>>
      tpu.enqueue_indirect_dma source(%dma_start3A_232 : memref<10240x128xf32, #tpu.memory_space<hbm>>) target(%arg12 : memref<128x128xf32, #tpu.memory_space<vmem>>) offsets(%dma_start3A_229 : memref<128xi32, #tpu.memory_space<vmem>>) semaphore(%arg15 : memref<!tpu.dma_semaphore, #tpu.memory_space<semaphore_mem>>)
      %dma_wait3A_233 = arith.constant 2 : i32
      %dma_wait3A_234 = arith.constant 0 : i32
      %dma_wait3A_235 = tpu.memref_slice %arg9[%dma_wait3A_233, %dma_wait3A_234] : memref<8x128xi32, #tpu.memory_space<vmem>> -> memref<1x128xi32, #tpu.memory_space<vmem>>
      %dma_wait3A_236 = tpu.memref_squeeze %dma_wait3A_235 : memref<1x128xi32, #tpu.memory_space<vmem>> -> memref<128xi32, #tpu.memory_space<vmem>>
      %dma_wait3A_237 = arith.constant 0 : i32
      %dma_wait3A_238 = arith.constant 0 : i32
      %dma_wait3A_239 = tpu.memref_slice %arg2[%dma_wait3A_237, %dma_wait3A_238] : memref<10240x128xf32, #tpu.memory_space<hbm>> -> memref<10240x128xf32, #tpu.memory_space<hbm>>
      tpu.wait_indirect_dma semaphore(%arg14 : memref<!tpu.dma_semaphore, #tpu.memory_space<semaphore_mem>>) src(%dma_wait3A_239 : memref<10240x128xf32, #tpu.memory_space<hbm>>) dst(%arg11 : memref<128x128xf32, #tpu.memory_space<vmem>>)
      %run_scoped3A_240 = arith.constant 2 : i32
      "tpu.region"() ({
        %run_scoped3A_309 = tpu.sem_alloc : memref<!tpu.dma_semaphore, #tpu.memory_space<semaphore_mem>>
        %dma_start3A_310 = arith.constant 0 : i32
        %dma_start3A_311 = tpu.memref_slice %arg10[%run_scoped3A_240, %dma_start3A_310] : memref<8x128xi32, #tpu.memory_space<vmem>> -> memref<1x128xi32, #tpu.memory_space<vmem>>
        %dma_start3A_312 = tpu.memref_squeeze %dma_start3A_311 : memref<1x128xi32, #tpu.memory_space<vmem>> -> memref<128xi32, #tpu.memory_space<vmem>>
        %dma_start3A_313 = arith.constant 0 : i32
        %dma_start3A_314 = arith.constant 0 : i32
        %dma_start3A_315 = tpu.memref_slice %arg13[%dma_start3A_313, %dma_start3A_314] : memref<10240x128xf32, #tpu.memory_space<vmem_shared>> -> memref<10240x128xf32, #tpu.memory_space<vmem_shared>>
        tpu.enqueue_indirect_dma source(%arg11 : memref<128x128xf32, #tpu.memory_space<vmem>>) target(%dma_start3A_315 : memref<10240x128xf32, #tpu.memory_space<vmem_shared>>) offsets(%dma_start3A_312 : memref<128xi32, #tpu.memory_space<vmem>>) semaphore(%run_scoped3A_309 : memref<!tpu.dma_semaphore, #tpu.memory_space<semaphore_mem>>) {add = true}
        %dma_wait3A_316 = arith.constant 0 : i32
        %dma_wait3A_317 = tpu.memref_slice %arg10[%run_scoped3A_240, %dma_wait3A_316] : memref<8x128xi32, #tpu.memory_space<vmem>> -> memref<1x128xi32, #tpu.memory_space<vmem>>
        %dma_wait3A_318 = tpu.memref_squeeze %dma_wait3A_317 : memref<1x128xi32, #tpu.memory_space<vmem>> -> memref<128xi32, #tpu.memory_space<vmem>>
        %dma_wait3A_319 = arith.constant 0 : i32
        %dma_wait3A_320 = arith.constant 0 : i32
        %dma_wait3A_321 = tpu.memref_slice %arg13[%dma_wait3A_319, %dma_wait3A_320] : memref<10240x128xf32, #tpu.memory_space<vmem_shared>> -> memref<10240x128xf32, #tpu.memory_space<vmem_shared>>
        tpu.wait_indirect_dma semaphore(%run_scoped3A_309 : memref<!tpu.dma_semaphore, #tpu.memory_space<semaphore_mem>>) src(%arg11 : memref<128x128xf32, #tpu.memory_space<vmem>>) dst(%dma_wait3A_321 : memref<10240x128xf32, #tpu.memory_space<vmem_shared>>)
        tpu.yield
      }) : () -> ()
      %dma_start3A_241 = arith.constant 4 : i32
      %dma_start3A_242 = arith.constant 0 : i32
      %dma_start3A_243 = tpu.memref_slice %arg9[%dma_start3A_241, %dma_start3A_242] : memref<8x128xi32, #tpu.memory_space<vmem>> -> memref<1x128xi32, #tpu.memory_space<vmem>>
      %dma_start3A_244 = tpu.memref_squeeze %dma_start3A_243 : memref<1x128xi32, #tpu.memory_space<vmem>> -> memref<128xi32, #tpu.memory_space<vmem>>
      %dma_start3A_245 = arith.constant 0 : i32
      %dma_start3A_246 = arith.constant 0 : i32
      %dma_start3A_247 = tpu.memref_slice %arg2[%dma_start3A_245, %dma_start3A_246] : memref<10240x128xf32, #tpu.memory_space<hbm>> -> memref<10240x128xf32, #tpu.memory_space<hbm>>
      tpu.enqueue_indirect_dma source(%dma_start3A_247 : memref<10240x128xf32, #tpu.memory_space<hbm>>) target(%arg11 : memref<128x128xf32, #tpu.memory_space<vmem>>) offsets(%dma_start3A_244 : memref<128xi32, #tpu.memory_space<vmem>>) semaphore(%arg14 : memref<!tpu.dma_semaphore, #tpu.memory_space<semaphore_mem>>)
      %dma_wait3A_248 = arith.constant 3 : i32
      %dma_wait3A_249 = arith.constant 0 : i32
      %dma_wait3A_250 = tpu.memref_slice %arg9[%dma_wait3A_248, %dma_wait3A_249] : memref<8x128xi32, #tpu.memory_space<vmem>> -> memref<1x128xi32, #tpu.memory_space<vmem>>
      %dma_wait3A_251 = tpu.memref_squeeze %dma_wait3A_250 : memref<1x128xi32, #tpu.memory_space<vmem>> -> memref<128xi32, #tpu.memory_space<vmem>>
      %dma_wait3A_252 = arith.constant 0 : i32
      %dma_wait3A_253 = arith.constant 0 : i32
      %dma_wait3A_254 = tpu.memref_slice %arg2[%dma_wait3A_252, %dma_wait3A_253] : memref<10240x128xf32, #tpu.memory_space<hbm>> -> memref<10240x128xf32, #tpu.memory_space<hbm>>
      tpu.wait_indirect_dma semaphore(%arg15 : memref<!tpu.dma_semaphore, #tpu.memory_space<semaphore_mem>>) src(%dma_wait3A_254 : memref<10240x128xf32, #tpu.memory_space<hbm>>) dst(%arg12 : memref<128x128xf32, #tpu.memory_space<vmem>>)
      %run_scoped3A_255 = arith.constant 3 : i32
      "tpu.region"() ({
        %run_scoped3A_309 = tpu.sem_alloc : memref<!tpu.dma_semaphore, #tpu.memory_space<semaphore_mem>>
        %dma_start3A_310 = arith.constant 0 : i32
        %dma_start3A_311 = tpu.memref_slice %arg10[%run_scoped3A_255, %dma_start3A_310] : memref<8x128xi32, #tpu.memory_space<vmem>> -> memref<1x128xi32, #tpu.memory_space<vmem>>
        %dma_start3A_312 = tpu.memref_squeeze %dma_start3A_311 : memref<1x128xi32, #tpu.memory_space<vmem>> -> memref<128xi32, #tpu.memory_space<vmem>>
        %dma_start3A_313 = arith.constant 0 : i32
        %dma_start3A_314 = arith.constant 0 : i32
        %dma_start3A_315 = tpu.memref_slice %arg13[%dma_start3A_313, %dma_start3A_314] : memref<10240x128xf32, #tpu.memory_space<vmem_shared>> -> memref<10240x128xf32, #tpu.memory_space<vmem_shared>>
        tpu.enqueue_indirect_dma source(%arg12 : memref<128x128xf32, #tpu.memory_space<vmem>>) target(%dma_start3A_315 : memref<10240x128xf32, #tpu.memory_space<vmem_shared>>) offsets(%dma_start3A_312 : memref<128xi32, #tpu.memory_space<vmem>>) semaphore(%run_scoped3A_309 : memref<!tpu.dma_semaphore, #tpu.memory_space<semaphore_mem>>) {add = true}
        %dma_wait3A_316 = arith.constant 0 : i32
        %dma_wait3A_317 = tpu.memref_slice %arg10[%run_scoped3A_255, %dma_wait3A_316] : memref<8x128xi32, #tpu.memory_space<vmem>> -> memref<1x128xi32, #tpu.memory_space<vmem>>
        %dma_wait3A_318 = tpu.memref_squeeze %dma_wait3A_317 : memref<1x128xi32, #tpu.memory_space<vmem>> -> memref<128xi32, #tpu.memory_space<vmem>>
        %dma_wait3A_319 = arith.constant 0 : i32
        %dma_wait3A_320 = arith.constant 0 : i32
        %dma_wait3A_321 = tpu.memref_slice %arg13[%dma_wait3A_319, %dma_wait3A_320] : memref<10240x128xf32, #tpu.memory_space<vmem_shared>> -> memref<10240x128xf32, #tpu.memory_space<vmem_shared>>
        tpu.wait_indirect_dma semaphore(%run_scoped3A_309 : memref<!tpu.dma_semaphore, #tpu.memory_space<semaphore_mem>>) src(%arg12 : memref<128x128xf32, #tpu.memory_space<vmem>>) dst(%dma_wait3A_321 : memref<10240x128xf32, #tpu.memory_space<vmem_shared>>)
        tpu.yield
      }) : () -> ()
      %dma_start3A_256 = arith.constant 5 : i32
      %dma_start3A_257 = arith.constant 0 : i32
      %dma_start3A_258 = tpu.memref_slice %arg9[%dma_start3A_256, %dma_start3A_257] : memref<8x128xi32, #tpu.memory_space<vmem>> -> memref<1x128xi32, #tpu.memory_space<vmem>>
      %dma_start3A_259 = tpu.memref_squeeze %dma_start3A_258 : memref<1x128xi32, #tpu.memory_space<vmem>> -> memref<128xi32, #tpu.memory_space<vmem>>
      %dma_start3A_260 = arith.constant 0 : i32
      %dma_start3A_261 = arith.constant 0 : i32
      %dma_start3A_262 = tpu.memref_slice %arg2[%dma_start3A_260, %dma_start3A_261] : memref<10240x128xf32, #tpu.memory_space<hbm>> -> memref<10240x128xf32, #tpu.memory_space<hbm>>
      tpu.enqueue_indirect_dma source(%dma_start3A_262 : memref<10240x128xf32, #tpu.memory_space<hbm>>) target(%arg12 : memref<128x128xf32, #tpu.memory_space<vmem>>) offsets(%dma_start3A_259 : memref<128xi32, #tpu.memory_space<vmem>>) semaphore(%arg15 : memref<!tpu.dma_semaphore, #tpu.memory_space<semaphore_mem>>)
      %dma_wait3A_263 = arith.constant 4 : i32
      %dma_wait3A_264 = arith.constant 0 : i32
      %dma_wait3A_265 = tpu.memref_slice %arg9[%dma_wait3A_263, %dma_wait3A_264] : memref<8x128xi32, #tpu.memory_space<vmem>> -> memref<1x128xi32, #tpu.memory_space<vmem>>
      %dma_wait3A_266 = tpu.memref_squeeze %dma_wait3A_265 : memref<1x128xi32, #tpu.memory_space<vmem>> -> memref<128xi32, #tpu.memory_space<vmem>>
      %dma_wait3A_267 = arith.constant 0 : i32
      %dma_wait3A_268 = arith.constant 0 : i32
      %dma_wait3A_269 = tpu.memref_slice %arg2[%dma_wait3A_267, %dma_wait3A_268] : memref<10240x128xf32, #tpu.memory_space<hbm>> -> memref<10240x128xf32, #tpu.memory_space<hbm>>
      tpu.wait_indirect_dma semaphore(%arg14 : memref<!tpu.dma_semaphore, #tpu.memory_space<semaphore_mem>>) src(%dma_wait3A_269 : memref<10240x128xf32, #tpu.memory_space<hbm>>) dst(%arg11 : memref<128x128xf32, #tpu.memory_space<vmem>>)
      %run_scoped3A_270 = arith.constant 4 : i32
      "tpu.region"() ({
        %run_scoped3A_309 = tpu.sem_alloc : memref<!tpu.dma_semaphore, #tpu.memory_space<semaphore_mem>>
        %dma_start3A_310 = arith.constant 0 : i32
        %dma_start3A_311 = tpu.memref_slice %arg10[%run_scoped3A_270, %dma_start3A_310] : memref<8x128xi32, #tpu.memory_space<vmem>> -> memref<1x128xi32, #tpu.memory_space<vmem>>
        %dma_start3A_312 = tpu.memref_squeeze %dma_start3A_311 : memref<1x128xi32, #tpu.memory_space<vmem>> -> memref<128xi32, #tpu.memory_space<vmem>>
        %dma_start3A_313 = arith.constant 0 : i32
        %dma_start3A_314 = arith.constant 0 : i32
        %dma_start3A_315 = tpu.memref_slice %arg13[%dma_start3A_313, %dma_start3A_314] : memref<10240x128xf32, #tpu.memory_space<vmem_shared>> -> memref<10240x128xf32, #tpu.memory_space<vmem_shared>>
        tpu.enqueue_indirect_dma source(%arg11 : memref<128x128xf32, #tpu.memory_space<vmem>>) target(%dma_start3A_315 : memref<10240x128xf32, #tpu.memory_space<vmem_shared>>) offsets(%dma_start3A_312 : memref<128xi32, #tpu.memory_space<vmem>>) semaphore(%run_scoped3A_309 : memref<!tpu.dma_semaphore, #tpu.memory_space<semaphore_mem>>) {add = true}
        %dma_wait3A_316 = arith.constant 0 : i32
        %dma_wait3A_317 = tpu.memref_slice %arg10[%run_scoped3A_270, %dma_wait3A_316] : memref<8x128xi32, #tpu.memory_space<vmem>> -> memref<1x128xi32, #tpu.memory_space<vmem>>
        %dma_wait3A_318 = tpu.memref_squeeze %dma_wait3A_317 : memref<1x128xi32, #tpu.memory_space<vmem>> -> memref<128xi32, #tpu.memory_space<vmem>>
        %dma_wait3A_319 = arith.constant 0 : i32
        %dma_wait3A_320 = arith.constant 0 : i32
        %dma_wait3A_321 = tpu.memref_slice %arg13[%dma_wait3A_319, %dma_wait3A_320] : memref<10240x128xf32, #tpu.memory_space<vmem_shared>> -> memref<10240x128xf32, #tpu.memory_space<vmem_shared>>
        tpu.wait_indirect_dma semaphore(%run_scoped3A_309 : memref<!tpu.dma_semaphore, #tpu.memory_space<semaphore_mem>>) src(%arg11 : memref<128x128xf32, #tpu.memory_space<vmem>>) dst(%dma_wait3A_321 : memref<10240x128xf32, #tpu.memory_space<vmem_shared>>)
        tpu.yield
      }) : () -> ()
      %dma_start3A_271 = arith.constant 6 : i32
      %dma_start3A_272 = arith.constant 0 : i32
      %dma_start3A_273 = tpu.memref_slice %arg9[%dma_start3A_271, %dma_start3A_272] : memref<8x128xi32, #tpu.memory_space<vmem>> -> memref<1x128xi32, #tpu.memory_space<vmem>>
      %dma_start3A_274 = tpu.memref_squeeze %dma_start3A_273 : memref<1x128xi32, #tpu.memory_space<vmem>> -> memref<128xi32, #tpu.memory_space<vmem>>
      %dma_start3A_275 = arith.constant 0 : i32
      %dma_start3A_276 = arith.constant 0 : i32
      %dma_start3A_277 = tpu.memref_slice %arg2[%dma_start3A_275, %dma_start3A_276] : memref<10240x128xf32, #tpu.memory_space<hbm>> -> memref<10240x128xf32, #tpu.memory_space<hbm>>
      tpu.enqueue_indirect_dma source(%dma_start3A_277 : memref<10240x128xf32, #tpu.memory_space<hbm>>) target(%arg11 : memref<128x128xf32, #tpu.memory_space<vmem>>) offsets(%dma_start3A_274 : memref<128xi32, #tpu.memory_space<vmem>>) semaphore(%arg14 : memref<!tpu.dma_semaphore, #tpu.memory_space<semaphore_mem>>)
      %dma_wait3A_278 = arith.constant 5 : i32
      %dma_wait3A_279 = arith.constant 0 : i32
      %dma_wait3A_280 = tpu.memref_slice %arg9[%dma_wait3A_278, %dma_wait3A_279] : memref<8x128xi32, #tpu.memory_space<vmem>> -> memref<1x128xi32, #tpu.memory_space<vmem>>
      %dma_wait3A_281 = tpu.memref_squeeze %dma_wait3A_280 : memref<1x128xi32, #tpu.memory_space<vmem>> -> memref<128xi32, #tpu.memory_space<vmem>>
      %dma_wait3A_282 = arith.constant 0 : i32
      %dma_wait3A_283 = arith.constant 0 : i32
      %dma_wait3A_284 = tpu.memref_slice %arg2[%dma_wait3A_282, %dma_wait3A_283] : memref<10240x128xf32, #tpu.memory_space<hbm>> -> memref<10240x128xf32, #tpu.memory_space<hbm>>
      tpu.wait_indirect_dma semaphore(%arg15 : memref<!tpu.dma_semaphore, #tpu.memory_space<semaphore_mem>>) src(%dma_wait3A_284 : memref<10240x128xf32, #tpu.memory_space<hbm>>) dst(%arg12 : memref<128x128xf32, #tpu.memory_space<vmem>>)
      %run_scoped3A_285 = arith.constant 5 : i32
      "tpu.region"() ({
        %run_scoped3A_309 = tpu.sem_alloc : memref<!tpu.dma_semaphore, #tpu.memory_space<semaphore_mem>>
        %dma_start3A_310 = arith.constant 0 : i32
        %dma_start3A_311 = tpu.memref_slice %arg10[%run_scoped3A_285, %dma_start3A_310] : memref<8x128xi32, #tpu.memory_space<vmem>> -> memref<1x128xi32, #tpu.memory_space<vmem>>
        %dma_start3A_312 = tpu.memref_squeeze %dma_start3A_311 : memref<1x128xi32, #tpu.memory_space<vmem>> -> memref<128xi32, #tpu.memory_space<vmem>>
        %dma_start3A_313 = arith.constant 0 : i32
        %dma_start3A_314 = arith.constant 0 : i32
        %dma_start3A_315 = tpu.memref_slice %arg13[%dma_start3A_313, %dma_start3A_314] : memref<10240x128xf32, #tpu.memory_space<vmem_shared>> -> memref<10240x128xf32, #tpu.memory_space<vmem_shared>>
        tpu.enqueue_indirect_dma source(%arg12 : memref<128x128xf32, #tpu.memory_space<vmem>>) target(%dma_start3A_315 : memref<10240x128xf32, #tpu.memory_space<vmem_shared>>) offsets(%dma_start3A_312 : memref<128xi32, #tpu.memory_space<vmem>>) semaphore(%run_scoped3A_309 : memref<!tpu.dma_semaphore, #tpu.memory_space<semaphore_mem>>) {add = true}
        %dma_wait3A_316 = arith.constant 0 : i32
        %dma_wait3A_317 = tpu.memref_slice %arg10[%run_scoped3A_285, %dma_wait3A_316] : memref<8x128xi32, #tpu.memory_space<vmem>> -> memref<1x128xi32, #tpu.memory_space<vmem>>
        %dma_wait3A_318 = tpu.memref_squeeze %dma_wait3A_317 : memref<1x128xi32, #tpu.memory_space<vmem>> -> memref<128xi32, #tpu.memory_space<vmem>>
        %dma_wait3A_319 = arith.constant 0 : i32
        %dma_wait3A_320 = arith.constant 0 : i32
        %dma_wait3A_321 = tpu.memref_slice %arg13[%dma_wait3A_319, %dma_wait3A_320] : memref<10240x128xf32, #tpu.memory_space<vmem_shared>> -> memref<10240x128xf32, #tpu.memory_space<vmem_shared>>
        tpu.wait_indirect_dma semaphore(%run_scoped3A_309 : memref<!tpu.dma_semaphore, #tpu.memory_space<semaphore_mem>>) src(%arg12 : memref<128x128xf32, #tpu.memory_space<vmem>>) dst(%dma_wait3A_321 : memref<10240x128xf32, #tpu.memory_space<vmem_shared>>)
        tpu.yield
      }) : () -> ()
      %dma_start3A_286 = arith.constant 7 : i32
      %dma_start3A_287 = arith.constant 0 : i32
      %dma_start3A_288 = tpu.memref_slice %arg9[%dma_start3A_286, %dma_start3A_287] : memref<8x128xi32, #tpu.memory_space<vmem>> -> memref<1x128xi32, #tpu.memory_space<vmem>>
      %dma_start3A_289 = tpu.memref_squeeze %dma_start3A_288 : memref<1x128xi32, #tpu.memory_space<vmem>> -> memref<128xi32, #tpu.memory_space<vmem>>
      %dma_start3A_290 = arith.constant 0 : i32
      %dma_start3A_291 = arith.constant 0 : i32
      %dma_start3A_292 = tpu.memref_slice %arg2[%dma_start3A_290, %dma_start3A_291] : memref<10240x128xf32, #tpu.memory_space<hbm>> -> memref<10240x128xf32, #tpu.memory_space<hbm>>
      tpu.enqueue_indirect_dma source(%dma_start3A_292 : memref<10240x128xf32, #tpu.memory_space<hbm>>) target(%arg12 : memref<128x128xf32, #tpu.memory_space<vmem>>) offsets(%dma_start3A_289 : memref<128xi32, #tpu.memory_space<vmem>>) semaphore(%arg15 : memref<!tpu.dma_semaphore, #tpu.memory_space<semaphore_mem>>)
      %dma_wait3A_293 = arith.constant 6 : i32
      %dma_wait3A_294 = arith.constant 0 : i32
      %dma_wait3A_295 = tpu.memref_slice %arg9[%dma_wait3A_293, %dma_wait3A_294] : memref<8x128xi32, #tpu.memory_space<vmem>> -> memref<1x128xi32, #tpu.memory_space<vmem>>
      %dma_wait3A_296 = tpu.memref_squeeze %dma_wait3A_295 : memref<1x128xi32, #tpu.memory_space<vmem>> -> memref<128xi32, #tpu.memory_space<vmem>>
      %dma_wait3A_297 = arith.constant 0 : i32
      %dma_wait3A_298 = arith.constant 0 : i32
      %dma_wait3A_299 = tpu.memref_slice %arg2[%dma_wait3A_297, %dma_wait3A_298] : memref<10240x128xf32, #tpu.memory_space<hbm>> -> memref<10240x128xf32, #tpu.memory_space<hbm>>
      tpu.wait_indirect_dma semaphore(%arg14 : memref<!tpu.dma_semaphore, #tpu.memory_space<semaphore_mem>>) src(%dma_wait3A_299 : memref<10240x128xf32, #tpu.memory_space<hbm>>) dst(%arg11 : memref<128x128xf32, #tpu.memory_space<vmem>>)
      %run_scoped3A_300 = arith.constant 6 : i32
      "tpu.region"() ({
        %run_scoped3A_309 = tpu.sem_alloc : memref<!tpu.dma_semaphore, #tpu.memory_space<semaphore_mem>>
        %dma_start3A_310 = arith.constant 0 : i32
        %dma_start3A_311 = tpu.memref_slice %arg10[%run_scoped3A_300, %dma_start3A_310] : memref<8x128xi32, #tpu.memory_space<vmem>> -> memref<1x128xi32, #tpu.memory_space<vmem>>
        %dma_start3A_312 = tpu.memref_squeeze %dma_start3A_311 : memref<1x128xi32, #tpu.memory_space<vmem>> -> memref<128xi32, #tpu.memory_space<vmem>>
        %dma_start3A_313 = arith.constant 0 : i32
        %dma_start3A_314 = arith.constant 0 : i32
        %dma_start3A_315 = tpu.memref_slice %arg13[%dma_start3A_313, %dma_start3A_314] : memref<10240x128xf32, #tpu.memory_space<vmem_shared>> -> memref<10240x128xf32, #tpu.memory_space<vmem_shared>>
        tpu.enqueue_indirect_dma source(%arg11 : memref<128x128xf32, #tpu.memory_space<vmem>>) target(%dma_start3A_315 : memref<10240x128xf32, #tpu.memory_space<vmem_shared>>) offsets(%dma_start3A_312 : memref<128xi32, #tpu.memory_space<vmem>>) semaphore(%run_scoped3A_309 : memref<!tpu.dma_semaphore, #tpu.memory_space<semaphore_mem>>) {add = true}
        %dma_wait3A_316 = arith.constant 0 : i32
        %dma_wait3A_317 = tpu.memref_slice %arg10[%run_scoped3A_300, %dma_wait3A_316] : memref<8x128xi32, #tpu.memory_space<vmem>> -> memref<1x128xi32, #tpu.memory_space<vmem>>
        %dma_wait3A_318 = tpu.memref_squeeze %dma_wait3A_317 : memref<1x128xi32, #tpu.memory_space<vmem>> -> memref<128xi32, #tpu.memory_space<vmem>>
        %dma_wait3A_319 = arith.constant 0 : i32
        %dma_wait3A_320 = arith.constant 0 : i32
        %dma_wait3A_321 = tpu.memref_slice %arg13[%dma_wait3A_319, %dma_wait3A_320] : memref<10240x128xf32, #tpu.memory_space<vmem_shared>> -> memref<10240x128xf32, #tpu.memory_space<vmem_shared>>
        tpu.wait_indirect_dma semaphore(%run_scoped3A_309 : memref<!tpu.dma_semaphore, #tpu.memory_space<semaphore_mem>>) src(%arg11 : memref<128x128xf32, #tpu.memory_space<vmem>>) dst(%dma_wait3A_321 : memref<10240x128xf32, #tpu.memory_space<vmem_shared>>)
        tpu.yield
      }) : () -> ()
      %dma_wait3A_301 = arith.constant 7 : i32
      %dma_wait3A_302 = arith.constant 0 : i32
      %dma_wait3A_303 = tpu.memref_slice %arg9[%dma_wait3A_301, %dma_wait3A_302] : memref<8x128xi32, #tpu.memory_space<vmem>> -> memref<1x128xi32, #tpu.memory_space<vmem>>
      %dma_wait3A_304 = tpu.memref_squeeze %dma_wait3A_303 : memref<1x128xi32, #tpu.memory_space<vmem>> -> memref<128xi32, #tpu.memory_space<vmem>>
      %dma_wait3A_305 = arith.constant 0 : i32
      %dma_wait3A_306 = arith.constant 0 : i32
      %dma_wait3A_307 = tpu.memref_slice %arg2[%dma_wait3A_305, %dma_wait3A_306] : memref<10240x128xf32, #tpu.memory_space<hbm>> -> memref<10240x128xf32, #tpu.memory_space<hbm>>
      tpu.wait_indirect_dma semaphore(%arg15 : memref<!tpu.dma_semaphore, #tpu.memory_space<semaphore_mem>>) src(%dma_wait3A_307 : memref<10240x128xf32, #tpu.memory_space<hbm>>) dst(%arg12 : memref<128x128xf32, #tpu.memory_space<vmem>>)
      %run_scoped3A_308 = arith.constant 7 : i32
      "tpu.region"() ({
        %run_scoped3A_309 = tpu.sem_alloc : memref<!tpu.dma_semaphore, #tpu.memory_space<semaphore_mem>>
        %dma_start3A_310 = arith.constant 0 : i32
        %dma_start3A_311 = tpu.memref_slice %arg10[%run_scoped3A_308, %dma_start3A_310] : memref<8x128xi32, #tpu.memory_space<vmem>> -> memref<1x128xi32, #tpu.memory_space<vmem>>
        %dma_start3A_312 = tpu.memref_squeeze %dma_start3A_311 : memref<1x128xi32, #tpu.memory_space<vmem>> -> memref<128xi32, #tpu.memory_space<vmem>>
        %dma_start3A_313 = arith.constant 0 : i32
        %dma_start3A_314 = arith.constant 0 : i32
        %dma_start3A_315 = tpu.memref_slice %arg13[%dma_start3A_313, %dma_start3A_314] : memref<10240x128xf32, #tpu.memory_space<vmem_shared>> -> memref<10240x128xf32, #tpu.memory_space<vmem_shared>>
        tpu.enqueue_indirect_dma source(%arg12 : memref<128x128xf32, #tpu.memory_space<vmem>>) target(%dma_start3A_315 : memref<10240x128xf32, #tpu.memory_space<vmem_shared>>) offsets(%dma_start3A_312 : memref<128xi32, #tpu.memory_space<vmem>>) semaphore(%run_scoped3A_309 : memref<!tpu.dma_semaphore, #tpu.memory_space<semaphore_mem>>) {add = true}
        %dma_wait3A_316 = arith.constant 0 : i32
        %dma_wait3A_317 = tpu.memref_slice %arg10[%run_scoped3A_308, %dma_wait3A_316] : memref<8x128xi32, #tpu.memory_space<vmem>> -> memref<1x128xi32, #tpu.memory_space<vmem>>
        %dma_wait3A_318 = tpu.memref_squeeze %dma_wait3A_317 : memref<1x128xi32, #tpu.memory_space<vmem>> -> memref<128xi32, #tpu.memory_space<vmem>>
        %dma_wait3A_319 = arith.constant 0 : i32
        %dma_wait3A_320 = arith.constant 0 : i32
        %dma_wait3A_321 = tpu.memref_slice %arg13[%dma_wait3A_319, %dma_wait3A_320] : memref<10240x128xf32, #tpu.memory_space<vmem_shared>> -> memref<10240x128xf32, #tpu.memory_space<vmem_shared>>
        tpu.wait_indirect_dma semaphore(%run_scoped3A_309 : memref<!tpu.dma_semaphore, #tpu.memory_space<semaphore_mem>>) src(%arg12 : memref<128x128xf32, #tpu.memory_space<vmem>>) dst(%dma_wait3A_321 : memref<10240x128xf32, #tpu.memory_space<vmem_shared>>)
        tpu.yield
      }) : () -> ()
    }
    %scan3A_17 = arith.constant 5 : i32
    %barrier3A_18 = arith.constant 0 : index
    tpu.barrier barrier_id(%barrier3A_18)
    %mul3A_19 = arith.constant 640 : i32
    %mul3A_20 = arith.muli %arg1, %mul3A_19 : i32
    %mul3A_21 = arith.constant 640 : i32
    %mul3A_22 = arith.muli %arg1, %mul3A_21 : i32
    "tpu.region"() ({
      %run_scoped3A = tpu.sem_alloc : memref<!tpu.dma_semaphore, #tpu.memory_space<semaphore_mem>>
      %dma_start3A_23 = arith.constant 0 : i32
      %dma_start3A_24 = tpu.memref_slice %arg6[%arg0, %mul3A_22, %dma_start3A_23] : memref<2x10240x128xf32, #tpu.memory_space<hbm>> -> memref<1x640x128xf32, #tpu.memory_space<hbm>>
      %dma_start3A_25 = tpu.memref_squeeze %dma_start3A_24 : memref<1x640x128xf32, #tpu.memory_space<hbm>> -> memref<640x128xf32, #tpu.memory_space<hbm>>
      %dma_start3A_26 = arith.constant 0 : i32
      %dma_start3A_27 = tpu.memref_slice %arg13[%mul3A_20, %dma_start3A_26] : memref<10240x128xf32, #tpu.memory_space<vmem_shared>> -> memref<640x128xf32, #tpu.memory_space<vmem_shared>>
      tpu.enqueue_dma source(%dma_start3A_27 : memref<640x128xf32, #tpu.memory_space<vmem_shared>>) target(%dma_start3A_25 : memref<640x128xf32, #tpu.memory_space<hbm>>) target_semaphore(%run_scoped3A : memref<!tpu.dma_semaphore, #tpu.memory_space<semaphore_mem>>)
      %dma_wait3A = arith.constant 0 : i32
      %dma_wait3A_28 = tpu.memref_slice %arg6[%arg0, %mul3A_22, %dma_wait3A] : memref<2x10240x128xf32, #tpu.memory_space<hbm>> -> memref<1x640x128xf32, #tpu.memory_space<hbm>>
      %dma_wait3A_29 = tpu.memref_squeeze %dma_wait3A_28 : memref<1x640x128xf32, #tpu.memory_space<hbm>> -> memref<640x128xf32, #tpu.memory_space<hbm>>
      %dma_wait3A_30 = arith.constant 0 : i32
      %dma_wait3A_31 = tpu.memref_slice %arg13[%mul3A_20, %dma_wait3A_30] : memref<10240x128xf32, #tpu.memory_space<vmem_shared>> -> memref<640x128xf32, #tpu.memory_space<vmem_shared>>
      tpu.wait_dma2 semaphore(%run_scoped3A : memref<!tpu.dma_semaphore, #tpu.memory_space<semaphore_mem>>) src(%dma_wait3A_31 : memref<640x128xf32, #tpu.memory_space<vmem_shared>>) dst(%dma_wait3A_29 : memref<640x128xf32, #tpu.memory_space<hbm>>)
      tpu.yield
    }) : () -> ()
    return
  }
}

module attributes {stable_mosaic.version = 14 : i64} {
  func.func @_scale_body(%arg0: i32, %arg1: memref<640x128xf32, #tpu.memory_space<vmem>>, %arg2: memref<640x128xf32, #tpu.memory_space<vmem>>, %arg3: memref<640x128xf32, #tpu.memory_space<vmem>>) attributes {dimension_semantics = [#tpu.dimension_semantics<arbitrary>], iteration_bounds = array<i64: 16>, scalar_prefetch = 0 : i64, scratch_operands = 0 : i64, tpu.core_type = #tpu.core_type<tc>, window_params = [{transform_indices = @transform_0, window_bounds = array<i64: 640, 128>}, {transform_indices = @transform_1, window_bounds = array<i64: 640, 128>}, {transform_indices = @transform_2, window_bounds = array<i64: 640, 128>}]} {
    %get3A = arith.constant 0 : index
    %get3A_0 = arith.constant 0 : index
    %get3A_1 = vector.load %arg1[%get3A, %get3A_0] : memref<640x128xf32, #tpu.memory_space<vmem>>, vector<640x128xf32>
    %get3A_2 = arith.constant 0 : index
    %get3A_3 = arith.constant 0 : index
    %get3A_4 = vector.load %arg2[%get3A_2, %get3A_3] : memref<640x128xf32, #tpu.memory_space<vmem>>, vector<640x128xf32>
    %mul3A = arith.mulf %get3A_1, %get3A_4 : vector<640x128xf32>
    %swap3A = arith.constant 0 : index
    %swap3A_5 = arith.constant 0 : index
    %swap3A_6 = vector.load %arg3[%swap3A, %swap3A_5] : memref<640x128xf32, #tpu.memory_space<vmem>>, vector<640x128xf32>
    tpu.vector_store %arg3[%swap3A, %swap3A_5], %mul3A {strides = array<i32>} : memref<640x128xf32, #tpu.memory_space<vmem>>, vector<640x128xf32>,
    return
  }
  func.func @transform_0(%arg0: i32) -> (i32, i32) {
    %c0_i32 = arith.constant 0 : i32
    %c0_i32_0 = arith.constant 0 : i32
    return %arg0, %c0_i32 : i32, i32
  }
  func.func @transform_1(%arg0: i32) -> (i32, i32) {
    %c0_i32 = arith.constant 0 : i32
    %c0_i32_0 = arith.constant 0 : i32
    return %arg0, %c0_i32 : i32, i32
  }
  func.func @transform_2(%arg0: i32) -> (i32, i32) {
    %c0_i32 = arith.constant 0 : i32
    %c0_i32_0 = arith.constant 0 : i32
    return %arg0, %c0_i32 : i32, i32
  }
}

module attributes {stable_mosaic.version = 14 : i64} {
  func.func @_layer_mid_body(%arg0: i32, %arg1: memref<640x128xf32, #tpu.memory_space<vmem>>, %arg2: memref<640x128xf32, #tpu.memory_space<vmem>>, %arg3: memref<640x128xf32, #tpu.memory_space<vmem>>, %arg4: memref<640x128xf32, #tpu.memory_space<vmem>>, %arg5: memref<128x128xf32, #tpu.memory_space<vmem>>, %arg6: memref<1x128xf32, #tpu.memory_space<vmem>>, %arg7: memref<640x128xf32, #tpu.memory_space<vmem>>) attributes {dimension_semantics = [#tpu.dimension_semantics<arbitrary>], iteration_bounds = array<i64: 16>, scalar_prefetch = 0 : i64, scratch_operands = 0 : i64, tpu.core_type = #tpu.core_type<tc>, window_params = [{transform_indices = @transform_0, window_bounds = array<i64: 640, 128>}, {transform_indices = @transform_1, window_bounds = array<i64: 640, 128>}, {transform_indices = @transform_2, window_bounds = array<i64: 640, 128>}, {transform_indices = @transform_3, window_bounds = array<i64: 640, 128>}, {pipeline_mode = #tpu.pipeline_mode<synchronous>, transform_indices = @transform_4, window_bounds = array<i64: 128, 128>}, {pipeline_mode = #tpu.pipeline_mode<synchronous>, transform_indices = @transform_5, window_bounds = array<i64: 1, 128>}, {transform_indices = @transform_6, window_bounds = array<i64: 640, 128>}]} {
    %get3A = arith.constant 0 : index
    %get3A_0 = arith.constant 0 : index
    %get3A_1 = vector.load %arg1[%get3A, %get3A_0] : memref<640x128xf32, #tpu.memory_space<vmem>>, vector<640x128xf32>
    %get3A_2 = arith.constant 0 : index
    %get3A_3 = arith.constant 0 : index
    %get3A_4 = vector.load %arg2[%get3A_2, %get3A_3] : memref<640x128xf32, #tpu.memory_space<vmem>>, vector<640x128xf32>
    %add3A = arith.addf %get3A_1, %get3A_4 : vector<640x128xf32>
    %get3A_5 = arith.constant 0 : index
    %get3A_6 = arith.constant 0 : index
    %get3A_7 = vector.load %arg3[%get3A_5, %get3A_6] : memref<640x128xf32, #tpu.memory_space<vmem>>, vector<640x128xf32>
    %mul3A = arith.mulf %add3A, %get3A_7 : vector<640x128xf32>
    %get3A_8 = arith.constant 0 : index
    %get3A_9 = arith.constant 0 : index
    %get3A_10 = vector.load %arg5[%get3A_8, %get3A_9] : memref<128x128xf32, #tpu.memory_space<vmem>>, vector<128x128xf32>
    %dot_general3A = arith.constant dense<0.000000e+00> : vector<640x128xf32>
    %dot_general3A_11 = tpu.matmul %mul3A, %get3A_10, %dot_general3A {dimension_numbers = #tpu.dot_dimension_numbers<[1], [0], [0], [1], [0, 0, 1, 1], [], []>, transpose_lhs_hint = false} : vector<640x128xf32>, vector<128x128xf32>, vector<640x128xf32> -> vector<640x128xf32>
    %get3A_12 = arith.constant 0 : index
    %get3A_13 = arith.constant 0 : index
    %get3A_14 = vector.load %arg6[%get3A_12, %get3A_13] : memref<1x128xf32, #tpu.memory_space<vmem>>, vector<1x128xf32>
    %add3A_15 = vector.broadcast %get3A_14 : vector<1x128xf32> to vector<640x128xf32>
    %add3A_16 = arith.addf %dot_general3A_11, %add3A_15 : vector<640x128xf32>
    %max3A = arith.constant 0.000000e+00 : f32
    %max3A_17 = vector.broadcast %max3A : f32 to vector<640x128xf32>
    %max3A_18 = arith.maximumf %add3A_16, %max3A_17 : vector<640x128xf32>
    %get3A_19 = arith.constant 0 : index
    %get3A_20 = arith.constant 0 : index
    %get3A_21 = vector.load %arg4[%get3A_19, %get3A_20] : memref<640x128xf32, #tpu.memory_space<vmem>>, vector<640x128xf32>
    %mul3A_22 = arith.mulf %max3A_18, %get3A_21 : vector<640x128xf32>
    %swap3A = arith.constant 0 : index
    %swap3A_23 = arith.constant 0 : index
    %swap3A_24 = vector.load %arg7[%swap3A, %swap3A_23] : memref<640x128xf32, #tpu.memory_space<vmem>>, vector<640x128xf32>
    tpu.vector_store %arg7[%swap3A, %swap3A_23], %mul3A_22 {strides = array<i32>} : memref<640x128xf32, #tpu.memory_space<vmem>>, vector<640x128xf32>,
    return
  }
  func.func @transform_0(%arg0: i32) -> (i32, i32) {
    %c0_i32 = arith.constant 0 : i32
    %c0_i32_0 = arith.constant 0 : i32
    return %arg0, %c0_i32 : i32, i32
  }
  func.func @transform_1(%arg0: i32) -> (i32, i32) {
    %c0_i32 = arith.constant 0 : i32
    %c0_i32_0 = arith.constant 0 : i32
    return %arg0, %c0_i32 : i32, i32
  }
  func.func @transform_2(%arg0: i32) -> (i32, i32) {
    %c0_i32 = arith.constant 0 : i32
    %c0_i32_0 = arith.constant 0 : i32
    return %arg0, %c0_i32 : i32, i32
  }
  func.func @transform_3(%arg0: i32) -> (i32, i32) {
    %c0_i32 = arith.constant 0 : i32
    %c0_i32_0 = arith.constant 0 : i32
    return %arg0, %c0_i32 : i32, i32
  }
  func.func @transform_4(%arg0: i32) -> (i32, i32) {
    %c0_i32 = arith.constant 0 : i32
    %c0_i32_0 = arith.constant 0 : i32
    %c0_i32_1 = arith.constant 0 : i32
    return %c0_i32, %c0_i32_0 : i32, i32
  }
  func.func @transform_5(%arg0: i32) -> (i32, i32) {
    %c0_i32 = arith.constant 0 : i32
    %c0_i32_0 = arith.constant 0 : i32
    %c0_i32_1 = arith.constant 0 : i32
    return %c0_i32, %c0_i32_0 : i32, i32
  }
  func.func @transform_6(%arg0: i32) -> (i32, i32) {
    %c0_i32 = arith.constant 0 : i32
    %c0_i32_0 = arith.constant 0 : i32
    return %arg0, %c0_i32 : i32, i32
  }
}

module attributes {stable_mosaic.version = 14 : i64} {
  func.func @_layer_out_body(%arg0: i32, %arg1: memref<640x128xf32, #tpu.memory_space<vmem>>, %arg2: memref<640x128xf32, #tpu.memory_space<vmem>>, %arg3: memref<640x128xf32, #tpu.memory_space<vmem>>, %arg4: memref<128x128xf32, #tpu.memory_space<vmem>>, %arg5: memref<1x128xf32, #tpu.memory_space<vmem>>, %arg6: memref<640x128xf32, #tpu.memory_space<vmem>>) attributes {dimension_semantics = [#tpu.dimension_semantics<arbitrary>], iteration_bounds = array<i64: 16>, scalar_prefetch = 0 : i64, scratch_operands = 0 : i64, tpu.core_type = #tpu.core_type<tc>, window_params = [{transform_indices = @transform_0, window_bounds = array<i64: 640, 128>}, {transform_indices = @transform_1, window_bounds = array<i64: 640, 128>}, {transform_indices = @transform_2, window_bounds = array<i64: 640, 128>}, {pipeline_mode = #tpu.pipeline_mode<synchronous>, transform_indices = @transform_3, window_bounds = array<i64: 128, 128>}, {pipeline_mode = #tpu.pipeline_mode<synchronous>, transform_indices = @transform_4, window_bounds = array<i64: 1, 128>}, {transform_indices = @transform_5, window_bounds = array<i64: 640, 128>}]} {
    %get3A = arith.constant 0 : index
    %get3A_0 = arith.constant 0 : index
    %get3A_1 = vector.load %arg1[%get3A, %get3A_0] : memref<640x128xf32, #tpu.memory_space<vmem>>, vector<640x128xf32>
    %get3A_2 = arith.constant 0 : index
    %get3A_3 = arith.constant 0 : index
    %get3A_4 = vector.load %arg2[%get3A_2, %get3A_3] : memref<640x128xf32, #tpu.memory_space<vmem>>, vector<640x128xf32>
    %add3A = arith.addf %get3A_1, %get3A_4 : vector<640x128xf32>
    %get3A_5 = arith.constant 0 : index
    %get3A_6 = arith.constant 0 : index
    %get3A_7 = vector.load %arg3[%get3A_5, %get3A_6] : memref<640x128xf32, #tpu.memory_space<vmem>>, vector<640x128xf32>
    %mul3A = arith.mulf %add3A, %get3A_7 : vector<640x128xf32>
    %get3A_8 = arith.constant 0 : index
    %get3A_9 = arith.constant 0 : index
    %get3A_10 = vector.load %arg4[%get3A_8, %get3A_9] : memref<128x128xf32, #tpu.memory_space<vmem>>, vector<128x128xf32>
    %dot_general3A = arith.constant dense<0.000000e+00> : vector<640x128xf32>
    %dot_general3A_11 = tpu.matmul %mul3A, %get3A_10, %dot_general3A {dimension_numbers = #tpu.dot_dimension_numbers<[1], [0], [0], [1], [0, 0, 1, 1], [], []>, transpose_lhs_hint = false} : vector<640x128xf32>, vector<128x128xf32>, vector<640x128xf32> -> vector<640x128xf32>
    %get3A_12 = arith.constant 0 : index
    %get3A_13 = arith.constant 0 : index
    %get3A_14 = vector.load %arg5[%get3A_12, %get3A_13] : memref<1x128xf32, #tpu.memory_space<vmem>>, vector<1x128xf32>
    %add3A_15 = vector.broadcast %get3A_14 : vector<1x128xf32> to vector<640x128xf32>
    %add3A_16 = arith.addf %dot_general3A_11, %add3A_15 : vector<640x128xf32>
    %swap3A = arith.constant 0 : index
    %swap3A_17 = arith.constant 0 : index
    %swap3A_18 = vector.load %arg6[%swap3A, %swap3A_17] : memref<640x128xf32, #tpu.memory_space<vmem>>, vector<640x128xf32>
    tpu.vector_store %arg6[%swap3A, %swap3A_17], %add3A_16 {strides = array<i32>} : memref<640x128xf32, #tpu.memory_space<vmem>>, vector<640x128xf32>,
    return
  }
  func.func @transform_0(%arg0: i32) -> (i32, i32) {
    %c0_i32 = arith.constant 0 : i32
    %c0_i32_0 = arith.constant 0 : i32
    return %arg0, %c0_i32 : i32, i32
  }
  func.func @transform_1(%arg0: i32) -> (i32, i32) {
    %c0_i32 = arith.constant 0 : i32
    %c0_i32_0 = arith.constant 0 : i32
    return %arg0, %c0_i32 : i32, i32
  }
  func.func @transform_2(%arg0: i32) -> (i32, i32) {
    %c0_i32 = arith.constant 0 : i32
    %c0_i32_0 = arith.constant 0 : i32
    return %arg0, %c0_i32 : i32, i32
  }
  func.func @transform_3(%arg0: i32) -> (i32, i32) {
    %c0_i32 = arith.constant 0 : i32
    %c0_i32_0 = arith.constant 0 : i32
    %c0_i32_1 = arith.constant 0 : i32
    return %c0_i32, %c0_i32_0 : i32, i32
  }
  func.func @transform_4(%arg0: i32) -> (i32, i32) {
    %c0_i32 = arith.constant 0 : i32
    %c0_i32_0 = arith.constant 0 : i32
    %c0_i32_1 = arith.constant 0 : i32
    return %c0_i32, %c0_i32_0 : i32, i32
  }
  func.func @transform_5(%arg0: i32) -> (i32, i32) {
    %c0_i32 = arith.constant 0 : i32
    %c0_i32_0 = arith.constant 0 : i32
    return %arg0, %c0_i32 : i32, i32
  }
}

</mosaic_0001>

<sc_bundles>
// kernel: kernel.11.cloned.1.call-start
scs
__scs_entry_jumppad:
0x0: {  	(pc) =	sbr.rel $0x88, $3  }
0x1: {  	(tag) =	ssettag $0x0;
	lr =	simm.s32 $0x1  }
0x2: {  	[smem:$0x3F9B] =	sst lr;
	_ =	strace $0xD0000000  }
0x3: {  	_ = 	snop  }
0x4: {  	_ = 	snop  }
0x5: {  	_ = 	snop  }
0x6: {  	_ = 	snop  }
0x7: {  	_ = 	snop  }
__scs_overlays_trampoline_lowered:
0x8: {  	[smem:$0x3FAA] =	sst s0  }
0x9: {  	[smem:$0x3FAB] =	sst s1  }
0xa: {  	[smem:$0x3FAC] =	sst s2  }
0xb: {  	[smem:$0x3FAD] =	sst s3  }
0xc: {  	[smem:$0x3FAE] =	sst s4  }
0xd: {  	[smem:$0x3FAF] =	sst s5  }
0xe: {  	[smem:$0x3FB0] =	sst s6  }
0xf: {  	[smem:$0x3FB1] =	sst s7  }
0x10: {  	[smem:$0x3FB2] =	sst s8  }
0x11: {  	[smem:$0x3FB3] =	sst s9;
	s0 =	simm.s32 @!p0 $0x0  }
0x12: {  	s1 =	sld [smem:$0x3F99];
	s0 =	simm.s32 @p0 $0x1  }
0x13: {  	[smem:$0x3FB4] =	sst s0;
	s0 =	simm.s32 @!p1 $0x0  }
0x14: {  	s2 =	sld [smem:$0x3F98];
	s0 =	simm.s32 @p1 $0x1  }
0x15: {  	[smem:$0x3FB5] =	sst s0;
	s0 =	simm.s32 @!p2 $0x0  }
0x16: {  	s3 =	sld [smem:$0x3FDB];
	s0 =	simm.s32 @p2 $0x1  }
0x17: {  	s4 =	simm.s32 $0x1BF5;
	[smem:$0x3FB7] =	sst s0  }
0x18: {  	s0 =	sld [smem:$0x3F9A];
	_ =	swait.ge [sflag:s4], $0x0  }
0x19: {  	s7 =	sld [smem:$0x3F9B]  }
0x1a: {  	s8 =	sadd.s32 $0xFFFFE003, lr  }
0x1b: {  	s9 =	sadd.s32 $0xFFFFFEF7, lr;
	s5 =	simm.s32 $0xFFFFFFFF;
	p2 =	slt.u32 s8, $0xFFFFF086  }
0x1c: {  	p1 =	slt.u32 s9, $0xF7A;
	s5 =	simm.s32 @!p2 $0x0  }
0x1d: {  	s5 =	simm.s32 @p1 $0x1;
	p0 =	seq.s32 s7, s2  }
0x1e: {  	s7 =	smul.u32 @!p0 $0xF7A, s2;
	p2 =	seq.s32 @!p0 s5, $0x0  }
0x1f: {  	s9 =	smul.u32 $0xF7A, s1;
	s8 =	simm.s32 @!p0 $0x1BF5;
	p2 =	por !p2, p0  }
0x20: {  	[sflag:s8] =	ssyncset.s32 @!p0 $0xFFFFF086;
	s6 =	sadd.s32 @!p0 s3, s7;
	s7 =	simm.s32 @!p0 $0x108  }
0x21: {  	s3 =	sadd.s32 s3, s9;
	s6 =	sadd.s32 @!p0 $0x88, s6;
	s7 =	simm.s32 @p2 $0x1082  }
0x22: {  	[simem:s7], [sflag:s8] =	dma.local @!p0 [hbm:s6], $0xF7A  }
0x23: {  	s9 =	sor.u32 $0xD0000000, s2;
	s6 =	simm.s32 $0x108;
	_ =	swait.ge @!p0 [sflag:s8], $0x0  }
0x24: {  	s3 =	sadd.s32 $0x88, s3;
	s6 =	simm.s32 @!p1 $0x1082;
	[sflag:s4] =	ssyncset.s32 $0xFFFFF086  }
0x25: {  	[simem:s6], [sflag:s4] =	dma.local [hbm:s3], $0xF7A  }
0x26: {  	[smem:$0x3F9B] =	sst s1;
	(tag) =	ssettag s2;
	_ =	strace s9  }
0x27: {  	s1 =	sld [smem:$0x3FAB]  }
0x28: {  	s2 =	sld [smem:$0x3FAC]  }
0x29: {  	s4 =	sld [smem:$0x3FAE]  }
0x2a: {  	p0 =	seq.s32 s5, $0x0;
	s5 =	sld [smem:$0x3FAF]  }
0x2b: {  	s6 =	sld [smem:$0x3FB0]  }
0x2c: {  	s7 =	sld [smem:$0x3FB1]  }
0x2d: {  	s3 =	simm.s32 $0x108;
	s8 =	sld [smem:$0x3FB2]  }
0x2e: {  	s3 =	simm.s32 @!p0 $0x1082;
	s9 =	sld [smem:$0x3FB3]  }
0x2f: {  	lr =	sadd.s32 s0, s3;
	s0 =	sld [smem:$0x3FAA]  }
0x30: {  	s3 =	sld [smem:$0x3FAD]  }
0x31: {  	[smem:$0x3FB6] =	sst s10  }
0x32: {  	s10 =	sld [smem:$0x3FB4];
	_ =	sdelay $0x3  }
0x33: {  	p0 =	seq.s32 s10, $0x1;
	s10 =	sld [smem:$0x3FB6];
	_ =	sdelay $0x3  }
0x34: {  	[smem:$0x3FB6] =	sst s10  }
0x35: {  	s10 =	sld [smem:$0x3FB5];
	_ =	sdelay $0x3  }
0x36: {  	p1 =	seq.s32 s10, $0x1;
	s10 =	sld [smem:$0x3FB6];
	_ =	sdelay $0x3  }
0x37: {  	[smem:$0x3FB6] =	sst s10  }
0x38: {  	s10 =	sld [smem:$0x3FB7]  }
0x39: {  	_ = 	snop;
	(pc) =	sbr.ind lr, $3  }
0x3a: {  	_ = 	snop  }
0x3b: {  	_ = 	snop  }
0x3c: {  	p2 =	seq.s32 s10, $0x1;
	s10 =	sld [smem:$0x3FB6]  }
0x3d: {  	_ =	shalt  }
0x3e: {  	_ =	shalt  }
0x3f: {  	_ =	shalt  }
0x40: {  	_ =	shalt  }
0x41: {  	_ =	shalt  }
0x42: {  	_ =	shalt  }
0x43: {  	_ =	shalt  }
0x44: {  	_ =	shalt  }
0x45: {  	_ =	shalt  }
0x46: {  	_ =	shalt  }
0x47: {  	_ =	shalt  }
0x48: {  	_ =	shalt  }
0x49: {  	_ =	shalt  }
0x4a: {  	_ =	shalt  }
0x4b: {  	_ =	shalt  }
0x4c: {  	_ =	shalt  }
0x4d: {  	_ =	shalt  }
0x4e: {  	_ =	shalt  }
0x4f: {  	_ =	shalt  }
0x50: {  	_ =	shalt  }
0x51: {  	_ =	shalt  }
0x52: {  	_ =	shalt  }
0x53: {  	_ =	shalt  }
0x54: {  	_ =	shalt  }
0x55: {  	_ =	shalt  }
0x56: {  	_ =	shalt  }
0x57: {  	_ =	shalt  }
0x58: {  	_ =	shalt  }
0x59: {  	_ =	shalt  }
0x5a: {  	_ =	shalt  }
0x5b: {  	_ =	shalt  }
0x5c: {  	_ =	shalt  }
0x5d: {  	_ =	shalt  }
0x5e: {  	_ =	shalt  }
0x5f: {  	_ =	shalt  }
0x60: {  	_ =	shalt  }
0x61: {  	_ =	shalt  }
0x62: {  	_ =	shalt  }
0x63: {  	_ =	shalt  }
0x64: {  	_ =	shalt  }
0x65: {  	_ =	shalt  }
0x66: {  	_ =	shalt  }
0x67: {  	_ =	shalt  }
0x68: {  	_ =	shalt  }
0x69: {  	_ =	shalt  }
0x6a: {  	_ =	shalt  }
0x6b: {  	_ =	shalt  }
0x6c: {  	_ =	shalt  }
0x6d: {  	_ =	shalt  }
0x6e: {  	_ =	shalt  }
0x6f: {  	_ =	shalt  }
0x70: {  	_ =	shalt  }
0x71: {  	_ =	shalt  }
0x72: {  	_ =	shalt  }
0x73: {  	_ =	shalt  }
0x74: {  	_ =	shalt  }
0x75: {  	_ =	shalt  }
0x76: {  	_ =	shalt  }
0x77: {  	_ =	shalt  }
0x78: {  	_ =	shalt  }
0x79: {  	_ =	shalt  }
0x7a: {  	_ =	shalt  }
0x7b: {  	_ =	shalt  }
0x7c: {  	_ =	shalt  }
0x7d: {  	_ =	shalt  }
0x7e: {  	_ =	shalt  }
0x7f: {  	_ =	shalt  }
0x80: {  	_ =	shalt  }
0x81: {  	_ =	shalt  }
0x82: {  	_ =	shalt  }
0x83: {  	_ =	shalt  }
0x84: {  	_ =	shalt  }
0x85: {  	_ =	shalt  }
0x86: {  	_ =	shalt  }
0x87: {  	_ =	shalt  }
.Lfunc_end0:
.L_simem_size_0:
called_computation.1_lowered:
.L_overlay_start_0:
0x88: {  	s2 =	sld [smem:$0x3FD9]  }
0x89: {  	s3 =	sld [smem:$0x3FFE];
	_ =	sdelay $0x1  }
0x8a: {  	s1 =	srdreg.scid  }
0x8b: {  	s0 =	sand.u32 $0x1, s1  }
0x8c: {  	s17 =	sshll.u32 s0, $0xA;
	s2 =	sadd.s32 s3, s2  }
0x8d: {  	s2 =	sadd.s32 s2, s17  }
0x8e: {  	[smem:$0x3FC2] =	sst s2  }
0x8f: {  	_ = 	snop  }
0x90: {  	s2 =	sld [smem:$0x3FD0];
	(tm) =	ssettm $0x1  }
0x91: {  	s18 =	sld [smem:$0x3FFB];
	_ =	sdelay $0x3  }
0x92: {  	_ =	strace s18  }
0x93: {  	s3 =	sld [smem:$0x3FFC];
	_ =	sdelay $0x3  }
0x94: {  	_ =	strace s3  }
0x95: {  	s3 =	sld [smem:$0x3FFD];
	_ =	sdelay $0x3  }
0x96: {  	_ =	strace s3  }
0x97: {  	_ =	strace $0x8FFFFFFF  }
0x98: {  	s19 =	sld [smem:$0x3FDB];
	_ =	sdelay $0x1  }
0x99: {  	s4 =	simm.s32 $_scs_section_size  }
0x9a: {  	s5 =	simm.s32 $_size__tile_overlayer_lowered;
	s6 =	simm.s32 $_tile_overlayer_lowered  }
0x9b: {  	s22 =	simm.s32 $0x1BFF;
	s21 =	sshll.u32 s6, $0x1;
	s3 =	sadd.s32 s4, s19  }
0x9c: {  	s7 =	simm.s32 $0x0;
	s20 =	sshll.u32 s5, $0x1;
	s5 =	sadd.s32 s21, s3  }
0x9d: {  	[timem:s7], [sflag:s22] =	dma.local [hbm:s5], s20  }
0x9e: {  	_ =	swait.ge [sflag:s22], s20  }
0x9f: {  	s4 =	ssub.s32 $0x0, s20;
	[sflag:s22] =	ssyncset.done $0x0  }
0xa0: {  	[sflag:s22] =	ssyncadd.s32 s4;
	_ =	sdelay $0x1  }
0xa1: {  	s23 =	simm.s32 $0x1B8B  }
0xa2: {  	_ =	swait.ge [sflag:s23], $0x1  }
0xa3: {  	[sflag:s23] =	ssyncset.done $0x0  }
0xa4: {  	s25 =	simm.s32 $0x1B8E;
	s24 =	sld [smem:$0x3FFE];
	[sflag:s23] =	ssyncadd.s32 $0xFFFFFFFF  }
0xa5: {  	s26 =	simm.s32 $execute0_lowered;
	[smem:$0x3FD2] =	sst s25  }
0xa6: {  	s5 =	sshll.u32 s26, $0x1;
	_ =	strace $0x80000049;
	[dreg:$0x1] =	wrdreg $0xFFFFFFFF  }
0xa7: {  	s28 =	simm.s32 $_size_execute0_lowered;
	s3 =	sadd.s32 s3, s5;
	[dreg:$0x0] =	wrdreg $0x0  }
0xa8: {  	s5 =	sshll.u32 s28, $0x1;
	[dreg:$0x2] =	wrdreg s3  }
0xa9: {  	[dreg:$0x3] =	wrdreg s5  }
0xaa: {  	[dreg:$0x4] =	wrdreg $0xC0  }
0xab: {  	_ =	task [dreg:s7], $0x5FFFF  }
0xac: {  	[dreg:$0x1] =	wrdreg $0xFFFFFFFF  }
0xad: {  	[dreg:$0x0] =	wrdreg $0x60  }
0xae: {  	[dreg:$0x2] =	wrdreg s24  }
0xaf: {  	[dreg:$0x3] =	wrdreg s2  }
0xb0: {  	[dreg:$0x4] =	wrdreg $0x90000  }
0xb1: {  	[dreg:$0x5] =	wrdreg $0x9  }
0xb2: {  	_ =	task.clear_ibuf [dreg:s7], $0x6FFFF;
	_ =	strace $0x90000049  }
0xb3: {  	s29 =	simm.s32 $0x9;
	_ =	strace $0x8000004B  }
0xb4: {  	_ =	swait.ge [sflag:s29], $0x1  }
0xb5: {  	[sflag:s29] =	ssyncadd.s32 $0xFFFFFFFF  }
0xb6: {  	_ =	strace $0x9000004B  }
0xb7: {  	_ =	sfence  }
0xb8: {  	s30 =	sld [smem:$0x0];
	_ =	sdelay $0x2  }
0xb9: {  	s31 =	sshll.u32 s1, $0xD;
	s1 =	sshrl.u32 s1, $0x2  }
0xba: {  	s3 =	sand.u32 $0x4000, s31;
	s1 =	sadd.s32 s1, s30  }
0xbb: {  	s0 =	sor.u32 s3, s0;
	s1 =	sshll.u32 s1, $0x11  }
0xbc: {  	s0 =	sor.u32 s1, s0  }
0xbd: {  	s0 =	sadd.s32 $0x8F2B, s0  }
0xbe: {  	[sflag:s0] =	ssyncadd.remote.s32 $0x1  }
0xbf: {  	_ =	sfence.sel $0xFFFF  }
0xc0: {  	[dreg:$0x0] =	wrdreg $0xFFFFFFFF;
	(pc) =	sbr.abs _section_cstart, $3  }
0xc1: {  	[dreg:$0x1] =	wrdreg $0xFFFFFFFF  }
0xc2: {  	_ =	task.clear_ibuf [dreg:s7], $0x2FFFF;
	_ =	strace $0x9FFFFFFF  }
0xc3: {  	(tm) =	ssettm $0x7FFFFFFF  }
tec
execute0_lowered:
.L_overlay_start_1:
0x0: {  	(tag) =	ssettag $0x1  }
0x1: {  	s0 =	rddreg [dreg:$0x0];
	s1 =	srdreg.scid  }
0x2: {  	s3 =	rddreg [dreg:$0x2];
	s2 =	stileid.u32  }
0x3: {  	s4 =	simm.s32 $0x0;
	s18 =	simm.s32 $0x100;
	s19 =	simm.s32 $0x480  }
0x4: {  	s21 =	simm.s32 $0x180;
	s22 =	simm.s32 $0x200;
	s23 =	simm.s32 $0x580  }
0x5: {  	s24 =	simm.s32 $0x280;
	s26 =	simm.s32 $0x600;
	s28 =	simm.s32 $0xB80  }
0x6: {  	s29 =	simm.s32 $0xF00;
	s30 =	simm.s32 $0xF80;
	[smem:$0x7FF] =	sst s4  }
0x7: {  	s31 =	simm.s32 $0x0;
	_ =	strace $0x8000004A;
	[dreg:$0x4] =	wrdreg s18  }
0x8: {  	s1 =	sand.u32 $0x1, s1;
	s7 =	smul.u32 $0x14000, s2;
	[dreg:$0x5] =	wrdreg s19  }
0x9: {  	s5 =	sadd.s32 $0x3D800, s0;
	s12 =	sadd.s32 $0xB800, s0;
	[dreg:$0x6] =	wrdreg s21  }
0xa: {  	s13 =	smul.u32 $0x50000, s2;
	s11 =	sadd.s32 $0x1800, s0;
	[dreg:$0x8] =	wrdreg s22  }
0xb: {  	s16 =	sshll.u32 s2, $0x6;
	s25 =	smul.u32 $0x500, s2;
	[dreg:$0x9] =	wrdreg s23  }
0xc: {  	s6 =	smul.u32 $0x140000, s1;
	s14 =	ssub.s32 $0x2, s1;
	[dreg:$0xa] =	wrdreg s24  }
0xd: {  	s9 =	sshll.u32 s1, $0x4;
	s1 =	smul.u32 $0x5000, s1;
	[dreg:$0xb] =	wrdreg s26  }
0xe: {  	s18 =	simm.s32 $0x880;
	s19 =	simm.s32 $0x900;
	s21 =	simm.s32 $0x980  }
0xf: {  	s22 =	simm.s32 $0xD00;
	s23 =	simm.s32 $0xA00;
	[dreg:$0x11] =	wrdreg s18  }
0x10: {  	s24 =	simm.s32 $0xD80;
	s26 =	simm.s32 $0xE00;
	[dreg:$0x12] =	wrdreg s19  }
0x11: {  	s8 =	sshrl.u32 s14, $0x1;
	s15 =	sor.u32 s2, s9;
	[dreg:$0x14] =	wrdreg s21  }
0x12: {  	s2 =	simm.s32 $0x300;
	s18 =	simm.s32 $0xC00;
	[dreg:$0x15] =	wrdreg s22  }
0x13: {  	s19 =	simm.s32 $0x80;
	[dreg:$0x16] =	wrdreg s23;
	s21 =	simm.s32 $0x5000  }
0x14: {  	[dreg:$0x17] =	wrdreg s24;
	s22 =	simm.s32 $0x1;
	s23 =	simm.s32 $0x2  }
0x15: {  	s24 =	simm.s32 $0x4;
	[dreg:$0x19] =	wrdreg s26;
	s26 =	simm.s32 $0xE80  }
0x16: {  	s6 =	sadd.s32 s7, s6;
	s7 =	sshrl.u32 s13, $0x2;
	s10 =	ssub.s32 s14, s8  }
0x17: {  	s17 =	smul.u32 $0x500, s15;
	s14 =	simm.s32 $0x500;
	[dreg:$0xc] =	wrdreg s2  }
0x18: {  	s15 =	simm.s32 $0x380;
	s6 =	sshrl.u32 s6, $0x3;
	s13 =	sadd.s32 s7, s3  }
0x19: {  	[dreg:$0x7] =	wrdreg s14;
	s10 =	smax.u32 s10, $0x1;
	s7 =	simm.s32 $0x680  }
0x1a: {  	[dreg:$0xe] =	wrdreg s15;
	s14 =	simm.s32 $0x5;
	s15 =	simm.s32 $0x400  }
0x1b: {  	s0 =	sadd.s32 s6, s0;
	s6 =	sor.u32 $0x1C05, s16;
	s20 =	sadd.s32 s12, s17  }
0x1c: {  	s8 =	sadd.s32 s11, s17;
	s11 =	sadd.s32 s1, s11;
	s1 =	sadd.s32 s1, s12  }
0x1d: {  	[dreg:$0xd] =	wrdreg s7;
	s16 =	simm.s32 $0x700;
	s13 =	sshrl.u32 s13, $0x3  }
0x1e: {  	s17 =	simm.s32 $0x780;
	[dreg:$0x1a] =	wrdreg s20;
	s9 =	sadd.s32 $0x65800, s0  }
0x1f: {  	s11 =	sadd.s32 s25, s11;
	s12 =	sadd.s32 s25, s1;
	[dreg:$0xf] =	wrdreg s16  }
0x20: {  	[dreg:$0x10] =	wrdreg s17;
	s16 =	simm.s32 $0x3;
	s20 =	simm.s32 $0xC80  }
0x21: {  	s17 =	simm.s32 $0x800;
	s25 =	simm.s32 $0xA80;
	[dreg:$0x13] =	wrdreg s20  }
0x22: {  	s20 =	simm.s32 $0x1000;
	[dreg:$0x18] =	wrdreg s25;
	s25 =	simm.s32 $0xB00  }
.LBB2_1:
0x23: {  	s0 =	rddreg [dreg:$0x1]  }
0x24: {  	[spmem:s13], [sflag:s6] =	dma.local [hbm:s0], $0x2800  }
0x25: {  	_ =	swait.ge [sflag:s14], $0x2800  }
0x26: {  	[sflag:s14] =	ssyncset.done $0x0  }
0x27: {  	[sflag:s14] =	ssyncadd.s32 $0xFFFFD800  }
0x28: {  	[bflag:$0x0] =	sbarrier.arrive $0xFFFF  }
0x29: {  	s7 =	rddreg [dreg:$0x1a]  }
0x2a: {  	[tilespmem:s4], [sflag:$0x3] =	stream.linear.gather [hbm4b:s7+s4], $0x400, $0x38;
	[tilespmem:$0x1D000] =	vst v63  }
0x2b: {  	_ = 	snop  }
0x2c: {  	[tilespmem:s15], [sflag:$0x3] =	stream.linear.gather [hbm4b:s8+s4], $0x400, $0x38;
	[tilespmem:$0x1D000] =	vst v63  }
0x2d: {  	_ =	swait.ge [sflag:s16], $0x400  }
0x2e: {  	[sflag:s16] =	ssyncset.done $0x0  }
0x2f: {  	[sflag:s16] =	ssyncadd.s32 $0xFFFFFC00  }
0x30: {  	_ =	swait.ge [sflag:s16], $0x400  }
0x31: {  	s1 =	sadd.s32 $0x0, s12;
	[sflag:s16] =	ssyncset.done $0x0  }
0x32: {  	s0 =	sadd.s32 $0x80, s1;
	s1 =	sadd.s32 $0x0, s11;
	[sflag:s16] =	ssyncadd.s32 $0xFFFFFC00  }
0x33: {  	[tilespmem:s17], [sflag:$0x4] =	stream.linear.gather [hbm4b:s0+s4], $0x400, $0x38;
	[tilespmem:$0x1D000] =	vst v63  }
0x34: {  	s2 =	sadd.s32 $0x80, s1  }
0x35: {  	[tilespmem:s18], [sflag:$0x4] =	stream.linear.gather [hbm4b:s2+s4], $0x400, $0x38;
	[tilespmem:$0x1D000] =	vst v63  }
0x36: {  	_ = 	snop  }
0x37: {  	[tilespmem:s20], [sflag:$0x1] =	stream.indirect.gather [hbm4b:s5+s19], $0x80, s4, s19, $0xb8;
	[tilespmem:$0x1D000] =	vst v63  }
0x38: {  	_ = 	snop  }
0x39: {  	[tilespmem:s21], [sflag:$0x2] =	stream.indirect.gather [hbm4b:s5+s19], $0x80, s19, s19, $0xb8;
	[tilespmem:$0x1D000] =	vst v63  }
0x3a: {  	_ =	swait.ge [sflag:s22], $0x4000  }
0x3b: {  	[sflag:s22] =	ssyncset.done $0x0  }
0x3c: {  	[sflag:s22] =	ssyncadd.s32 $0xFFFFC000  }
0x3d: {  	[spmem:s3] =	stream.indirect.scatter.add.f32 [tilespmem:s20], [sflag:$0x5], $0x80, s15, s19, $0xb8;
	[tilespmem:$0x1D000] =	vst v63  }
0x3e: {  	_ =	swait.ge [sflag:s14], $0x4000  }
0x3f: {  	[sflag:s14] =	ssyncset.done $0x0  }
0x40: {  	s7 =	rddreg [dreg:$0x4];
	[sflag:s14] =	ssyncadd.s32 $0xFFFFC000  }
0x41: {  	[tilespmem:s20], [sflag:$0x1] =	stream.indirect.gather [hbm4b:s5+s19], $0x80, s7, s19, $0xb8;
	[tilespmem:$0x1D000] =	vst v63  }
0x42: {  	_ =	swait.ge [sflag:s23], $0x4000  }
0x43: {  	[sflag:s23] =	ssyncset.done $0x0  }
0x44: {  	s1 =	rddreg [dreg:$0x5];
	[sflag:s23] =	ssyncadd.s32 $0xFFFFC000  }
0x45: {  	[spmem:s3] =	stream.indirect.scatter.add.f32 [tilespmem:s21], [sflag:$0x5], $0x80, s1, s19, $0xb8;
	[tilespmem:$0x1D000] =	vst v63  }
0x46: {  	_ =	swait.ge [sflag:s14], $0x4000  }
0x47: {  	[sflag:s14] =	ssyncset.done $0x0  }
0x48: {  	s2 =	rddreg [dreg:$0x6];
	[sflag:s14] =	ssyncadd.s32 $0xFFFFC000  }
0x49: {  	[tilespmem:s21], [sflag:$0x2] =	stream.indirect.gather [hbm4b:s5+s19], $0x80, s2, s19, $0xb8;
	[tilespmem:$0x1D000] =	vst v63  }
0x4a: {  	_ =	swait.ge [sflag:s22], $0x4000  }
0x4b: {  	[sflag:s22] =	ssyncset.done $0x0  }
0x4c: {  	s7 =	rddreg [dreg:$0x7];
	[sflag:s22] =	ssyncadd.s32 $0xFFFFC000  }
0x4d: {  	[spmem:s3] =	stream.indirect.scatter.add.f32 [tilespmem:s20], [sflag:$0x5], $0x80, s7, s19, $0xb8;
	[tilespmem:$0x1D000] =	vst v63  }
0x4e: {  	_ =	swait.ge [sflag:s14], $0x4000  }
0x4f: {  	[sflag:s14] =	ssyncset.done $0x0  }
0x50: {  	s1 =	rddreg [dreg:$0x8];
	[sflag:s14] =	ssyncadd.s32 $0xFFFFC000  }
0x51: {  	[tilespmem:s20], [sflag:$0x1] =	stream.indirect.gather [hbm4b:s5+s19], $0x80, s1, s19, $0xb8;
	[tilespmem:$0x1D000] =	vst v63  }
0x52: {  	_ =	swait.ge [sflag:s23], $0x4000  }
0x53: {  	[sflag:s23] =	ssyncset.done $0x0  }
0x54: {  	s2 =	rddreg [dreg:$0x9];
	[sflag:s23] =	ssyncadd.s32 $0xFFFFC000  }
0x55: {  	[spmem:s3] =	stream.indirect.scatter.add.f32 [tilespmem:s21], [sflag:$0x5], $0x80, s2, s19, $0xb8;
	[tilespmem:$0x1D000] =	vst v63  }
0x56: {  	_ =	swait.ge [sflag:s14], $0x4000  }
0x57: {  	[sflag:s14] =	ssyncset.done $0x0  }
0x58: {  	s7 =	rddreg [dreg:$0xa];
	[sflag:s14] =	ssyncadd.s32 $0xFFFFC000  }
0x59: {  	[tilespmem:s21], [sflag:$0x2] =	stream.indirect.gather [hbm4b:s5+s19], $0x80, s7, s19, $0xb8;
	[tilespmem:$0x1D000] =	vst v63  }
0x5a: {  	_ =	swait.ge [sflag:s22], $0x4000  }
0x5b: {  	[sflag:s22] =	ssyncset.done $0x0  }
0x5c: {  	s1 =	rddreg [dreg:$0xb];
	[sflag:s22] =	ssyncadd.s32 $0xFFFFC000  }
0x5d: {  	[spmem:s3] =	stream.indirect.scatter.add.f32 [tilespmem:s20], [sflag:$0x5], $0x80, s1, s19, $0xb8;
	[tilespmem:$0x1D000] =	vst v63  }
0x5e: {  	_ =	swait.ge [sflag:s14], $0x4000  }
0x5f: {  	[sflag:s14] =	ssyncset.done $0x0  }
0x60: {  	s2 =	rddreg [dreg:$0xc];
	[sflag:s14] =	ssyncadd.s32 $0xFFFFC000  }
0x61: {  	[tilespmem:s20], [sflag:$0x1] =	stream.indirect.gather [hbm4b:s5+s19], $0x80, s2, s19, $0xb8;
	[tilespmem:$0x1D000] =	vst v63  }
0x62: {  	_ =	swait.ge [sflag:s23], $0x4000  }
0x63: {  	[sflag:s23] =	ssyncset.done $0x0  }
0x64: {  	s7 =	rddreg [dreg:$0xd];
	[sflag:s23] =	ssyncadd.s32 $0xFFFFC000  }
0x65: {  	[spmem:s3] =	stream.indirect.scatter.add.f32 [tilespmem:s21], [sflag:$0x5], $0x80, s7, s19, $0xb8;
	[tilespmem:$0x1D000] =	vst v63  }
0x66: {  	_ =	swait.ge [sflag:s14], $0x4000  }
0x67: {  	[sflag:s14] =	ssyncset.done $0x0  }
0x68: {  	s1 =	rddreg [dreg:$0xe];
	[sflag:s14] =	ssyncadd.s32 $0xFFFFC000  }
0x69: {  	[tilespmem:s21], [sflag:$0x2] =	stream.indirect.gather [hbm4b:s5+s19], $0x80, s1, s19, $0xb8;
	[tilespmem:$0x1D000] =	vst v63  }
0x6a: {  	_ =	swait.ge [sflag:s22], $0x4000  }
0x6b: {  	[sflag:s22] =	ssyncset.done $0x0  }
0x6c: {  	s2 =	rddreg [dreg:$0xf];
	[sflag:s22] =	ssyncadd.s32 $0xFFFFC000  }
0x6d: {  	[spmem:s3] =	stream.indirect.scatter.add.f32 [tilespmem:s20], [sflag:$0x5], $0x80, s2, s19, $0xb8;
	[tilespmem:$0x1D000] =	vst v63  }
0x6e: {  	_ =	swait.ge [sflag:s14], $0x4000  }
0x6f: {  	[sflag:s14] =	ssyncset.done $0x0  }
0x70: {  	[sflag:s14] =	ssyncadd.s32 $0xFFFFC000  }
0x71: {  	_ =	swait.ge [sflag:s23], $0x4000  }
0x72: {  	[sflag:s23] =	ssyncset.done $0x0  }
0x73: {  	s7 =	rddreg [dreg:$0x10];
	[sflag:s23] =	ssyncadd.s32 $0xFFFFC000  }
0x74: {  	[spmem:s3] =	stream.indirect.scatter.add.f32 [tilespmem:s21], [sflag:$0x5], $0x80, s7, s19, $0xb8;
	[tilespmem:$0x1D000] =	vst v63  }
0x75: {  	_ =	swait.ge [sflag:s14], $0x4000  }
0x76: {  	[sflag:s14] =	ssyncset.done $0x0  }
0x77: {  	[sflag:s14] =	ssyncadd.s32 $0xFFFFC000  }
0x78: {  	_ =	swait.ge [sflag:s24], $0x400  }
0x79: {  	[sflag:s24] =	ssyncset.done $0x0  }
0x7a: {  	p0 =	por $0x0, $0x0;
	[sflag:s24] =	ssyncadd.s32 $0xFFFFFC00  }
0x7b: {  	s0 =	sadd.s32 @!p0 $0x0, s12;
	_ =	swait.ge [sflag:s24], $0x400  }
0x7c: {  	s0 =	sadd.s32 @!p0 $0x100, s0;
	[sflag:s24] =	ssyncset.done $0x0  }
0x7d: {  	s1 =	sadd.s32 @!p0 $0x0, s11;
	s2 =	simm.s32 @!p0 $0x0;
	[sflag:s24] =	ssyncadd.s32 $0xFFFFFC00  }
0x7e: {  	[tilespmem:s2], [sflag:$0x3] =	stream.linear.gather @!p0 [hbm4b:s0+s2], $0x400, $0x38;
	[tilespmem:$0x1D000] =	vst v63  }
0x7f: {  	s0 =	sadd.s32 @!p0 $0x100, s1;
	s1 =	simm.s32 @!p0 $0x400  }
0x80: {  	[tilespmem:s1], [sflag:$0x3] =	stream.linear.gather @!p0 [hbm4b:s0+s2], $0x400, $0x38;
	[tilespmem:$0x1D000] =	vst v63  }
0x81: {  	_ = 	snop  }
0x82: {  	[tilespmem:s20], [sflag:$0x1] =	stream.indirect.gather [hbm4b:s5+s19], $0x80, s17, s19, $0xb8;
	[tilespmem:$0x1D000] =	vst v63  }
0x83: {  	s1 =	rddreg [dreg:$0x11]  }
0x84: {  	[tilespmem:s21], [sflag:$0x2] =	stream.indirect.gather [hbm4b:s5+s19], $0x80, s1, s19, $0xb8;
	[tilespmem:$0x1D000] =	vst v63  }
0x85: {  	_ =	swait.ge [sflag:s22], $0x4000  }
0x86: {  	[sflag:s22] =	ssyncset.done $0x0  }
0x87: {  	[sflag:s22] =	ssyncadd.s32 $0xFFFFC000  }
0x88: {  	[spmem:s3] =	stream.indirect.scatter.add.f32 [tilespmem:s20], [sflag:$0x5], $0x80, s18, s19, $0xb8;
	[tilespmem:$0x1D000] =	vst v63  }
0x89: {  	_ =	swait.ge [sflag:s14], $0x4000  }
0x8a: {  	[sflag:s14] =	ssyncset.done $0x0  }
0x8b: {  	s2 =	rddreg [dreg:$0x12];
	[sflag:s14] =	ssyncadd.s32 $0xFFFFC000  }
0x8c: {  	[tilespmem:s20], [sflag:$0x1] =	stream.indirect.gather [hbm4b:s5+s19], $0x80, s2, s19, $0xb8;
	[tilespmem:$0x1D000] =	vst v63  }
0x8d: {  	_ =	swait.ge [sflag:s23], $0x4000  }
0x8e: {  	[sflag:s23] =	ssyncset.done $0x0  }
0x8f: {  	s7 =	rddreg [dreg:$0x13];
	[sflag:s23] =	ssyncadd.s32 $0xFFFFC000  }
0x90: {  	[spmem:s3] =	stream.indirect.scatter.add.f32 [tilespmem:s21], [sflag:$0x5], $0x80, s7, s19, $0xb8;
	[tilespmem:$0x1D000] =	vst v63  }
0x91: {  	_ =	swait.ge [sflag:s14], $0x4000  }
0x92: {  	[sflag:s14] =	ssyncset.done $0x0  }
0x93: {  	s1 =	rddreg [dreg:$0x14];
	[sflag:s14] =	ssyncadd.s32 $0xFFFFC000  }
0x94: {  	[tilespmem:s21], [sflag:$0x2] =	stream.indirect.gather [hbm4b:s5+s19], $0x80, s1, s19, $0xb8;
	[tilespmem:$0x1D000] =	vst v63  }
0x95: {  	_ =	swait.ge [sflag:s22], $0x4000  }
0x96: {  	[sflag:s22] =	ssyncset.done $0x0  }
0x97: {  	s2 =	rddreg [dreg:$0x15];
	[sflag:s22] =	ssyncadd.s32 $0xFFFFC000  }
0x98: {  	[spmem:s3] =	stream.indirect.scatter.add.f32 [tilespmem:s20], [sflag:$0x5], $0x80, s2, s19, $0xb8;
	[tilespmem:$0x1D000] =	vst v63  }
0x99: {  	_ =	swait.ge [sflag:s14], $0x4000  }
0x9a: {  	[sflag:s14] =	ssyncset.done $0x0  }
0x9b: {  	s7 =	rddreg [dreg:$0x16];
	[sflag:s14] =	ssyncadd.s32 $0xFFFFC000  }
0x9c: {  	[tilespmem:s20], [sflag:$0x1] =	stream.indirect.gather [hbm4b:s5+s19], $0x80, s7, s19, $0xb8;
	[tilespmem:$0x1D000] =	vst v63  }
0x9d: {  	_ =	swait.ge [sflag:s23], $0x4000  }
0x9e: {  	[sflag:s23] =	ssyncset.done $0x0  }
0x9f: {  	s1 =	rddreg [dreg:$0x17];
	[sflag:s23] =	ssyncadd.s32 $0xFFFFC000  }
0xa0: {  	[spmem:s3] =	stream.indirect.scatter.add.f32 [tilespmem:s21], [sflag:$0x5], $0x80, s1, s19, $0xb8;
	[tilespmem:$0x1D000] =	vst v63  }
0xa1: {  	_ =	swait.ge [sflag:s14], $0x4000  }
0xa2: {  	[sflag:s14] =	ssyncset.done $0x0  }
0xa3: {  	s2 =	rddreg [dreg:$0x18];
	[sflag:s14] =	ssyncadd.s32 $0xFFFFC000  }
0xa4: {  	[tilespmem:s21], [sflag:$0x2] =	stream.indirect.gather [hbm4b:s5+s19], $0x80, s2, s19, $0xb8;
	[tilespmem:$0x1D000] =	vst v63  }
0xa5: {  	_ =	swait.ge [sflag:s22], $0x4000  }
0xa6: {  	[sflag:s22] =	ssyncset.done $0x0  }
0xa7: {  	s7 =	rddreg [dreg:$0x19];
	[sflag:s22] =	ssyncadd.s32 $0xFFFFC000  }
0xa8: {  	[spmem:s3] =	stream.indirect.scatter.add.f32 [tilespmem:s20], [sflag:$0x5], $0x80, s7, s19, $0xb8;
	[tilespmem:$0x1D000] =	vst v63  }
0xa9: {  	_ =	swait.ge [sflag:s14], $0x4000  }
0xaa: {  	[sflag:s14] =	ssyncset.done $0x0  }
0xab: {  	[sflag:s14] =	ssyncadd.s32 $0xFFFFC000  }
0xac: {  	[tilespmem:s20], [sflag:$0x1] =	stream.indirect.gather [hbm4b:s5+s19], $0x80, s25, s19, $0xb8;
	[tilespmem:$0x1D000] =	vst v63  }
0xad: {  	_ =	swait.ge [sflag:s23], $0x4000  }
0xae: {  	[sflag:s23] =	ssyncset.done $0x0  }
0xaf: {  	[sflag:s23] =	ssyncadd.s32 $0xFFFFC000  }
0xb0: {  	[spmem:s3] =	stream.indirect.scatter.add.f32 [tilespmem:s21], [sflag:$0x5], $0x80, s26, s19, $0xb8;
	[tilespmem:$0x1D000] =	vst v63  }
0xb1: {  	_ =	swait.ge [sflag:s14], $0x4000  }
0xb2: {  	[sflag:s14] =	ssyncset.done $0x0  }
0xb3: {  	[sflag:s14] =	ssyncadd.s32 $0xFFFFC000  }
0xb4: {  	[tilespmem:s21], [sflag:$0x2] =	stream.indirect.gather [hbm4b:s5+s19], $0x80, s28, s19, $0xb8;
	[tilespmem:$0x1D000] =	vst v63  }
0xb5: {  	_ =	swait.ge [sflag:s22], $0x4000  }
0xb6: {  	[sflag:s22] =	ssyncset.done $0x0  }
0xb7: {  	[sflag:s22] =	ssyncadd.s32 $0xFFFFC000  }
0xb8: {  	[spmem:s3] =	stream.indirect.scatter.add.f32 [tilespmem:s20], [sflag:$0x5], $0x80, s29, s19, $0xb8;
	[tilespmem:$0x1D000] =	vst v63  }
0xb9: {  	_ =	swait.ge [sflag:s14], $0x4000  }
0xba: {  	[sflag:s14] =	ssyncset.done $0x0  }
0xbb: {  	[sflag:s14] =	ssyncadd.s32 $0xFFFFC000  }
0xbc: {  	_ =	swait.ge [sflag:s23], $0x4000  }
0xbd: {  	[sflag:s23] =	ssyncset.done $0x0  }
0xbe: {  	[sflag:s23] =	ssyncadd.s32 $0xFFFFC000  }
0xbf: {  	[spmem:s3] =	stream.indirect.scatter.add.f32 [tilespmem:s21], [sflag:$0x5], $0x80, s30, s19, $0xb8;
	[tilespmem:$0x1D000] =	vst v63  }
0xc0: {  	_ =	swait.ge [sflag:s14], $0x4000  }
0xc1: {  	s0 =	simm.s32 $0x100;
	[sflag:s14] =	ssyncset.done $0x0  }
.LBB2_2:
0xc2: {  	[sflag:s14] =	ssyncadd.s32 $0xFFFFC000  }
0xc3: {  	_ =	swait.ge [sflag:s16], $0x400  }
0xc4: {  	[sflag:s16] =	ssyncset.done $0x0  }
0xc5: {  	[sflag:s16] =	ssyncadd.s32 $0xFFFFFC00  }
0xc6: {  	s1 =	smov.u32 s0;
	_ =	swait.ge [sflag:s16], $0x400  }
0xc7: {  	s2 =	sadd.s32 s1, s12;
	[sflag:s16] =	ssyncset.done $0x0  }
0xc8: {  	s7 =	sadd.s32 s1, s11;
	s2 =	sadd.s32 $0x80, s2;
	[sflag:s16] =	ssyncadd.s32 $0xFFFFFC00  }
0xc9: {  	[tilespmem:s17], [sflag:$0x4] =	stream.linear.gather [hbm4b:s2+s4], $0x400, $0x38;
	[tilespmem:$0x1D000] =	vst v63  }
0xca: {  	s7 =	sadd.s32 $0x80, s7  }
0xcb: {  	[tilespmem:s18], [sflag:$0x4] =	stream.linear.gather [hbm4b:s7+s4], $0x400, $0x38;
	[tilespmem:$0x1D000] =	vst v63  }
0xcc: {  	_ = 	snop  }
0xcd: {  	[tilespmem:s20], [sflag:$0x1] =	stream.indirect.gather [hbm4b:s5+s19], $0x80, s4, s19, $0xb8;
	[tilespmem:$0x1D000] =	vst v63  }
0xce: {  	_ = 	snop  }
0xcf: {  	[tilespmem:s21], [sflag:$0x2] =	stream.indirect.gather [hbm4b:s5+s19], $0x80, s19, s19, $0xb8;
	[tilespmem:$0x1D000] =	vst v63  }
0xd0: {  	_ =	swait.ge [sflag:s22], $0x4000  }
0xd1: {  	[sflag:s22] =	ssyncset.done $0x0  }
0xd2: {  	[sflag:s22] =	ssyncadd.s32 $0xFFFFC000  }
0xd3: {  	[spmem:s3] =	stream.indirect.scatter.add.f32 [tilespmem:s20], [sflag:$0x5], $0x80, s15, s19, $0xb8;
	[tilespmem:$0x1D000] =	vst v63  }
0xd4: {  	_ =	swait.ge [sflag:s14], $0x4000  }
0xd5: {  	[sflag:s14] =	ssyncset.done $0x0  }
0xd6: {  	s7 =	rddreg [dreg:$0x4];
	[sflag:s14] =	ssyncadd.s32 $0xFFFFC000  }
0xd7: {  	[tilespmem:s20], [sflag:$0x1] =	stream.indirect.gather [hbm4b:s5+s19], $0x80, s7, s19, $0xb8;
	[tilespmem:$0x1D000] =	vst v63  }
0xd8: {  	_ =	swait.ge [sflag:s23], $0x4000  }
0xd9: {  	[sflag:s23] =	ssyncset.done $0x0  }
0xda: {  	s7 =	rddreg [dreg:$0x5];
	[sflag:s23] =	ssyncadd.s32 $0xFFFFC000  }
0xdb: {  	[spmem:s3] =	stream.indirect.scatter.add.f32 [tilespmem:s21], [sflag:$0x5], $0x80, s7, s19, $0xb8;
	[tilespmem:$0x1D000] =	vst v63  }
0xdc: {  	_ =	swait.ge [sflag:s14], $0x4000  }
0xdd: {  	[sflag:s14] =	ssyncset.done $0x0  }
0xde: {  	s7 =	rddreg [dreg:$0x6];
	[sflag:s14] =	ssyncadd.s32 $0xFFFFC000  }
0xdf: {  	[tilespmem:s21], [sflag:$0x2] =	stream.indirect.gather [hbm4b:s5+s19], $0x80, s7, s19, $0xb8;
	[tilespmem:$0x1D000] =	vst v63  }
0xe0: {  	_ =	swait.ge [sflag:s22], $0x4000  }
0xe1: {  	[sflag:s22] =	ssyncset.done $0x0  }
0xe2: {  	s7 =	rddreg [dreg:$0x7];
	[sflag:s22] =	ssyncadd.s32 $0xFFFFC000  }
0xe3: {  	[spmem:s3] =	stream.indirect.scatter.add.f32 [tilespmem:s20], [sflag:$0x5], $0x80, s7, s19, $0xb8;
	[tilespmem:$0x1D000] =	vst v63  }
0xe4: {  	_ =	swait.ge [sflag:s14], $0x4000  }
0xe5: {  	[sflag:s14] =	ssyncset.done $0x0  }
0xe6: {  	s7 =	rddreg [dreg:$0x8];
	[sflag:s14] =	ssyncadd.s32 $0xFFFFC000  }
0xe7: {  	[tilespmem:s20], [sflag:$0x1] =	stream.indirect.gather [hbm4b:s5+s19], $0x80, s7, s19, $0xb8;
	[tilespmem:$0x1D000] =	vst v63  }
0xe8: {  	_ =	swait.ge [sflag:s23], $0x4000  }
0xe9: {  	[sflag:s23] =	ssyncset.done $0x0  }
0xea: {  	s7 =	rddreg [dreg:$0x9];
	[sflag:s23] =	ssyncadd.s32 $0xFFFFC000  }
0xeb: {  	[spmem:s3] =	stream.indirect.scatter.add.f32 [tilespmem:s21], [sflag:$0x5], $0x80, s7, s19, $0xb8;
	[tilespmem:$0x1D000] =	vst v63  }
0xec: {  	_ =	swait.ge [sflag:s14], $0x4000  }
0xed: {  	[sflag:s14] =	ssyncset.done $0x0  }
0xee: {  	s7 =	rddreg [dreg:$0xa];
	[sflag:s14] =	ssyncadd.s32 $0xFFFFC000  }
0xef: {  	[tilespmem:s21], [sflag:$0x2] =	stream.indirect.gather [hbm4b:s5+s19], $0x80, s7, s19, $0xb8;
	[tilespmem:$0x1D000] =	vst v63  }
0xf0: {  	_ =	swait.ge [sflag:s22], $0x4000  }
0xf1: {  	[sflag:s22] =	ssyncset.done $0x0  }
0xf2: {  	s7 =	rddreg [dreg:$0xb];
	[sflag:s22] =	ssyncadd.s32 $0xFFFFC000  }
0xf3: {  	[spmem:s3] =	stream.indirect.scatter.add.f32 [tilespmem:s20], [sflag:$0x5], $0x80, s7, s19, $0xb8;
	[tilespmem:$0x1D000] =	vst v63  }
0xf4: {  	_ =	swait.ge [sflag:s14], $0x4000  }
0xf5: {  	[sflag:s14] =	ssyncset.done $0x0  }
0xf6: {  	s7 =	rddreg [dreg:$0xc];
	[sflag:s14] =	ssyncadd.s32 $0xFFFFC000  }
0xf7: {  	[tilespmem:s20], [sflag:$0x1] =	stream.indirect.gather [hbm4b:s5+s19], $0x80, s7, s19, $0xb8;
	[tilespmem:$0x1D000] =	vst v63  }
0xf8: {  	_ =	swait.ge [sflag:s23], $0x4000  }
0xf9: {  	[sflag:s23] =	ssyncset.done $0x0  }
0xfa: {  	s7 =	rddreg [dreg:$0xd];
	[sflag:s23] =	ssyncadd.s32 $0xFFFFC000  }
0xfb: {  	[spmem:s3] =	stream.indirect.scatter.add.f32 [tilespmem:s21], [sflag:$0x5], $0x80, s7, s19, $0xb8;
	[tilespmem:$0x1D000] =	vst v63  }
0xfc: {  	_ =	swait.ge [sflag:s14], $0x4000  }
0xfd: {  	[sflag:s14] =	ssyncset.done $0x0  }
0xfe: {  	s7 =	rddreg [dreg:$0xe];
	[sflag:s14] =	ssyncadd.s32 $0xFFFFC000  }
0xff: {  	[tilespmem:s21], [sflag:$0x2] =	stream.indirect.gather [hbm4b:s5+s19], $0x80, s7, s19, $0xb8;
	[tilespmem:$0x1D000] =	vst v63  }
0x100: {  	_ =	swait.ge [sflag:s22], $0x4000  }
0x101: {  	[sflag:s22] =	ssyncset.done $0x0  }
0x102: {  	s7 =	rddreg [dreg:$0xf];
	[sflag:s22] =	ssyncadd.s32 $0xFFFFC000  }
0x103: {  	[spmem:s3] =	stream.indirect.scatter.add.f32 [tilespmem:s20], [sflag:$0x5], $0x80, s7, s19, $0xb8;
	[tilespmem:$0x1D000] =	vst v63  }
0x104: {  	_ =	swait.ge [sflag:s14], $0x4000  }
0x105: {  	[sflag:s14] =	ssyncset.done $0x0  }
0x106: {  	[sflag:s14] =	ssyncadd.s32 $0xFFFFC000  }
0x107: {  	_ =	swait.ge [sflag:s23], $0x4000  }
0x108: {  	[sflag:s23] =	ssyncset.done $0x0  }
0x109: {  	s7 =	rddreg [dreg:$0x10];
	[sflag:s23] =	ssyncadd.s32 $0xFFFFC000  }
0x10a: {  	[spmem:s3] =	stream.indirect.scatter.add.f32 [tilespmem:s21], [sflag:$0x5], $0x80, s7, s19, $0xb8;
	[tilespmem:$0x1D000] =	vst v63  }
0x10b: {  	_ =	swait.ge [sflag:s14], $0x4000  }
0x10c: {  	[sflag:s14] =	ssyncset.done $0x0  }
0x10d: {  	[sflag:s14] =	ssyncadd.s32 $0xFFFFC000  }
0x10e: {  	_ =	swait.ge [sflag:s24], $0x400  }
0x10f: {  	[sflag:s24] =	ssyncset.done $0x0  }
0x110: {  	[sflag:s24] =	ssyncadd.s32 $0xFFFFFC00  }
0x111: {  	p1 =	seq.s32 s1, $0x400;
	_ =	swait.ge [sflag:s24], $0x400  }
0x112: {  	s2 =	sadd.s32 @!p1 s1, s12;
	s1 =	sadd.s32 @!p1 s1, s11;
	[sflag:s24] =	ssyncset.done $0x0  }
0x113: {  	s2 =	sadd.s32 @!p1 $0x100, s2;
	s7 =	simm.s32 @!p1 $0x0;
	[sflag:s24] =	ssyncadd.s32 $0xFFFFFC00  }
0x114: {  	[tilespmem:s7], [sflag:$0x3] =	stream.linear.gather @!p1 [hbm4b:s2+s7], $0x400, $0x38;
	[tilespmem:$0x1D000] =	vst v63  }
0x115: {  	s1 =	sadd.s32 @!p1 $0x100, s1;
	s2 =	simm.s32 @!p1 $0x400  }
0x116: {  	[tilespmem:s2], [sflag:$0x3] =	stream.linear.gather @!p1 [hbm4b:s1+s7], $0x400, $0x38;
	[tilespmem:$0x1D000] =	vst v63  }
0x117: {  	_ = 	snop  }
0x118: {  	[tilespmem:s20], [sflag:$0x1] =	stream.indirect.gather [hbm4b:s5+s19], $0x80, s17, s19, $0xb8;
	[tilespmem:$0x1D000] =	vst v63  }
0x119: {  	s7 =	rddreg [dreg:$0x11]  }
0x11a: {  	[tilespmem:s21], [sflag:$0x2] =	stream.indirect.gather [hbm4b:s5+s19], $0x80, s7, s19, $0xb8;
	[tilespmem:$0x1D000] =	vst v63  }
0x11b: {  	_ =	swait.ge [sflag:s22], $0x4000  }
0x11c: {  	[sflag:s22] =	ssyncset.done $0x0  }
0x11d: {  	[sflag:s22] =	ssyncadd.s32 $0xFFFFC000  }
0x11e: {  	[spmem:s3] =	stream.indirect.scatter.add.f32 [tilespmem:s20], [sflag:$0x5], $0x80, s18, s19, $0xb8;
	[tilespmem:$0x1D000] =	vst v63  }
0x11f: {  	_ =	swait.ge [sflag:s14], $0x4000  }
0x120: {  	[sflag:s14] =	ssyncset.done $0x0  }
0x121: {  	s2 =	rddreg [dreg:$0x12];
	[sflag:s14] =	ssyncadd.s32 $0xFFFFC000  }
0x122: {  	[tilespmem:s20], [sflag:$0x1] =	stream.indirect.gather [hbm4b:s5+s19], $0x80, s2, s19, $0xb8;
	[tilespmem:$0x1D000] =	vst v63  }
0x123: {  	_ =	swait.ge [sflag:s23], $0x4000  }
0x124: {  	[sflag:s23] =	ssyncset.done $0x0  }
0x125: {  	s7 =	rddreg [dreg:$0x13];
	[sflag:s23] =	ssyncadd.s32 $0xFFFFC000  }
0x126: {  	[spmem:s3] =	stream.indirect.scatter.add.f32 [tilespmem:s21], [sflag:$0x5], $0x80, s7, s19, $0xb8;
	[tilespmem:$0x1D000] =	vst v63  }
0x127: {  	_ =	swait.ge [sflag:s14], $0x4000  }
0x128: {  	[sflag:s14] =	ssyncset.done $0x0  }
0x129: {  	s2 =	rddreg [dreg:$0x14];
	[sflag:s14] =	ssyncadd.s32 $0xFFFFC000  }
0x12a: {  	[tilespmem:s21], [sflag:$0x2] =	stream.indirect.gather [hbm4b:s5+s19], $0x80, s2, s19, $0xb8;
	[tilespmem:$0x1D000] =	vst v63  }
0x12b: {  	_ =	swait.ge [sflag:s22], $0x4000  }
0x12c: {  	[sflag:s22] =	ssyncset.done $0x0  }
0x12d: {  	s7 =	rddreg [dreg:$0x15];
	[sflag:s22] =	ssyncadd.s32 $0xFFFFC000  }
0x12e: {  	[spmem:s3] =	stream.indirect.scatter.add.f32 [tilespmem:s20], [sflag:$0x5], $0x80, s7, s19, $0xb8;
	[tilespmem:$0x1D000] =	vst v63  }
0x12f: {  	_ =	swait.ge [sflag:s14], $0x4000  }
0x130: {  	[sflag:s14] =	ssyncset.done $0x0  }
0x131: {  	s2 =	rddreg [dreg:$0x16];
	[sflag:s14] =	ssyncadd.s32 $0xFFFFC000  }
0x132: {  	[tilespmem:s20], [sflag:$0x1] =	stream.indirect.gather [hbm4b:s5+s19], $0x80, s2, s19, $0xb8;
	[tilespmem:$0x1D000] =	vst v63  }
0x133: {  	_ =	swait.ge [sflag:s23], $0x4000  }
0x134: {  	[sflag:s23] =	ssyncset.done $0x0  }
0x135: {  	s7 =	rddreg [dreg:$0x17];
	[sflag:s23] =	ssyncadd.s32 $0xFFFFC000  }
0x136: {  	[spmem:s3] =	stream.indirect.scatter.add.f32 [tilespmem:s21], [sflag:$0x5], $0x80, s7, s19, $0xb8;
	[tilespmem:$0x1D000] =	vst v63  }
0x137: {  	_ =	swait.ge [sflag:s14], $0x4000  }
0x138: {  	[sflag:s14] =	ssyncset.done $0x0  }
0x139: {  	s2 =	rddreg [dreg:$0x18];
	[sflag:s14] =	ssyncadd.s32 $0xFFFFC000  }
0x13a: {  	[tilespmem:s21], [sflag:$0x2] =	stream.indirect.gather [hbm4b:s5+s19], $0x80, s2, s19, $0xb8;
	[tilespmem:$0x1D000] =	vst v63  }
0x13b: {  	_ =	swait.ge [sflag:s22], $0x4000  }
0x13c: {  	[sflag:s22] =	ssyncset.done $0x0  }
0x13d: {  	s7 =	rddreg [dreg:$0x19];
	[sflag:s22] =	ssyncadd.s32 $0xFFFFC000  }
0x13e: {  	[spmem:s3] =	stream.indirect.scatter.add.f32 [tilespmem:s20], [sflag:$0x5], $0x80, s7, s19, $0xb8;
	[tilespmem:$0x1D000] =	vst v63  }
0x13f: {  	_ =	swait.ge [sflag:s14], $0x4000  }
0x140: {  	[sflag:s14] =	ssyncset.done $0x0  }
0x141: {  	[sflag:s14] =	ssyncadd.s32 $0xFFFFC000  }
0x142: {  	[tilespmem:s20], [sflag:$0x1] =	stream.indirect.gather [hbm4b:s5+s19], $0x80, s25, s19, $0xb8;
	[tilespmem:$0x1D000] =	vst v63  }
0x143: {  	_ =	swait.ge [sflag:s23], $0x4000  }
0x144: {  	[sflag:s23] =	ssyncset.done $0x0  }
0x145: {  	[sflag:s23] =	ssyncadd.s32 $0xFFFFC000  }
0x146: {  	[spmem:s3] =	stream.indirect.scatter.add.f32 [tilespmem:s21], [sflag:$0x5], $0x80, s26, s19, $0xb8;
	[tilespmem:$0x1D000] =	vst v63  }
0x147: {  	_ =	swait.ge [sflag:s14], $0x4000  }
0x148: {  	[sflag:s14] =	ssyncset.done $0x0  }
0x149: {  	[sflag:s14] =	ssyncadd.s32 $0xFFFFC000  }
0x14a: {  	[tilespmem:s21], [sflag:$0x2] =	stream.indirect.gather [hbm4b:s5+s19], $0x80, s28, s19, $0xb8;
	[tilespmem:$0x1D000] =	vst v63  }
0x14b: {  	_ =	swait.ge [sflag:s22], $0x4000  }
0x14c: {  	[sflag:s22] =	ssyncset.done $0x0  }
0x14d: {  	[sflag:s22] =	ssyncadd.s32 $0xFFFFC000  }
0x14e: {  	[spmem:s3] =	stream.indirect.scatter.add.f32 [tilespmem:s20], [sflag:$0x5], $0x80, s29, s19, $0xb8;
	[tilespmem:$0x1D000] =	vst v63  }
0x14f: {  	_ =	swait.ge [sflag:s14], $0x4000  }
0x150: {  	[sflag:s14] =	ssyncset.done $0x0  }
0x151: {  	s0 =	sadd.s32 $0x100, s0;
	[sflag:s14] =	ssyncadd.s32 $0xFFFFC000  }
0x152: {  	p0 =	sne.s32 s0, $0x500;
	_ =	swait.ge [sflag:s23], $0x4000  }
.Ltmp0:
0x153: {  	[sflag:s23] =	ssyncset.done $0x0;
	(pc) =	sbr.rel @p0 .LBB2_2-.Ltmp0, $4  }
0x154: {  	[sflag:s23] =	ssyncadd.s32 $0xFFFFC000  }
0x155: {  	[spmem:s3] =	stream.indirect.scatter.add.f32 [tilespmem:s21], [sflag:$0x5], $0x80, s30, s19, $0xb8;
	[tilespmem:$0x1D000] =	vst v63  }
0x156: {  	_ =	swait.ge [sflag:s14], $0x4000  }
0x157: {  	[sflag:s14] =	ssyncset.done $0x0  }
0x158: {  	s31 =	sadd.s32 $0x1, s31  }
0x159: {  	[sflag:s14] =	ssyncadd.s32 $0xFFFFC000;
	p0 =	sne.s32 s31, s10  }
.Ltmp1:
0x15a: {  	[bflag:$0x0] =	sbarrier.arrive $0xFFFF;
	(pc) =	sbr.rel @p0 .LBB2_1-.Ltmp1, $4  }
0x15b: {  	[hbm:s9], [sflag:s6] =	dma.local [spmem:s13], $0x2800  }
0x15c: {  	_ =	swait.ge [sflag:s14], $0x2800  }
0x15d: {  	[sflag:s14] =	ssyncset.done $0x0  }
0x15e: {  	[sflag:s14] =	ssyncadd.s32 $0xFFFFD800  }
0x15f: {  	_ =	sfence.sel $0x180000  }
0x160: {  	[bflag:$0x0] =	sbarrier.arrive $0xFFFF  }
0x161: {  	_ =	strace $0x9000004A  }
0x162: {  	s0 =	stileid.u32;
	[bflag:$0x2] =	sbarrier.arrive $0xFFFF  }
0x163: {  	p0 =	sne.s32 s0, $0x0;
	s0 =	rddreg [dreg:$0x3]  }
0x164: {  	s0 =	sadd.s32 @!p0 $0x100000, s0  }
0x165: {  	[sflag:s0] =	ssyncadd.tile.s32 @!p0 $0x1;
	_ =	shalt  }
.Lfunc_end2:
_tile_overlayer_lowered:
.L_overlay_start_2:
0x166: {  	(tag) =	ssettag $0x2  }
0x167: {  	s0 =	rddreg [dreg:$0x0];
	s2 =	stileid.u32  }
0x168: {  	s1 =	rddreg [dreg:$0x1];
	p0 =	sne.s32 s2, $0x0  }
0x169: {  	s3 =	rddreg [dreg:$0x2];
	[bflag:$0x3] =	sbarrier.arrive $0xFFFF;
	s2 =	simm.s32 @!p0 $0x1C05  }
0x16a: {  	[timem:s3], [sflag:s2] =	dma.local @!p0 [hbm:s0], s1  }
0x16b: {  	s0 =	simm.s32 @!p0 $0x5  }
0x16c: {  	_ =	swait.ge @!p0 [sflag:s0], s1  }
0x16d: {  	s1 =	ssub.s32 @!p0 $0x0, s1;
	[sflag:s0] =	ssyncset.done @!p0 $0x0  }
0x16e: {  	[sflag:s0] =	ssyncadd.s32 @!p0 s1  }
0x16f: {  	[bflag:$0x3] =	sbarrier.arrive $0xFFFF  }
0x170: {  	_ =	shalt  }

// kernel: kernel.14.cloned.1.call-start
scs
__scs_entry_jumppad:
0x0: {  	(pc) =	sbr.rel $0x88, $3  }
0x1: {  	(tag) =	ssettag $0x0;
	lr =	simm.s32 $0x1  }
0x2: {  	[smem:$0x3F9B] =	sst lr;
	_ =	strace $0xD0000000  }
0x3: {  	_ = 	snop  }
0x4: {  	_ = 	snop  }
0x5: {  	_ = 	snop  }
0x6: {  	_ = 	snop  }
0x7: {  	_ = 	snop  }
__scs_overlays_trampoline_lowered:
0x8: {  	[smem:$0x3FAA] =	sst s0  }
0x9: {  	[smem:$0x3FAB] =	sst s1  }
0xa: {  	[smem:$0x3FAC] =	sst s2  }
0xb: {  	[smem:$0x3FAD] =	sst s3  }
0xc: {  	[smem:$0x3FAE] =	sst s4  }
0xd: {  	[smem:$0x3FAF] =	sst s5  }
0xe: {  	[smem:$0x3FB0] =	sst s6  }
0xf: {  	[smem:$0x3FB1] =	sst s7  }
0x10: {  	[smem:$0x3FB2] =	sst s8  }
0x11: {  	[smem:$0x3FB3] =	sst s9;
	s0 =	simm.s32 @!p0 $0x0  }
0x12: {  	s1 =	sld [smem:$0x3F99];
	s0 =	simm.s32 @p0 $0x1  }
0x13: {  	[smem:$0x3FB4] =	sst s0;
	s0 =	simm.s32 @!p1 $0x0  }
0x14: {  	s2 =	sld [smem:$0x3F98];
	s0 =	simm.s32 @p1 $0x1  }
0x15: {  	[smem:$0x3FB5] =	sst s0;
	s0 =	simm.s32 @!p2 $0x0  }
0x16: {  	s3 =	sld [smem:$0x3FDB];
	s0 =	simm.s32 @p2 $0x1  }
0x17: {  	s4 =	simm.s32 $0x1BF5;
	[smem:$0x3FB7] =	sst s0  }
0x18: {  	s0 =	sld [smem:$0x3F9A];
	_ =	swait.ge [sflag:s4], $0x0  }
0x19: {  	s7 =	sld [smem:$0x3F9B]  }
0x1a: {  	s8 =	sadd.s32 $0xFFFFE003, lr  }
0x1b: {  	s9 =	sadd.s32 $0xFFFFFEF7, lr;
	s5 =	simm.s32 $0xFFFFFFFF;
	p2 =	slt.u32 s8, $0xFFFFF086  }
0x1c: {  	p1 =	slt.u32 s9, $0xF7A;
	s5 =	simm.s32 @!p2 $0x0  }
0x1d: {  	s5 =	simm.s32 @p1 $0x1;
	p0 =	seq.s32 s7, s2  }
0x1e: {  	s7 =	smul.u32 @!p0 $0xF7A, s2;
	p2 =	seq.s32 @!p0 s5, $0x0  }
0x1f: {  	s9 =	smul.u32 $0xF7A, s1;
	s8 =	simm.s32 @!p0 $0x1BF5;
	p2 =	por !p2, p0  }
0x20: {  	[sflag:s8] =	ssyncset.s32 @!p0 $0xFFFFF086;
	s6 =	sadd.s32 @!p0 s3, s7;
	s7 =	simm.s32 @!p0 $0x108  }
0x21: {  	s3 =	sadd.s32 s3, s9;
	s6 =	sadd.s32 @!p0 $0x88, s6;
	s7 =	simm.s32 @p2 $0x1082  }
0x22: {  	[simem:s7], [sflag:s8] =	dma.local @!p0 [hbm:s6], $0xF7A  }
0x23: {  	s9 =	sor.u32 $0xD0000000, s2;
	s6 =	simm.s32 $0x108;
	_ =	swait.ge @!p0 [sflag:s8], $0x0  }
0x24: {  	s3 =	sadd.s32 $0x88, s3;
	s6 =	simm.s32 @!p1 $0x1082;
	[sflag:s4] =	ssyncset.s32 $0xFFFFF086  }
0x25: {  	[simem:s6], [sflag:s4] =	dma.local [hbm:s3], $0xF7A  }
0x26: {  	[smem:$0x3F9B] =	sst s1;
	(tag) =	ssettag s2;
	_ =	strace s9  }
0x27: {  	s1 =	sld [smem:$0x3FAB]  }
0x28: {  	s2 =	sld [smem:$0x3FAC]  }
0x29: {  	s4 =	sld [smem:$0x3FAE]  }
0x2a: {  	p0 =	seq.s32 s5, $0x0;
	s5 =	sld [smem:$0x3FAF]  }
0x2b: {  	s6 =	sld [smem:$0x3FB0]  }
0x2c: {  	s7 =	sld [smem:$0x3FB1]  }
0x2d: {  	s3 =	simm.s32 $0x108;
	s8 =	sld [smem:$0x3FB2]  }
0x2e: {  	s3 =	simm.s32 @!p0 $0x1082;
	s9 =	sld [smem:$0x3FB3]  }
0x2f: {  	lr =	sadd.s32 s0, s3;
	s0 =	sld [smem:$0x3FAA]  }
0x30: {  	s3 =	sld [smem:$0x3FAD]  }
0x31: {  	[smem:$0x3FB6] =	sst s10  }
0x32: {  	s10 =	sld [smem:$0x3FB4];
	_ =	sdelay $0x3  }
0x33: {  	p0 =	seq.s32 s10, $0x1;
	s10 =	sld [smem:$0x3FB6];
	_ =	sdelay $0x3  }
0x34: {  	[smem:$0x3FB6] =	sst s10  }
0x35: {  	s10 =	sld [smem:$0x3FB5];
	_ =	sdelay $0x3  }
0x36: {  	p1 =	seq.s32 s10, $0x1;
	s10 =	sld [smem:$0x3FB6];
	_ =	sdelay $0x3  }
0x37: {  	[smem:$0x3FB6] =	sst s10  }
0x38: {  	s10 =	sld [smem:$0x3FB7]  }
0x39: {  	_ = 	snop;
	(pc) =	sbr.ind lr, $3  }
0x3a: {  	_ = 	snop  }
0x3b: {  	_ = 	snop  }
0x3c: {  	p2 =	seq.s32 s10, $0x1;
	s10 =	sld [smem:$0x3FB6]  }
0x3d: {  	_ =	shalt  }
0x3e: {  	_ =	shalt  }
0x3f: {  	_ =	shalt  }
0x40: {  	_ =	shalt  }
0x41: {  	_ =	shalt  }
0x42: {  	_ =	shalt  }
0x43: {  	_ =	shalt  }
0x44: {  	_ =	shalt  }
0x45: {  	_ =	shalt  }
0x46: {  	_ =	shalt  }
0x47: {  	_ =	shalt  }
0x48: {  	_ =	shalt  }
0x49: {  	_ =	shalt  }
0x4a: {  	_ =	shalt  }
0x4b: {  	_ =	shalt  }
0x4c: {  	_ =	shalt  }
0x4d: {  	_ =	shalt  }
0x4e: {  	_ =	shalt  }
0x4f: {  	_ =	shalt  }
0x50: {  	_ =	shalt  }
0x51: {  	_ =	shalt  }
0x52: {  	_ =	shalt  }
0x53: {  	_ =	shalt  }
0x54: {  	_ =	shalt  }
0x55: {  	_ =	shalt  }
0x56: {  	_ =	shalt  }
0x57: {  	_ =	shalt  }
0x58: {  	_ =	shalt  }
0x59: {  	_ =	shalt  }
0x5a: {  	_ =	shalt  }
0x5b: {  	_ =	shalt  }
0x5c: {  	_ =	shalt  }
0x5d: {  	_ =	shalt  }
0x5e: {  	_ =	shalt  }
0x5f: {  	_ =	shalt  }
0x60: {  	_ =	shalt  }
0x61: {  	_ =	shalt  }
0x62: {  	_ =	shalt  }
0x63: {  	_ =	shalt  }
0x64: {  	_ =	shalt  }
0x65: {  	_ =	shalt  }
0x66: {  	_ =	shalt  }
0x67: {  	_ =	shalt  }
0x68: {  	_ =	shalt  }
0x69: {  	_ =	shalt  }
0x6a: {  	_ =	shalt  }
0x6b: {  	_ =	shalt  }
0x6c: {  	_ =	shalt  }
0x6d: {  	_ =	shalt  }
0x6e: {  	_ =	shalt  }
0x6f: {  	_ =	shalt  }
0x70: {  	_ =	shalt  }
0x71: {  	_ =	shalt  }
0x72: {  	_ =	shalt  }
0x73: {  	_ =	shalt  }
0x74: {  	_ =	shalt  }
0x75: {  	_ =	shalt  }
0x76: {  	_ =	shalt  }
0x77: {  	_ =	shalt  }
0x78: {  	_ =	shalt  }
0x79: {  	_ =	shalt  }
0x7a: {  	_ =	shalt  }
0x7b: {  	_ =	shalt  }
0x7c: {  	_ =	shalt  }
0x7d: {  	_ =	shalt  }
0x7e: {  	_ =	shalt  }
0x7f: {  	_ =	shalt  }
0x80: {  	_ =	shalt  }
0x81: {  	_ =	shalt  }
0x82: {  	_ =	shalt  }
0x83: {  	_ =	shalt  }
0x84: {  	_ =	shalt  }
0x85: {  	_ =	shalt  }
0x86: {  	_ =	shalt  }
0x87: {  	_ =	shalt  }
.Lfunc_end0:
.L_simem_size_0:
called_computation.2_lowered:
.L_overlay_start_0:
0x88: {  	s2 =	sld [smem:$0x3FD9]  }
0x89: {  	s3 =	sld [smem:$0x3FFE];
	_ =	sdelay $0x1  }
0x8a: {  	s1 =	srdreg.scid  }
0x8b: {  	s0 =	sand.u32 $0x1, s1  }
0x8c: {  	s17 =	sshll.u32 s0, $0xA;
	s2 =	sadd.s32 s3, s2  }
0x8d: {  	s2 =	sadd.s32 s2, s17  }
0x8e: {  	[smem:$0x3FC2] =	sst s2  }
0x8f: {  	_ = 	snop  }
0x90: {  	s2 =	sld [smem:$0x3FD0];
	(tm) =	ssettm $0x1  }
0x91: {  	s18 =	sld [smem:$0x3FFB];
	_ =	sdelay $0x3  }
0x92: {  	_ =	strace s18  }
0x93: {  	s3 =	sld [smem:$0x3FFC];
	_ =	sdelay $0x3  }
0x94: {  	_ =	strace s3  }
0x95: {  	s3 =	sld [smem:$0x3FFD];
	_ =	sdelay $0x3  }
0x96: {  	_ =	strace s3  }
0x97: {  	_ =	strace $0x8FFFFFFF  }
0x98: {  	s19 =	sld [smem:$0x3FDB];
	_ =	sdelay $0x1  }
0x99: {  	s4 =	simm.s32 $_scs_section_size  }
0x9a: {  	s5 =	simm.s32 $_size__tile_overlayer_lowered;
	s6 =	simm.s32 $_tile_overlayer_lowered  }
0x9b: {  	s22 =	simm.s32 $0x1BFF;
	s21 =	sshll.u32 s6, $0x1;
	s3 =	sadd.s32 s4, s19  }
0x9c: {  	s7 =	simm.s32 $0x0;
	s20 =	sshll.u32 s5, $0x1;
	s5 =	sadd.s32 s21, s3  }
0x9d: {  	[timem:s7], [sflag:s22] =	dma.local [hbm:s5], s20  }
0x9e: {  	_ =	swait.ge [sflag:s22], s20  }
0x9f: {  	s4 =	ssub.s32 $0x0, s20;
	[sflag:s22] =	ssyncset.done $0x0  }
0xa0: {  	[sflag:s22] =	ssyncadd.s32 s4;
	_ =	sdelay $0x1  }
0xa1: {  	s23 =	simm.s32 $0x1B8B  }
0xa2: {  	_ =	swait.ge [sflag:s23], $0x1  }
0xa3: {  	[sflag:s23] =	ssyncset.done $0x0  }
0xa4: {  	s25 =	simm.s32 $0x1B8E;
	s24 =	sld [smem:$0x3FFE];
	[sflag:s23] =	ssyncadd.s32 $0xFFFFFFFF  }
0xa5: {  	s26 =	simm.s32 $execute0_lowered;
	[smem:$0x3FD2] =	sst s25  }
0xa6: {  	s5 =	sshll.u32 s26, $0x1;
	_ =	strace $0x8000004C;
	[dreg:$0x1] =	wrdreg $0xFFFFFFFF  }
0xa7: {  	s28 =	simm.s32 $_size_execute0_lowered;
	s3 =	sadd.s32 s3, s5;
	[dreg:$0x0] =	wrdreg $0x0  }
0xa8: {  	s5 =	sshll.u32 s28, $0x1;
	[dreg:$0x2] =	wrdreg s3  }
0xa9: {  	[dreg:$0x3] =	wrdreg s5  }
0xaa: {  	[dreg:$0x4] =	wrdreg $0xC0  }
0xab: {  	_ =	task [dreg:s7], $0x5FFFF  }
0xac: {  	[dreg:$0x1] =	wrdreg $0xFFFFFFFF  }
0xad: {  	[dreg:$0x0] =	wrdreg $0x60  }
0xae: {  	[dreg:$0x2] =	wrdreg s24  }
0xaf: {  	[dreg:$0x3] =	wrdreg s2  }
0xb0: {  	[dreg:$0x4] =	wrdreg $0x90000  }
0xb1: {  	[dreg:$0x5] =	wrdreg $0x9  }
0xb2: {  	_ =	task.clear_ibuf [dreg:s7], $0x6FFFF;
	_ =	strace $0x9000004C  }
0xb3: {  	s29 =	simm.s32 $0x9;
	_ =	strace $0x8000004E  }
0xb4: {  	_ =	swait.ge [sflag:s29], $0x1  }
0xb5: {  	[sflag:s29] =	ssyncadd.s32 $0xFFFFFFFF  }
0xb6: {  	_ =	strace $0x9000004E  }
0xb7: {  	_ =	sfence  }
0xb8: {  	s30 =	sld [smem:$0x0];
	_ =	sdelay $0x2  }
0xb9: {  	s31 =	sshll.u32 s1, $0xD;
	s1 =	sshrl.u32 s1, $0x2  }
0xba: {  	s3 =	sand.u32 $0x4000, s31;
	s1 =	sadd.s32 s1, s30  }
0xbb: {  	s0 =	sor.u32 s3, s0;
	s1 =	sshll.u32 s1, $0x11  }
0xbc: {  	s0 =	sor.u32 s1, s0  }
0xbd: {  	s0 =	sadd.s32 $0x8F2B, s0  }
0xbe: {  	[sflag:s0] =	ssyncadd.remote.s32 $0x1  }
0xbf: {  	_ =	sfence.sel $0xFFFF  }
0xc0: {  	[dreg:$0x0] =	wrdreg $0xFFFFFFFF;
	(pc) =	sbr.abs _section_cstart, $3  }
0xc1: {  	[dreg:$0x1] =	wrdreg $0xFFFFFFFF  }
0xc2: {  	_ =	task.clear_ibuf [dreg:s7], $0x2FFFF;
	_ =	strace $0x9FFFFFFF  }
0xc3: {  	(tm) =	ssettm $0x7FFFFFFF  }
tec
execute0_lowered:
.L_overlay_start_1:
0x0: {  	(tag) =	ssettag $0x1  }
0x1: {  	s0 =	rddreg [dreg:$0x0];
	s1 =	srdreg.scid  }
0x2: {  	s3 =	rddreg [dreg:$0x2];
	s2 =	stileid.u32  }
0x3: {  	s4 =	simm.s32 $0x0;
	s18 =	simm.s32 $0x100;
	s19 =	simm.s32 $0x480  }
0x4: {  	s21 =	simm.s32 $0x180;
	s22 =	simm.s32 $0x200;
	s23 =	simm.s32 $0x580  }
0x5: {  	s24 =	simm.s32 $0x280;
	s26 =	simm.s32 $0x600;
	s28 =	simm.s32 $0xB80  }
0x6: {  	s29 =	simm.s32 $0xF00;
	s30 =	simm.s32 $0xF80;
	[smem:$0x7FF] =	sst s4  }
0x7: {  	s31 =	simm.s32 $0x0;
	_ =	strace $0x8000004D;
	[dreg:$0x4] =	wrdreg s18  }
0x8: {  	s1 =	sand.u32 $0x1, s1;
	s7 =	smul.u32 $0x14000, s2;
	[dreg:$0x5] =	wrdreg s19  }
0x9: {  	s5 =	sadd.s32 $0x15800, s0;
	s12 =	sadd.s32 $0xB800, s0;
	[dreg:$0x6] =	wrdreg s21  }
0xa: {  	s13 =	smul.u32 $0x50000, s2;
	s11 =	sadd.s32 $0x1800, s0;
	[dreg:$0x8] =	wrdreg s22  }
0xb: {  	s16 =	sshll.u32 s2, $0x6;
	s25 =	smul.u32 $0x500, s2;
	[dreg:$0x9] =	wrdreg s23  }
0xc: {  	s6 =	smul.u32 $0x140000, s1;
	s14 =	ssub.s32 $0x2, s1;
	[dreg:$0xa] =	wrdreg s24  }
0xd: {  	s9 =	sshll.u32 s1, $0x4;
	s1 =	smul.u32 $0x5000, s1;
	[dreg:$0xb] =	wrdreg s26  }
0xe: {  	s18 =	simm.s32 $0x880;
	s19 =	simm.s32 $0x900;
	s21 =	simm.s32 $0x980  }
0xf: {  	s22 =	simm.s32 $0xD00;
	s23 =	simm.s32 $0xA00;
	[dreg:$0x11] =	wrdreg s18  }
0x10: {  	s24 =	simm.s32 $0xD80;
	s26 =	simm.s32 $0xE00;
	[dreg:$0x12] =	wrdreg s19  }
0x11: {  	s8 =	sshrl.u32 s14, $0x1;
	s15 =	sor.u32 s2, s9;
	[dreg:$0x14] =	wrdreg s21  }
0x12: {  	s2 =	simm.s32 $0x300;
	s18 =	simm.s32 $0xC00;
	[dreg:$0x15] =	wrdreg s22  }
0x13: {  	s19 =	simm.s32 $0x80;
	[dreg:$0x16] =	wrdreg s23;
	s21 =	simm.s32 $0x5000  }
0x14: {  	[dreg:$0x17] =	wrdreg s24;
	s22 =	simm.s32 $0x1;
	s23 =	simm.s32 $0x2  }
0x15: {  	s24 =	simm.s32 $0x4;
	[dreg:$0x19] =	wrdreg s26;
	s26 =	simm.s32 $0xE80  }
0x16: {  	s6 =	sadd.s32 s7, s6;
	s7 =	sshrl.u32 s13, $0x2;
	s10 =	ssub.s32 s14, s8  }
0x17: {  	s17 =	smul.u32 $0x500, s15;
	s14 =	simm.s32 $0x500;
	[dreg:$0xc] =	wrdreg s2  }
0x18: {  	s15 =	simm.s32 $0x380;
	s6 =	sshrl.u32 s6, $0x3;
	s13 =	sadd.s32 s7, s3  }
0x19: {  	[dreg:$0x7] =	wrdreg s14;
	s10 =	smax.u32 s10, $0x1;
	s7 =	simm.s32 $0x680  }
0x1a: {  	[dreg:$0xe] =	wrdreg s15;
	s14 =	simm.s32 $0x5;
	s15 =	simm.s32 $0x400  }
0x1b: {  	s0 =	sadd.s32 s6, s0;
	s6 =	sor.u32 $0x1C05, s16;
	s20 =	sadd.s32 s12, s17  }
0x1c: {  	s8 =	sadd.s32 s11, s17;
	s11 =	sadd.s32 s1, s11;
	s1 =	sadd.s32 s1, s12  }
0x1d: {  	[dreg:$0xd] =	wrdreg s7;
	s16 =	simm.s32 $0x700;
	s13 =	sshrl.u32 s13, $0x3  }
0x1e: {  	s17 =	simm.s32 $0x780;
	[dreg:$0x1a] =	wrdreg s20;
	s9 =	sadd.s32 $0x3D800, s0  }
0x1f: {  	s11 =	sadd.s32 s25, s11;
	s12 =	sadd.s32 s25, s1;
	[dreg:$0xf] =	wrdreg s16  }
0x20: {  	[dreg:$0x10] =	wrdreg s17;
	s16 =	simm.s32 $0x3;
	s20 =	simm.s32 $0xC80  }
0x21: {  	s17 =	simm.s32 $0x800;
	s25 =	simm.s32 $0xA80;
	[dreg:$0x13] =	wrdreg s20  }
0x22: {  	s20 =	simm.s32 $0x1000;
	[dreg:$0x18] =	wrdreg s25;
	s25 =	simm.s32 $0xB00  }
.LBB2_1:
0x23: {  	s0 =	rddreg [dreg:$0x1]  }
0x24: {  	[spmem:s13], [sflag:s6] =	dma.local [hbm:s0], $0x2800  }
0x25: {  	_ =	swait.ge [sflag:s14], $0x2800  }
0x26: {  	[sflag:s14] =	ssyncset.done $0x0  }
0x27: {  	[sflag:s14] =	ssyncadd.s32 $0xFFFFD800  }
0x28: {  	[bflag:$0x0] =	sbarrier.arrive $0xFFFF  }
0x29: {  	s7 =	rddreg [dreg:$0x1a]  }
0x2a: {  	[tilespmem:s4], [sflag:$0x3] =	stream.linear.gather [hbm4b:s7+s4], $0x400, $0x38;
	[tilespmem:$0x1D000] =	vst v63  }
0x2b: {  	_ = 	snop  }
0x2c: {  	[tilespmem:s15], [sflag:$0x3] =	stream.linear.gather [hbm4b:s8+s4], $0x400, $0x38;
	[tilespmem:$0x1D000] =	vst v63  }
0x2d: {  	_ =	swait.ge [sflag:s16], $0x400  }
0x2e: {  	[sflag:s16] =	ssyncset.done $0x0  }
0x2f: {  	[sflag:s16] =	ssyncadd.s32 $0xFFFFFC00  }
0x30: {  	_ =	swait.ge [sflag:s16], $0x400  }
0x31: {  	s1 =	sadd.s32 $0x0, s12;
	[sflag:s16] =	ssyncset.done $0x0  }
0x32: {  	s0 =	sadd.s32 $0x80, s1;
	s1 =	sadd.s32 $0x0, s11;
	[sflag:s16] =	ssyncadd.s32 $0xFFFFFC00  }
0x33: {  	[tilespmem:s17], [sflag:$0x4] =	stream.linear.gather [hbm4b:s0+s4], $0x400, $0x38;
	[tilespmem:$0x1D000] =	vst v63  }
0x34: {  	s2 =	sadd.s32 $0x80, s1  }
0x35: {  	[tilespmem:s18], [sflag:$0x4] =	stream.linear.gather [hbm4b:s2+s4], $0x400, $0x38;
	[tilespmem:$0x1D000] =	vst v63  }
0x36: {  	_ = 	snop  }
0x37: {  	[tilespmem:s20], [sflag:$0x1] =	stream.indirect.gather [hbm4b:s5+s19], $0x80, s4, s19, $0xb8;
	[tilespmem:$0x1D000] =	vst v63  }
0x38: {  	_ = 	snop  }
0x39: {  	[tilespmem:s21], [sflag:$0x2] =	stream.indirect.gather [hbm4b:s5+s19], $0x80, s19, s19, $0xb8;
	[tilespmem:$0x1D000] =	vst v63  }
0x3a: {  	_ =	swait.ge [sflag:s22], $0x4000  }
0x3b: {  	[sflag:s22] =	ssyncset.done $0x0  }
0x3c: {  	[sflag:s22] =	ssyncadd.s32 $0xFFFFC000  }
0x3d: {  	[spmem:s3] =	stream.indirect.scatter.add.f32 [tilespmem:s20], [sflag:$0x5], $0x80, s15, s19, $0xb8;
	[tilespmem:$0x1D000] =	vst v63  }
0x3e: {  	_ =	swait.ge [sflag:s14], $0x4000  }
0x3f: {  	[sflag:s14] =	ssyncset.done $0x0  }
0x40: {  	s7 =	rddreg [dreg:$0x4];
	[sflag:s14] =	ssyncadd.s32 $0xFFFFC000  }
0x41: {  	[tilespmem:s20], [sflag:$0x1] =	stream.indirect.gather [hbm4b:s5+s19], $0x80, s7, s19, $0xb8;
	[tilespmem:$0x1D000] =	vst v63  }
0x42: {  	_ =	swait.ge [sflag:s23], $0x4000  }
0x43: {  	[sflag:s23] =	ssyncset.done $0x0  }
0x44: {  	s1 =	rddreg [dreg:$0x5];
	[sflag:s23] =	ssyncadd.s32 $0xFFFFC000  }
0x45: {  	[spmem:s3] =	stream.indirect.scatter.add.f32 [tilespmem:s21], [sflag:$0x5], $0x80, s1, s19, $0xb8;
	[tilespmem:$0x1D000] =	vst v63  }
0x46: {  	_ =	swait.ge [sflag:s14], $0x4000  }
0x47: {  	[sflag:s14] =	ssyncset.done $0x0  }
0x48: {  	s2 =	rddreg [dreg:$0x6];
	[sflag:s14] =	ssyncadd.s32 $0xFFFFC000  }
0x49: {  	[tilespmem:s21], [sflag:$0x2] =	stream.indirect.gather [hbm4b:s5+s19], $0x80, s2, s19, $0xb8;
	[tilespmem:$0x1D000] =	vst v63  }
0x4a: {  	_ =	swait.ge [sflag:s22], $0x4000  }
0x4b: {  	[sflag:s22] =	ssyncset.done $0x0  }
0x4c: {  	s7 =	rddreg [dreg:$0x7];
	[sflag:s22] =	ssyncadd.s32 $0xFFFFC000  }
0x4d: {  	[spmem:s3] =	stream.indirect.scatter.add.f32 [tilespmem:s20], [sflag:$0x5], $0x80, s7, s19, $0xb8;
	[tilespmem:$0x1D000] =	vst v63  }
0x4e: {  	_ =	swait.ge [sflag:s14], $0x4000  }
0x4f: {  	[sflag:s14] =	ssyncset.done $0x0  }
0x50: {  	s1 =	rddreg [dreg:$0x8];
	[sflag:s14] =	ssyncadd.s32 $0xFFFFC000  }
0x51: {  	[tilespmem:s20], [sflag:$0x1] =	stream.indirect.gather [hbm4b:s5+s19], $0x80, s1, s19, $0xb8;
	[tilespmem:$0x1D000] =	vst v63  }
0x52: {  	_ =	swait.ge [sflag:s23], $0x4000  }
0x53: {  	[sflag:s23] =	ssyncset.done $0x0  }
0x54: {  	s2 =	rddreg [dreg:$0x9];
	[sflag:s23] =	ssyncadd.s32 $0xFFFFC000  }
0x55: {  	[spmem:s3] =	stream.indirect.scatter.add.f32 [tilespmem:s21], [sflag:$0x5], $0x80, s2, s19, $0xb8;
	[tilespmem:$0x1D000] =	vst v63  }
0x56: {  	_ =	swait.ge [sflag:s14], $0x4000  }
0x57: {  	[sflag:s14] =	ssyncset.done $0x0  }
0x58: {  	s7 =	rddreg [dreg:$0xa];
	[sflag:s14] =	ssyncadd.s32 $0xFFFFC000  }
0x59: {  	[tilespmem:s21], [sflag:$0x2] =	stream.indirect.gather [hbm4b:s5+s19], $0x80, s7, s19, $0xb8;
	[tilespmem:$0x1D000] =	vst v63  }
0x5a: {  	_ =	swait.ge [sflag:s22], $0x4000  }
0x5b: {  	[sflag:s22] =	ssyncset.done $0x0  }
0x5c: {  	s1 =	rddreg [dreg:$0xb];
	[sflag:s22] =	ssyncadd.s32 $0xFFFFC000  }
0x5d: {  	[spmem:s3] =	stream.indirect.scatter.add.f32 [tilespmem:s20], [sflag:$0x5], $0x80, s1, s19, $0xb8;
	[tilespmem:$0x1D000] =	vst v63  }
0x5e: {  	_ =	swait.ge [sflag:s14], $0x4000  }
0x5f: {  	[sflag:s14] =	ssyncset.done $0x0  }
0x60: {  	s2 =	rddreg [dreg:$0xc];
	[sflag:s14] =	ssyncadd.s32 $0xFFFFC000  }
0x61: {  	[tilespmem:s20], [sflag:$0x1] =	stream.indirect.gather [hbm4b:s5+s19], $0x80, s2, s19, $0xb8;
	[tilespmem:$0x1D000] =	vst v63  }
0x62: {  	_ =	swait.ge [sflag:s23], $0x4000  }
0x63: {  	[sflag:s23] =	ssyncset.done $0x0  }
0x64: {  	s7 =	rddreg [dreg:$0xd];
	[sflag:s23] =	ssyncadd.s32 $0xFFFFC000  }
0x65: {  	[spmem:s3] =	stream.indirect.scatter.add.f32 [tilespmem:s21], [sflag:$0x5], $0x80, s7, s19, $0xb8;
	[tilespmem:$0x1D000] =	vst v63  }
0x66: {  	_ =	swait.ge [sflag:s14], $0x4000  }
0x67: {  	[sflag:s14] =	ssyncset.done $0x0  }
0x68: {  	s1 =	rddreg [dreg:$0xe];
	[sflag:s14] =	ssyncadd.s32 $0xFFFFC000  }
0x69: {  	[tilespmem:s21], [sflag:$0x2] =	stream.indirect.gather [hbm4b:s5+s19], $0x80, s1, s19, $0xb8;
	[tilespmem:$0x1D000] =	vst v63  }
0x6a: {  	_ =	swait.ge [sflag:s22], $0x4000  }
0x6b: {  	[sflag:s22] =	ssyncset.done $0x0  }
0x6c: {  	s2 =	rddreg [dreg:$0xf];
	[sflag:s22] =	ssyncadd.s32 $0xFFFFC000  }
0x6d: {  	[spmem:s3] =	stream.indirect.scatter.add.f32 [tilespmem:s20], [sflag:$0x5], $0x80, s2, s19, $0xb8;
	[tilespmem:$0x1D000] =	vst v63  }
0x6e: {  	_ =	swait.ge [sflag:s14], $0x4000  }
0x6f: {  	[sflag:s14] =	ssyncset.done $0x0  }
0x70: {  	[sflag:s14] =	ssyncadd.s32 $0xFFFFC000  }
0x71: {  	_ =	swait.ge [sflag:s23], $0x4000  }
0x72: {  	[sflag:s23] =	ssyncset.done $0x0  }
0x73: {  	s7 =	rddreg [dreg:$0x10];
	[sflag:s23] =	ssyncadd.s32 $0xFFFFC000  }
0x74: {  	[spmem:s3] =	stream.indirect.scatter.add.f32 [tilespmem:s21], [sflag:$0x5], $0x80, s7, s19, $0xb8;
	[tilespmem:$0x1D000] =	vst v63  }
0x75: {  	_ =	swait.ge [sflag:s14], $0x4000  }
0x76: {  	[sflag:s14] =	ssyncset.done $0x0  }
0x77: {  	[sflag:s14] =	ssyncadd.s32 $0xFFFFC000  }
0x78: {  	_ =	swait.ge [sflag:s24], $0x400  }
0x79: {  	[sflag:s24] =	ssyncset.done $0x0  }
0x7a: {  	p0 =	por $0x0, $0x0;
	[sflag:s24] =	ssyncadd.s32 $0xFFFFFC00  }
0x7b: {  	s0 =	sadd.s32 @!p0 $0x0, s12;
	_ =	swait.ge [sflag:s24], $0x400  }
0x7c: {  	s0 =	sadd.s32 @!p0 $0x100, s0;
	[sflag:s24] =	ssyncset.done $0x0  }
0x7d: {  	s1 =	sadd.s32 @!p0 $0x0, s11;
	s2 =	simm.s32 @!p0 $0x0;
	[sflag:s24] =	ssyncadd.s32 $0xFFFFFC00  }
0x7e: {  	[tilespmem:s2], [sflag:$0x3] =	stream.linear.gather @!p0 [hbm4b:s0+s2], $0x400, $0x38;
	[tilespmem:$0x1D000] =	vst v63  }
0x7f: {  	s0 =	sadd.s32 @!p0 $0x100, s1;
	s1 =	simm.s32 @!p0 $0x400  }
0x80: {  	[tilespmem:s1], [sflag:$0x3] =	stream.linear.gather @!p0 [hbm4b:s0+s2], $0x400, $0x38;
	[tilespmem:$0x1D000] =	vst v63  }
0x81: {  	_ = 	snop  }
0x82: {  	[tilespmem:s20], [sflag:$0x1] =	stream.indirect.gather [hbm4b:s5+s19], $0x80, s17, s19, $0xb8;
	[tilespmem:$0x1D000] =	vst v63  }
0x83: {  	s1 =	rddreg [dreg:$0x11]  }
0x84: {  	[tilespmem:s21], [sflag:$0x2] =	stream.indirect.gather [hbm4b:s5+s19], $0x80, s1, s19, $0xb8;
	[tilespmem:$0x1D000] =	vst v63  }
0x85: {  	_ =	swait.ge [sflag:s22], $0x4000  }
0x86: {  	[sflag:s22] =	ssyncset.done $0x0  }
0x87: {  	[sflag:s22] =	ssyncadd.s32 $0xFFFFC000  }
0x88: {  	[spmem:s3] =	stream.indirect.scatter.add.f32 [tilespmem:s20], [sflag:$0x5], $0x80, s18, s19, $0xb8;
	[tilespmem:$0x1D000] =	vst v63  }
0x89: {  	_ =	swait.ge [sflag:s14], $0x4000  }
0x8a: {  	[sflag:s14] =	ssyncset.done $0x0  }
0x8b: {  	s2 =	rddreg [dreg:$0x12];
	[sflag:s14] =	ssyncadd.s32 $0xFFFFC000  }
0x8c: {  	[tilespmem:s20], [sflag:$0x1] =	stream.indirect.gather [hbm4b:s5+s19], $0x80, s2, s19, $0xb8;
	[tilespmem:$0x1D000] =	vst v63  }
0x8d: {  	_ =	swait.ge [sflag:s23], $0x4000  }
0x8e: {  	[sflag:s23] =	ssyncset.done $0x0  }
0x8f: {  	s7 =	rddreg [dreg:$0x13];
	[sflag:s23] =	ssyncadd.s32 $0xFFFFC000  }
0x90: {  	[spmem:s3] =	stream.indirect.scatter.add.f32 [tilespmem:s21], [sflag:$0x5], $0x80, s7, s19, $0xb8;
	[tilespmem:$0x1D000] =	vst v63  }
0x91: {  	_ =	swait.ge [sflag:s14], $0x4000  }
0x92: {  	[sflag:s14] =	ssyncset.done $0x0  }
0x93: {  	s1 =	rddreg [dreg:$0x14];
	[sflag:s14] =	ssyncadd.s32 $0xFFFFC000  }
0x94: {  	[tilespmem:s21], [sflag:$0x2] =	stream.indirect.gather [hbm4b:s5+s19], $0x80, s1, s19, $0xb8;
	[tilespmem:$0x1D000] =	vst v63  }
0x95: {  	_ =	swait.ge [sflag:s22], $0x4000  }
0x96: {  	[sflag:s22] =	ssyncset.done $0x0  }
0x97: {  	s2 =	rddreg [dreg:$0x15];
	[sflag:s22] =	ssyncadd.s32 $0xFFFFC000  }
0x98: {  	[spmem:s3] =	stream.indirect.scatter.add.f32 [tilespmem:s20], [sflag:$0x5], $0x80, s2, s19, $0xb8;
	[tilespmem:$0x1D000] =	vst v63  }
0x99: {  	_ =	swait.ge [sflag:s14], $0x4000  }
0x9a: {  	[sflag:s14] =	ssyncset.done $0x0  }
0x9b: {  	s7 =	rddreg [dreg:$0x16];
	[sflag:s14] =	ssyncadd.s32 $0xFFFFC000  }
0x9c: {  	[tilespmem:s20], [sflag:$0x1] =	stream.indirect.gather [hbm4b:s5+s19], $0x80, s7, s19, $0xb8;
	[tilespmem:$0x1D000] =	vst v63  }
0x9d: {  	_ =	swait.ge [sflag:s23], $0x4000  }
0x9e: {  	[sflag:s23] =	ssyncset.done $0x0  }
0x9f: {  	s1 =	rddreg [dreg:$0x17];
	[sflag:s23] =	ssyncadd.s32 $0xFFFFC000  }
0xa0: {  	[spmem:s3] =	stream.indirect.scatter.add.f32 [tilespmem:s21], [sflag:$0x5], $0x80, s1, s19, $0xb8;
	[tilespmem:$0x1D000] =	vst v63  }
0xa1: {  	_ =	swait.ge [sflag:s14], $0x4000  }
0xa2: {  	[sflag:s14] =	ssyncset.done $0x0  }
0xa3: {  	s2 =	rddreg [dreg:$0x18];
	[sflag:s14] =	ssyncadd.s32 $0xFFFFC000  }
0xa4: {  	[tilespmem:s21], [sflag:$0x2] =	stream.indirect.gather [hbm4b:s5+s19], $0x80, s2, s19, $0xb8;
	[tilespmem:$0x1D000] =	vst v63  }
0xa5: {  	_ =	swait.ge [sflag:s22], $0x4000  }
0xa6: {  	[sflag:s22] =	ssyncset.done $0x0  }
0xa7: {  	s7 =	rddreg [dreg:$0x19];
	[sflag:s22] =	ssyncadd.s32 $0xFFFFC000  }
0xa8: {  	[spmem:s3] =	stream.indirect.scatter.add.f32 [tilespmem:s20], [sflag:$0x5], $0x80, s7, s19, $0xb8;
	[tilespmem:$0x1D000] =	vst v63  }
0xa9: {  	_ =	swait.ge [sflag:s14], $0x4000  }
0xaa: {  	[sflag:s14] =	ssyncset.done $0x0  }
0xab: {  	[sflag:s14] =	ssyncadd.s32 $0xFFFFC000  }
0xac: {  	[tilespmem:s20], [sflag:$0x1] =	stream.indirect.gather [hbm4b:s5+s19], $0x80, s25, s19, $0xb8;
	[tilespmem:$0x1D000] =	vst v63  }
0xad: {  	_ =	swait.ge [sflag:s23], $0x4000  }
0xae: {  	[sflag:s23] =	ssyncset.done $0x0  }
0xaf: {  	[sflag:s23] =	ssyncadd.s32 $0xFFFFC000  }
0xb0: {  	[spmem:s3] =	stream.indirect.scatter.add.f32 [tilespmem:s21], [sflag:$0x5], $0x80, s26, s19, $0xb8;
	[tilespmem:$0x1D000] =	vst v63  }
0xb1: {  	_ =	swait.ge [sflag:s14], $0x4000  }
0xb2: {  	[sflag:s14] =	ssyncset.done $0x0  }
0xb3: {  	[sflag:s14] =	ssyncadd.s32 $0xFFFFC000  }
0xb4: {  	[tilespmem:s21], [sflag:$0x2] =	stream.indirect.gather [hbm4b:s5+s19], $0x80, s28, s19, $0xb8;
	[tilespmem:$0x1D000] =	vst v63  }
0xb5: {  	_ =	swait.ge [sflag:s22], $0x4000  }
0xb6: {  	[sflag:s22] =	ssyncset.done $0x0  }
0xb7: {  	[sflag:s22] =	ssyncadd.s32 $0xFFFFC000  }
0xb8: {  	[spmem:s3] =	stream.indirect.scatter.add.f32 [tilespmem:s20], [sflag:$0x5], $0x80, s29, s19, $0xb8;
	[tilespmem:$0x1D000] =	vst v63  }
0xb9: {  	_ =	swait.ge [sflag:s14], $0x4000  }
0xba: {  	[sflag:s14] =	ssyncset.done $0x0  }
0xbb: {  	[sflag:s14] =	ssyncadd.s32 $0xFFFFC000  }
0xbc: {  	_ =	swait.ge [sflag:s23], $0x4000  }
0xbd: {  	[sflag:s23] =	ssyncset.done $0x0  }
0xbe: {  	[sflag:s23] =	ssyncadd.s32 $0xFFFFC000  }
0xbf: {  	[spmem:s3] =	stream.indirect.scatter.add.f32 [tilespmem:s21], [sflag:$0x5], $0x80, s30, s19, $0xb8;
	[tilespmem:$0x1D000] =	vst v63  }
0xc0: {  	_ =	swait.ge [sflag:s14], $0x4000  }
0xc1: {  	s0 =	simm.s32 $0x100;
	[sflag:s14] =	ssyncset.done $0x0  }
.LBB2_2:
0xc2: {  	[sflag:s14] =	ssyncadd.s32 $0xFFFFC000  }
0xc3: {  	_ =	swait.ge [sflag:s16], $0x400  }
0xc4: {  	[sflag:s16] =	ssyncset.done $0x0  }
0xc5: {  	[sflag:s16] =	ssyncadd.s32 $0xFFFFFC00  }
0xc6: {  	s1 =	smov.u32 s0;
	_ =	swait.ge [sflag:s16], $0x400  }
0xc7: {  	s2 =	sadd.s32 s1, s12;
	[sflag:s16] =	ssyncset.done $0x0  }
0xc8: {  	s7 =	sadd.s32 s1, s11;
	s2 =	sadd.s32 $0x80, s2;
	[sflag:s16] =	ssyncadd.s32 $0xFFFFFC00  }
0xc9: {  	[tilespmem:s17], [sflag:$0x4] =	stream.linear.gather [hbm4b:s2+s4], $0x400, $0x38;
	[tilespmem:$0x1D000] =	vst v63  }
0xca: {  	s7 =	sadd.s32 $0x80, s7  }
0xcb: {  	[tilespmem:s18], [sflag:$0x4] =	stream.linear.gather [hbm4b:s7+s4], $0x400, $0x38;
	[tilespmem:$0x1D000] =	vst v63  }
0xcc: {  	_ = 	snop  }
0xcd: {  	[tilespmem:s20], [sflag:$0x1] =	stream.indirect.gather [hbm4b:s5+s19], $0x80, s4, s19, $0xb8;
	[tilespmem:$0x1D000] =	vst v63  }
0xce: {  	_ = 	snop  }
0xcf: {  	[tilespmem:s21], [sflag:$0x2] =	stream.indirect.gather [hbm4b:s5+s19], $0x80, s19, s19, $0xb8;
	[tilespmem:$0x1D000] =	vst v63  }
0xd0: {  	_ =	swait.ge [sflag:s22], $0x4000  }
0xd1: {  	[sflag:s22] =	ssyncset.done $0x0  }
0xd2: {  	[sflag:s22] =	ssyncadd.s32 $0xFFFFC000  }
0xd3: {  	[spmem:s3] =	stream.indirect.scatter.add.f32 [tilespmem:s20], [sflag:$0x5], $0x80, s15, s19, $0xb8;
	[tilespmem:$0x1D000] =	vst v63  }
0xd4: {  	_ =	swait.ge [sflag:s14], $0x4000  }
0xd5: {  	[sflag:s14] =	ssyncset.done $0x0  }
0xd6: {  	s7 =	rddreg [dreg:$0x4];
	[sflag:s14] =	ssyncadd.s32 $0xFFFFC000  }
0xd7: {  	[tilespmem:s20], [sflag:$0x1] =	stream.indirect.gather [hbm4b:s5+s19], $0x80, s7, s19, $0xb8;
	[tilespmem:$0x1D000] =	vst v63  }
0xd8: {  	_ =	swait.ge [sflag:s23], $0x4000  }
0xd9: {  	[sflag:s23] =	ssyncset.done $0x0  }
0xda: {  	s7 =	rddreg [dreg:$0x5];
	[sflag:s23] =	ssyncadd.s32 $0xFFFFC000  }
0xdb: {  	[spmem:s3] =	stream.indirect.scatter.add.f32 [tilespmem:s21], [sflag:$0x5], $0x80, s7, s19, $0xb8;
	[tilespmem:$0x1D000] =	vst v63  }
0xdc: {  	_ =	swait.ge [sflag:s14], $0x4000  }
0xdd: {  	[sflag:s14] =	ssyncset.done $0x0  }
0xde: {  	s7 =	rddreg [dreg:$0x6];
	[sflag:s14] =	ssyncadd.s32 $0xFFFFC000  }
0xdf: {  	[tilespmem:s21], [sflag:$0x2] =	stream.indirect.gather [hbm4b:s5+s19], $0x80, s7, s19, $0xb8;
	[tilespmem:$0x1D000] =	vst v63  }
0xe0: {  	_ =	swait.ge [sflag:s22], $0x4000  }
0xe1: {  	[sflag:s22] =	ssyncset.done $0x0  }
0xe2: {  	s7 =	rddreg [dreg:$0x7];
	[sflag:s22] =	ssyncadd.s32 $0xFFFFC000  }
0xe3: {  	[spmem:s3] =	stream.indirect.scatter.add.f32 [tilespmem:s20], [sflag:$0x5], $0x80, s7, s19, $0xb8;
	[tilespmem:$0x1D000] =	vst v63  }
0xe4: {  	_ =	swait.ge [sflag:s14], $0x4000  }
0xe5: {  	[sflag:s14] =	ssyncset.done $0x0  }
0xe6: {  	s7 =	rddreg [dreg:$0x8];
	[sflag:s14] =	ssyncadd.s32 $0xFFFFC000  }
0xe7: {  	[tilespmem:s20], [sflag:$0x1] =	stream.indirect.gather [hbm4b:s5+s19], $0x80, s7, s19, $0xb8;
	[tilespmem:$0x1D000] =	vst v63  }
0xe8: {  	_ =	swait.ge [sflag:s23], $0x4000  }
0xe9: {  	[sflag:s23] =	ssyncset.done $0x0  }
0xea: {  	s7 =	rddreg [dreg:$0x9];
	[sflag:s23] =	ssyncadd.s32 $0xFFFFC000  }
0xeb: {  	[spmem:s3] =	stream.indirect.scatter.add.f32 [tilespmem:s21], [sflag:$0x5], $0x80, s7, s19, $0xb8;
	[tilespmem:$0x1D000] =	vst v63  }
0xec: {  	_ =	swait.ge [sflag:s14], $0x4000  }
0xed: {  	[sflag:s14] =	ssyncset.done $0x0  }
0xee: {  	s7 =	rddreg [dreg:$0xa];
	[sflag:s14] =	ssyncadd.s32 $0xFFFFC000  }
0xef: {  	[tilespmem:s21], [sflag:$0x2] =	stream.indirect.gather [hbm4b:s5+s19], $0x80, s7, s19, $0xb8;
	[tilespmem:$0x1D000] =	vst v63  }
0xf0: {  	_ =	swait.ge [sflag:s22], $0x4000  }
0xf1: {  	[sflag:s22] =	ssyncset.done $0x0  }
0xf2: {  	s7 =	rddreg [dreg:$0xb];
	[sflag:s22] =	ssyncadd.s32 $0xFFFFC000  }
0xf3: {  	[spmem:s3] =	stream.indirect.scatter.add.f32 [tilespmem:s20], [sflag:$0x5], $0x80, s7, s19, $0xb8;
	[tilespmem:$0x1D000] =	vst v63  }
0xf4: {  	_ =	swait.ge [sflag:s14], $0x4000  }
0xf5: {  	[sflag:s14] =	ssyncset.done $0x0  }
0xf6: {  	s7 =	rddreg [dreg:$0xc];
	[sflag:s14] =	ssyncadd.s32 $0xFFFFC000  }
0xf7: {  	[tilespmem:s20], [sflag:$0x1] =	stream.indirect.gather [hbm4b:s5+s19], $0x80, s7, s19, $0xb8;
	[tilespmem:$0x1D000] =	vst v63  }
0xf8: {  	_ =	swait.ge [sflag:s23], $0x4000  }
0xf9: {  	[sflag:s23] =	ssyncset.done $0x0  }
0xfa: {  	s7 =	rddreg [dreg:$0xd];
	[sflag:s23] =	ssyncadd.s32 $0xFFFFC000  }
0xfb: {  	[spmem:s3] =	stream.indirect.scatter.add.f32 [tilespmem:s21], [sflag:$0x5], $0x80, s7, s19, $0xb8;
	[tilespmem:$0x1D000] =	vst v63  }
0xfc: {  	_ =	swait.ge [sflag:s14], $0x4000  }
0xfd: {  	[sflag:s14] =	ssyncset.done $0x0  }
0xfe: {  	s7 =	rddreg [dreg:$0xe];
	[sflag:s14] =	ssyncadd.s32 $0xFFFFC000  }
0xff: {  	[tilespmem:s21], [sflag:$0x2] =	stream.indirect.gather [hbm4b:s5+s19], $0x80, s7, s19, $0xb8;
	[tilespmem:$0x1D000] =	vst v63  }
0x100: {  	_ =	swait.ge [sflag:s22], $0x4000  }
0x101: {  	[sflag:s22] =	ssyncset.done $0x0  }
0x102: {  	s7 =	rddreg [dreg:$0xf];
	[sflag:s22] =	ssyncadd.s32 $0xFFFFC000  }
0x103: {  	[spmem:s3] =	stream.indirect.scatter.add.f32 [tilespmem:s20], [sflag:$0x5], $0x80, s7, s19, $0xb8;
	[tilespmem:$0x1D000] =	vst v63  }
0x104: {  	_ =	swait.ge [sflag:s14], $0x4000  }
0x105: {  	[sflag:s14] =	ssyncset.done $0x0  }
0x106: {  	[sflag:s14] =	ssyncadd.s32 $0xFFFFC000  }
0x107: {  	_ =	swait.ge [sflag:s23], $0x4000  }
0x108: {  	[sflag:s23] =	ssyncset.done $0x0  }
0x109: {  	s7 =	rddreg [dreg:$0x10];
	[sflag:s23] =	ssyncadd.s32 $0xFFFFC000  }
0x10a: {  	[spmem:s3] =	stream.indirect.scatter.add.f32 [tilespmem:s21], [sflag:$0x5], $0x80, s7, s19, $0xb8;
	[tilespmem:$0x1D000] =	vst v63  }
0x10b: {  	_ =	swait.ge [sflag:s14], $0x4000  }
0x10c: {  	[sflag:s14] =	ssyncset.done $0x0  }
0x10d: {  	[sflag:s14] =	ssyncadd.s32 $0xFFFFC000  }
0x10e: {  	_ =	swait.ge [sflag:s24], $0x400  }
0x10f: {  	[sflag:s24] =	ssyncset.done $0x0  }
0x110: {  	[sflag:s24] =	ssyncadd.s32 $0xFFFFFC00  }
0x111: {  	p1 =	seq.s32 s1, $0x400;
	_ =	swait.ge [sflag:s24], $0x400  }
0x112: {  	s2 =	sadd.s32 @!p1 s1, s12;
	s1 =	sadd.s32 @!p1 s1, s11;
	[sflag:s24] =	ssyncset.done $0x0  }
0x113: {  	s2 =	sadd.s32 @!p1 $0x100, s2;
	s7 =	simm.s32 @!p1 $0x0;
	[sflag:s24] =	ssyncadd.s32 $0xFFFFFC00  }
0x114: {  	[tilespmem:s7], [sflag:$0x3] =	stream.linear.gather @!p1 [hbm4b:s2+s7], $0x400, $0x38;
	[tilespmem:$0x1D000] =	vst v63  }
0x115: {  	s1 =	sadd.s32 @!p1 $0x100, s1;
	s2 =	simm.s32 @!p1 $0x400  }
0x116: {  	[tilespmem:s2], [sflag:$0x3] =	stream.linear.gather @!p1 [hbm4b:s1+s7], $0x400, $0x38;
	[tilespmem:$0x1D000] =	vst v63  }
0x117: {  	_ = 	snop  }
0x118: {  	[tilespmem:s20], [sflag:$0x1] =	stream.indirect.gather [hbm4b:s5+s19], $0x80, s17, s19, $0xb8;
	[tilespmem:$0x1D000] =	vst v63  }
0x119: {  	s7 =	rddreg [dreg:$0x11]  }
0x11a: {  	[tilespmem:s21], [sflag:$0x2] =	stream.indirect.gather [hbm4b:s5+s19], $0x80, s7, s19, $0xb8;
	[tilespmem:$0x1D000] =	vst v63  }
0x11b: {  	_ =	swait.ge [sflag:s22], $0x4000  }
0x11c: {  	[sflag:s22] =	ssyncset.done $0x0  }
0x11d: {  	[sflag:s22] =	ssyncadd.s32 $0xFFFFC000  }
0x11e: {  	[spmem:s3] =	stream.indirect.scatter.add.f32 [tilespmem:s20], [sflag:$0x5], $0x80, s18, s19, $0xb8;
	[tilespmem:$0x1D000] =	vst v63  }
0x11f: {  	_ =	swait.ge [sflag:s14], $0x4000  }
0x120: {  	[sflag:s14] =	ssyncset.done $0x0  }
0x121: {  	s2 =	rddreg [dreg:$0x12];
	[sflag:s14] =	ssyncadd.s32 $0xFFFFC000  }
0x122: {  	[tilespmem:s20], [sflag:$0x1] =	stream.indirect.gather [hbm4b:s5+s19], $0x80, s2, s19, $0xb8;
	[tilespmem:$0x1D000] =	vst v63  }
0x123: {  	_ =	swait.ge [sflag:s23], $0x4000  }
0x124: {  	[sflag:s23] =	ssyncset.done $0x0  }
0x125: {  	s7 =	rddreg [dreg:$0x13];
	[sflag:s23] =	ssyncadd.s32 $0xFFFFC000  }
0x126: {  	[spmem:s3] =	stream.indirect.scatter.add.f32 [tilespmem:s21], [sflag:$0x5], $0x80, s7, s19, $0xb8;
	[tilespmem:$0x1D000] =	vst v63  }
0x127: {  	_ =	swait.ge [sflag:s14], $0x4000  }
0x128: {  	[sflag:s14] =	ssyncset.done $0x0  }
0x129: {  	s2 =	rddreg [dreg:$0x14];
	[sflag:s14] =	ssyncadd.s32 $0xFFFFC000  }
0x12a: {  	[tilespmem:s21], [sflag:$0x2] =	stream.indirect.gather [hbm4b:s5+s19], $0x80, s2, s19, $0xb8;
	[tilespmem:$0x1D000] =	vst v63  }
0x12b: {  	_ =	swait.ge [sflag:s22], $0x4000  }
0x12c: {  	[sflag:s22] =	ssyncset.done $0x0  }
0x12d: {  	s7 =	rddreg [dreg:$0x15];
	[sflag:s22] =	ssyncadd.s32 $0xFFFFC000  }
0x12e: {  	[spmem:s3] =	stream.indirect.scatter.add.f32 [tilespmem:s20], [sflag:$0x5], $0x80, s7, s19, $0xb8;
	[tilespmem:$0x1D000] =	vst v63  }
0x12f: {  	_ =	swait.ge [sflag:s14], $0x4000  }
0x130: {  	[sflag:s14] =	ssyncset.done $0x0  }
0x131: {  	s2 =	rddreg [dreg:$0x16];
	[sflag:s14] =	ssyncadd.s32 $0xFFFFC000  }
0x132: {  	[tilespmem:s20], [sflag:$0x1] =	stream.indirect.gather [hbm4b:s5+s19], $0x80, s2, s19, $0xb8;
	[tilespmem:$0x1D000] =	vst v63  }
0x133: {  	_ =	swait.ge [sflag:s23], $0x4000  }
0x134: {  	[sflag:s23] =	ssyncset.done $0x0  }
0x135: {  	s7 =	rddreg [dreg:$0x17];
	[sflag:s23] =	ssyncadd.s32 $0xFFFFC000  }
0x136: {  	[spmem:s3] =	stream.indirect.scatter.add.f32 [tilespmem:s21], [sflag:$0x5], $0x80, s7, s19, $0xb8;
	[tilespmem:$0x1D000] =	vst v63  }
0x137: {  	_ =	swait.ge [sflag:s14], $0x4000  }
0x138: {  	[sflag:s14] =	ssyncset.done $0x0  }
0x139: {  	s2 =	rddreg [dreg:$0x18];
	[sflag:s14] =	ssyncadd.s32 $0xFFFFC000  }
0x13a: {  	[tilespmem:s21], [sflag:$0x2] =	stream.indirect.gather [hbm4b:s5+s19], $0x80, s2, s19, $0xb8;
	[tilespmem:$0x1D000] =	vst v63  }
0x13b: {  	_ =	swait.ge [sflag:s22], $0x4000  }
0x13c: {  	[sflag:s22] =	ssyncset.done $0x0  }
0x13d: {  	s7 =	rddreg [dreg:$0x19];
	[sflag:s22] =	ssyncadd.s32 $0xFFFFC000  }
0x13e: {  	[spmem:s3] =	stream.indirect.scatter.add.f32 [tilespmem:s20], [sflag:$0x5], $0x80, s7, s19, $0xb8;
	[tilespmem:$0x1D000] =	vst v63  }
0x13f: {  	_ =	swait.ge [sflag:s14], $0x4000  }
0x140: {  	[sflag:s14] =	ssyncset.done $0x0  }
0x141: {  	[sflag:s14] =	ssyncadd.s32 $0xFFFFC000  }
0x142: {  	[tilespmem:s20], [sflag:$0x1] =	stream.indirect.gather [hbm4b:s5+s19], $0x80, s25, s19, $0xb8;
	[tilespmem:$0x1D000] =	vst v63  }
0x143: {  	_ =	swait.ge [sflag:s23], $0x4000  }
0x144: {  	[sflag:s23] =	ssyncset.done $0x0  }
0x145: {  	[sflag:s23] =	ssyncadd.s32 $0xFFFFC000  }
0x146: {  	[spmem:s3] =	stream.indirect.scatter.add.f32 [tilespmem:s21], [sflag:$0x5], $0x80, s26, s19, $0xb8;
	[tilespmem:$0x1D000] =	vst v63  }
0x147: {  	_ =	swait.ge [sflag:s14], $0x4000  }
0x148: {  	[sflag:s14] =	ssyncset.done $0x0  }
0x149: {  	[sflag:s14] =	ssyncadd.s32 $0xFFFFC000  }
0x14a: {  	[tilespmem:s21], [sflag:$0x2] =	stream.indirect.gather [hbm4b:s5+s19], $0x80, s28, s19, $0xb8;
	[tilespmem:$0x1D000] =	vst v63  }
0x14b: {  	_ =	swait.ge [sflag:s22], $0x4000  }
0x14c: {  	[sflag:s22] =	ssyncset.done $0x0  }
0x14d: {  	[sflag:s22] =	ssyncadd.s32 $0xFFFFC000  }
0x14e: {  	[spmem:s3] =	stream.indirect.scatter.add.f32 [tilespmem:s20], [sflag:$0x5], $0x80, s29, s19, $0xb8;
	[tilespmem:$0x1D000] =	vst v63  }
0x14f: {  	_ =	swait.ge [sflag:s14], $0x4000  }
0x150: {  	[sflag:s14] =	ssyncset.done $0x0  }
0x151: {  	s0 =	sadd.s32 $0x100, s0;
	[sflag:s14] =	ssyncadd.s32 $0xFFFFC000  }
0x152: {  	p0 =	sne.s32 s0, $0x500;
	_ =	swait.ge [sflag:s23], $0x4000  }
.Ltmp0:
0x153: {  	[sflag:s23] =	ssyncset.done $0x0;
	(pc) =	sbr.rel @p0 .LBB2_2-.Ltmp0, $4  }
0x154: {  	[sflag:s23] =	ssyncadd.s32 $0xFFFFC000  }
0x155: {  	[spmem:s3] =	stream.indirect.scatter.add.f32 [tilespmem:s21], [sflag:$0x5], $0x80, s30, s19, $0xb8;
	[tilespmem:$0x1D000] =	vst v63  }
0x156: {  	_ =	swait.ge [sflag:s14], $0x4000  }
0x157: {  	[sflag:s14] =	ssyncset.done $0x0  }
0x158: {  	s31 =	sadd.s32 $0x1, s31  }
0x159: {  	[sflag:s14] =	ssyncadd.s32 $0xFFFFC000;
	p0 =	sne.s32 s31, s10  }
.Ltmp1:
0x15a: {  	[bflag:$0x0] =	sbarrier.arrive $0xFFFF;
	(pc) =	sbr.rel @p0 .LBB2_1-.Ltmp1, $4  }
0x15b: {  	[hbm:s9], [sflag:s6] =	dma.local [spmem:s13], $0x2800  }
0x15c: {  	_ =	swait.ge [sflag:s14], $0x2800  }
0x15d: {  	[sflag:s14] =	ssyncset.done $0x0  }
0x15e: {  	[sflag:s14] =	ssyncadd.s32 $0xFFFFD800  }
0x15f: {  	_ =	sfence.sel $0x180000  }
0x160: {  	[bflag:$0x0] =	sbarrier.arrive $0xFFFF  }
0x161: {  	_ =	strace $0x9000004D  }
0x162: {  	s0 =	stileid.u32;
	[bflag:$0x2] =	sbarrier.arrive $0xFFFF  }
0x163: {  	p0 =	sne.s32 s0, $0x0;
	s0 =	rddreg [dreg:$0x3]  }
0x164: {  	s0 =	sadd.s32 @!p0 $0x100000, s0  }
0x165: {  	[sflag:s0] =	ssyncadd.tile.s32 @!p0 $0x1;
	_ =	shalt  }
.Lfunc_end2:
_tile_overlayer_lowered:
.L_overlay_start_2:
0x166: {  	(tag) =	ssettag $0x2  }
0x167: {  	s0 =	rddreg [dreg:$0x0];
	s2 =	stileid.u32  }
0x168: {  	s1 =	rddreg [dreg:$0x1];
	p0 =	sne.s32 s2, $0x0  }
0x169: {  	s3 =	rddreg [dreg:$0x2];
	[bflag:$0x3] =	sbarrier.arrive $0xFFFF;
	s2 =	simm.s32 @!p0 $0x1C05  }
0x16a: {  	[timem:s3], [sflag:s2] =	dma.local @!p0 [hbm:s0], s1  }
0x16b: {  	s0 =	simm.s32 @!p0 $0x5  }
0x16c: {  	_ =	swait.ge @!p0 [sflag:s0], s1  }
0x16d: {  	s1 =	ssub.s32 @!p0 $0x0, s1;
	[sflag:s0] =	ssyncset.done @!p0 $0x0  }
0x16e: {  	[sflag:s0] =	ssyncadd.s32 @!p0 s1  }
0x16f: {  	[bflag:$0x3] =	sbarrier.arrive $0xFFFF  }
0x170: {  	_ =	shalt  }

// kernel: kernel.8.cloned.1.call-start
scs
__scs_entry_jumppad:
0x0: {  	(pc) =	sbr.rel $0x88, $3  }
0x1: {  	(tag) =	ssettag $0x0;
	lr =	simm.s32 $0x1  }
0x2: {  	[smem:$0x3F9B] =	sst lr;
	_ =	strace $0xD0000000  }
0x3: {  	_ = 	snop  }
0x4: {  	_ = 	snop  }
0x5: {  	_ = 	snop  }
0x6: {  	_ = 	snop  }
0x7: {  	_ = 	snop  }
__scs_overlays_trampoline_lowered:
0x8: {  	[smem:$0x3FAA] =	sst s0  }
0x9: {  	[smem:$0x3FAB] =	sst s1  }
0xa: {  	[smem:$0x3FAC] =	sst s2  }
0xb: {  	[smem:$0x3FAD] =	sst s3  }
0xc: {  	[smem:$0x3FAE] =	sst s4  }
0xd: {  	[smem:$0x3FAF] =	sst s5  }
0xe: {  	[smem:$0x3FB0] =	sst s6  }
0xf: {  	[smem:$0x3FB1] =	sst s7  }
0x10: {  	[smem:$0x3FB2] =	sst s8  }
0x11: {  	[smem:$0x3FB3] =	sst s9;
	s0 =	simm.s32 @!p0 $0x0  }
0x12: {  	s1 =	sld [smem:$0x3F99];
	s0 =	simm.s32 @p0 $0x1  }
0x13: {  	[smem:$0x3FB4] =	sst s0;
	s0 =	simm.s32 @!p1 $0x0  }
0x14: {  	s2 =	sld [smem:$0x3F98];
	s0 =	simm.s32 @p1 $0x1  }
0x15: {  	[smem:$0x3FB5] =	sst s0;
	s0 =	simm.s32 @!p2 $0x0  }
0x16: {  	s3 =	sld [smem:$0x3FDB];
	s0 =	simm.s32 @p2 $0x1  }
0x17: {  	s4 =	simm.s32 $0x1BF5;
	[smem:$0x3FB7] =	sst s0  }
0x18: {  	s0 =	sld [smem:$0x3F9A];
	_ =	swait.ge [sflag:s4], $0x0  }
0x19: {  	s7 =	sld [smem:$0x3F9B]  }
0x1a: {  	s8 =	sadd.s32 $0xFFFFE003, lr  }
0x1b: {  	s9 =	sadd.s32 $0xFFFFFEF7, lr;
	s5 =	simm.s32 $0xFFFFFFFF;
	p2 =	slt.u32 s8, $0xFFFFF086  }
0x1c: {  	p1 =	slt.u32 s9, $0xF7A;
	s5 =	simm.s32 @!p2 $0x0  }
0x1d: {  	s5 =	simm.s32 @p1 $0x1;
	p0 =	seq.s32 s7, s2  }
0x1e: {  	s7 =	smul.u32 @!p0 $0xF7A, s2;
	p2 =	seq.s32 @!p0 s5, $0x0  }
0x1f: {  	s9 =	smul.u32 $0xF7A, s1;
	s8 =	simm.s32 @!p0 $0x1BF5;
	p2 =	por !p2, p0  }
0x20: {  	[sflag:s8] =	ssyncset.s32 @!p0 $0xFFFFF086;
	s6 =	sadd.s32 @!p0 s3, s7;
	s7 =	simm.s32 @!p0 $0x108  }
0x21: {  	s3 =	sadd.s32 s3, s9;
	s6 =	sadd.s32 @!p0 $0x88, s6;
	s7 =	simm.s32 @p2 $0x1082  }
0x22: {  	[simem:s7], [sflag:s8] =	dma.local @!p0 [hbm:s6], $0xF7A  }
0x23: {  	s9 =	sor.u32 $0xD0000000, s2;
	s6 =	simm.s32 $0x108;
	_ =	swait.ge @!p0 [sflag:s8], $0x0  }
0x24: {  	s3 =	sadd.s32 $0x88, s3;
	s6 =	simm.s32 @!p1 $0x1082;
	[sflag:s4] =	ssyncset.s32 $0xFFFFF086  }
0x25: {  	[simem:s6], [sflag:s4] =	dma.local [hbm:s3], $0xF7A  }
0x26: {  	[smem:$0x3F9B] =	sst s1;
	(tag) =	ssettag s2;
	_ =	strace s9  }
0x27: {  	s1 =	sld [smem:$0x3FAB]  }
0x28: {  	s2 =	sld [smem:$0x3FAC]  }
0x29: {  	s4 =	sld [smem:$0x3FAE]  }
0x2a: {  	p0 =	seq.s32 s5, $0x0;
	s5 =	sld [smem:$0x3FAF]  }
0x2b: {  	s6 =	sld [smem:$0x3FB0]  }
0x2c: {  	s7 =	sld [smem:$0x3FB1]  }
0x2d: {  	s3 =	simm.s32 $0x108;
	s8 =	sld [smem:$0x3FB2]  }
0x2e: {  	s3 =	simm.s32 @!p0 $0x1082;
	s9 =	sld [smem:$0x3FB3]  }
0x2f: {  	lr =	sadd.s32 s0, s3;
	s0 =	sld [smem:$0x3FAA]  }
0x30: {  	s3 =	sld [smem:$0x3FAD]  }
0x31: {  	[smem:$0x3FB6] =	sst s10  }
0x32: {  	s10 =	sld [smem:$0x3FB4];
	_ =	sdelay $0x3  }
0x33: {  	p0 =	seq.s32 s10, $0x1;
	s10 =	sld [smem:$0x3FB6];
	_ =	sdelay $0x3  }
0x34: {  	[smem:$0x3FB6] =	sst s10  }
0x35: {  	s10 =	sld [smem:$0x3FB5];
	_ =	sdelay $0x3  }
0x36: {  	p1 =	seq.s32 s10, $0x1;
	s10 =	sld [smem:$0x3FB6];
	_ =	sdelay $0x3  }
0x37: {  	[smem:$0x3FB6] =	sst s10  }
0x38: {  	s10 =	sld [smem:$0x3FB7]  }
0x39: {  	_ = 	snop;
	(pc) =	sbr.ind lr, $3  }
0x3a: {  	_ = 	snop  }
0x3b: {  	_ = 	snop  }
0x3c: {  	p2 =	seq.s32 s10, $0x1;
	s10 =	sld [smem:$0x3FB6]  }
0x3d: {  	_ =	shalt  }
0x3e: {  	_ =	shalt  }
0x3f: {  	_ =	shalt  }
0x40: {  	_ =	shalt  }
0x41: {  	_ =	shalt  }
0x42: {  	_ =	shalt  }
0x43: {  	_ =	shalt  }
0x44: {  	_ =	shalt  }
0x45: {  	_ =	shalt  }
0x46: {  	_ =	shalt  }
0x47: {  	_ =	shalt  }
0x48: {  	_ =	shalt  }
0x49: {  	_ =	shalt  }
0x4a: {  	_ =	shalt  }
0x4b: {  	_ =	shalt  }
0x4c: {  	_ =	shalt  }
0x4d: {  	_ =	shalt  }
0x4e: {  	_ =	shalt  }
0x4f: {  	_ =	shalt  }
0x50: {  	_ =	shalt  }
0x51: {  	_ =	shalt  }
0x52: {  	_ =	shalt  }
0x53: {  	_ =	shalt  }
0x54: {  	_ =	shalt  }
0x55: {  	_ =	shalt  }
0x56: {  	_ =	shalt  }
0x57: {  	_ =	shalt  }
0x58: {  	_ =	shalt  }
0x59: {  	_ =	shalt  }
0x5a: {  	_ =	shalt  }
0x5b: {  	_ =	shalt  }
0x5c: {  	_ =	shalt  }
0x5d: {  	_ =	shalt  }
0x5e: {  	_ =	shalt  }
0x5f: {  	_ =	shalt  }
0x60: {  	_ =	shalt  }
0x61: {  	_ =	shalt  }
0x62: {  	_ =	shalt  }
0x63: {  	_ =	shalt  }
0x64: {  	_ =	shalt  }
0x65: {  	_ =	shalt  }
0x66: {  	_ =	shalt  }
0x67: {  	_ =	shalt  }
0x68: {  	_ =	shalt  }
0x69: {  	_ =	shalt  }
0x6a: {  	_ =	shalt  }
0x6b: {  	_ =	shalt  }
0x6c: {  	_ =	shalt  }
0x6d: {  	_ =	shalt  }
0x6e: {  	_ =	shalt  }
0x6f: {  	_ =	shalt  }
0x70: {  	_ =	shalt  }
0x71: {  	_ =	shalt  }
0x72: {  	_ =	shalt  }
0x73: {  	_ =	shalt  }
0x74: {  	_ =	shalt  }
0x75: {  	_ =	shalt  }
0x76: {  	_ =	shalt  }
0x77: {  	_ =	shalt  }
0x78: {  	_ =	shalt  }
0x79: {  	_ =	shalt  }
0x7a: {  	_ =	shalt  }
0x7b: {  	_ =	shalt  }
0x7c: {  	_ =	shalt  }
0x7d: {  	_ =	shalt  }
0x7e: {  	_ =	shalt  }
0x7f: {  	_ =	shalt  }
0x80: {  	_ =	shalt  }
0x81: {  	_ =	shalt  }
0x82: {  	_ =	shalt  }
0x83: {  	_ =	shalt  }
0x84: {  	_ =	shalt  }
0x85: {  	_ =	shalt  }
0x86: {  	_ =	shalt  }
0x87: {  	_ =	shalt  }
.Lfunc_end0:
.L_simem_size_0:
called_computation_lowered:
.L_overlay_start_0:
0x88: {  	s2 =	sld [smem:$0x3FD9]  }
0x89: {  	s3 =	sld [smem:$0x3FFE];
	_ =	sdelay $0x1  }
0x8a: {  	s1 =	srdreg.scid  }
0x8b: {  	s0 =	sand.u32 $0x1, s1  }
0x8c: {  	s17 =	sshll.u32 s0, $0xA;
	s2 =	sadd.s32 s3, s2  }
0x8d: {  	s2 =	sadd.s32 s2, s17  }
0x8e: {  	[smem:$0x3FC2] =	sst s2  }
0x8f: {  	_ = 	snop  }
0x90: {  	s2 =	sld [smem:$0x3FD0];
	(tm) =	ssettm $0x1  }
0x91: {  	s18 =	sld [smem:$0x3FFB];
	_ =	sdelay $0x3  }
0x92: {  	_ =	strace s18  }
0x93: {  	s3 =	sld [smem:$0x3FFC];
	_ =	sdelay $0x3  }
0x94: {  	_ =	strace s3  }
0x95: {  	s3 =	sld [smem:$0x3FFD];
	_ =	sdelay $0x3  }
0x96: {  	_ =	strace s3  }
0x97: {  	_ =	strace $0x8FFFFFFF  }
0x98: {  	s19 =	sld [smem:$0x3FDB];
	_ =	sdelay $0x1  }
0x99: {  	s4 =	simm.s32 $_scs_section_size  }
0x9a: {  	s5 =	simm.s32 $_size__tile_overlayer_lowered;
	s6 =	simm.s32 $_tile_overlayer_lowered  }
0x9b: {  	s22 =	simm.s32 $0x1BFF;
	s21 =	sshll.u32 s6, $0x1;
	s3 =	sadd.s32 s4, s19  }
0x9c: {  	s7 =	simm.s32 $0x0;
	s20 =	sshll.u32 s5, $0x1;
	s5 =	sadd.s32 s21, s3  }
0x9d: {  	[timem:s7], [sflag:s22] =	dma.local [hbm:s5], s20  }
0x9e: {  	_ =	swait.ge [sflag:s22], s20  }
0x9f: {  	s4 =	ssub.s32 $0x0, s20;
	[sflag:s22] =	ssyncset.done $0x0  }
0xa0: {  	[sflag:s22] =	ssyncadd.s32 s4;
	_ =	sdelay $0x1  }
0xa1: {  	s23 =	simm.s32 $0x1B8B  }
0xa2: {  	_ =	swait.ge [sflag:s23], $0x1  }
0xa3: {  	[sflag:s23] =	ssyncset.done $0x0  }
0xa4: {  	s25 =	simm.s32 $0x1B8E;
	s24 =	sld [smem:$0x3FFE];
	[sflag:s23] =	ssyncadd.s32 $0xFFFFFFFF  }
0xa5: {  	s26 =	simm.s32 $execute0_lowered;
	[smem:$0x3FD2] =	sst s25  }
0xa6: {  	s5 =	sshll.u32 s26, $0x1;
	_ =	strace $0x80000046;
	[dreg:$0x1] =	wrdreg $0xFFFFFFFF  }
0xa7: {  	s28 =	simm.s32 $_size_execute0_lowered;
	s3 =	sadd.s32 s3, s5;
	[dreg:$0x0] =	wrdreg $0x0  }
0xa8: {  	s5 =	sshll.u32 s28, $0x1;
	[dreg:$0x2] =	wrdreg s3  }
0xa9: {  	[dreg:$0x3] =	wrdreg s5  }
0xaa: {  	[dreg:$0x4] =	wrdreg $0xC0  }
0xab: {  	_ =	task [dreg:s7], $0x5FFFF  }
0xac: {  	[dreg:$0x1] =	wrdreg $0xFFFFFFFF  }
0xad: {  	[dreg:$0x0] =	wrdreg $0x60  }
0xae: {  	[dreg:$0x2] =	wrdreg s24  }
0xaf: {  	[dreg:$0x3] =	wrdreg s2  }
0xb0: {  	[dreg:$0x4] =	wrdreg $0x9  }
0xb1: {  	_ =	task.clear_ibuf [dreg:s7], $0x5FFFF;
	_ =	strace $0x90000046  }
0xb2: {  	s29 =	simm.s32 $0x9;
	_ =	strace $0x80000048  }
0xb3: {  	_ =	swait.ge [sflag:s29], $0x1  }
0xb4: {  	[sflag:s29] =	ssyncadd.s32 $0xFFFFFFFF  }
0xb5: {  	_ =	strace $0x90000048  }
0xb6: {  	_ =	sfence  }
0xb7: {  	s30 =	sld [smem:$0x0];
	_ =	sdelay $0x2  }
0xb8: {  	s31 =	sshll.u32 s1, $0xD;
	s1 =	sshrl.u32 s1, $0x2  }
0xb9: {  	s3 =	sand.u32 $0x4000, s31;
	s1 =	sadd.s32 s1, s30  }
0xba: {  	s0 =	sor.u32 s3, s0;
	s1 =	sshll.u32 s1, $0x11  }
0xbb: {  	s0 =	sor.u32 s1, s0  }
0xbc: {  	s0 =	sadd.s32 $0x8F2B, s0  }
0xbd: {  	[sflag:s0] =	ssyncadd.remote.s32 $0x1  }
0xbe: {  	_ =	sfence.sel $0xFFFF  }
0xbf: {  	[dreg:$0x0] =	wrdreg $0xFFFFFFFF;
	(pc) =	sbr.abs _section_cstart, $3  }
0xc0: {  	[dreg:$0x1] =	wrdreg $0xFFFFFFFF  }
0xc1: {  	_ =	task.clear_ibuf [dreg:s7], $0x2FFFF;
	_ =	strace $0x9FFFFFFF  }
0xc2: {  	(tm) =	ssettm $0x7FFFFFFF  }
0xc3: {  	_ =	shalt  }
tec
execute0_lowered:
.L_overlay_start_1:
0x0: {  	(tag) =	ssettag $0x1  }
0x1: {  	s4 =	rddreg [dreg:$0x0]  }
0x2: {  	s0 =	srdreg.scid;
	s6 =	rddreg [dreg:$0x1]  }
0x3: {  	s2 =	simm.s32 $0x0;
	s11 =	simm.s32 $0x7800;
	s12 =	simm.s32 $0x2800  }
0x4: {  	s13 =	simm.s32 $0x80;
	s14 =	simm.s32 $0x100;
	s3 =	sand.u32 $0x1, s0  }
0x5: {  	s15 =	simm.s32 $0x0;
	s0 =	stileid.u32;
	s7 =	smul.u32 $0x50000, s3  }
0x6: {  	[smem:$0x7FF] =	sst s2;
	s1 =	sshll.u32 s3, $0x4;
	s8 =	smul.u32 $0x5000, s0  }
0x7: {  	s9 =	ssub.s32 $0x2, s3;
	s3 =	sadd.s32 $0x15800, s4;
	s1 =	sor.u32 s0, s1  }
0x8: {  	s10 =	sshrl.u32 s9, $0x1;
	s5 =	smul.u32 $0x500, s1;
	s1 =	rddreg [dreg:$0x2]  }
0x9: {  	_ =	strace $0x80000047;
	s7 =	sadd.s32 s8, s7;
	s31 =	ssub.s32 s9, s10  }
0xa: {  	s9 =	simm.s32 $0x5000;
	s10 =	simm.s32 $0x1;
	s7 =	sshrl.u32 s7, $0x3  }
0xb: {  	s8 =	smax.u32 s31, $0x1;
	s5 =	sadd.s32 s5, s4;
	s6 =	sadd.s32 s6, s7  }
0xc: {  	v0 =	vimm.f32 $1.000000000e+00;
	s4 =	sadd.s32 $0xB800, s5;
	s5 =	sadd.s32 $0x1800, s5;
	s7 =	sadd.s32 $0x10, s6  }
.LBB2_1:
0xd: {  	[tilespmem:s9], [sflag:$0x1] =	stream.linear.gather [hbm4b:s3+s2], $0x2800, $0x38;
	[tilespmem:$0xA000] =	vst v63  }
0xe: {  	_ =	swait.ge [sflag:s10], $0x2800  }
0xf: {  	[sflag:s10] =	ssyncset.done $0x0  }
0x10: {  	[sflag:s10] =	ssyncadd.s32 $0xFFFFD800  }
0x11: {  	[tilespmem:s11], [sflag:$0x1] =	stream.linear.gather [hbm4b:s3+s2], $0x2800, $0x38;
	[tilespmem:$0xA000] =	vst v63  }
0x12: {  	_ =	swait.ge [sflag:s10], $0x2800  }
0x13: {  	[sflag:s10] =	ssyncset.done $0x0  }
0x14: {  	[sflag:s10] =	ssyncadd.s32 $0xFFFFD800  }
0x15: {  	[tilespmem:s2], [sflag:$0x1] =	stream.linear.gather [hbm4b:s4+s2], $0x2800, $0x38;
	[tilespmem:$0xA000] =	vst v63  }
0x16: {  	_ =	swait.ge [sflag:s10], $0x2800  }
0x17: {  	[sflag:s10] =	ssyncset.done $0x0  }
0x18: {  	[sflag:s10] =	ssyncadd.s32 $0xFFFFD800  }
0x19: {  	[tilespmem:s12], [sflag:$0x1] =	stream.linear.gather [hbm4b:s5+s2], $0x2800, $0x38;
	[tilespmem:$0xA000] =	vst v63  }
0x1a: {  	_ =	swait.ge [sflag:s10], $0x2800  }
0x1b: {  	[sflag:s10] =	ssyncset.done $0x0  }
0x1c: {  	s16 =	simm.s32 $0x0;
	[sflag:s10] =	ssyncadd.s32 $0xFFFFD800  }
.LBB2_2:
0x1d: {  	s17 =	sshra.s32 s16, $0x2  }
0x1e: {  	v1 =	vld [tilespmem:s17+$0x0];
	_ =	sdelay $0x7  }
0x1f: {  	[tilespmem:v1+s9+$0x0] =	vst.idx.add.f32.msk $0xffff, v0  }
0x20: {  	v1 =	vld [tilespmem:s17+$0x2800];
	_ =	sdelay $0x7  }
0x21: {  	[tilespmem:v1+s11+$0x0] =	vst.idx.add.f32.msk $0xffff, v0  }
0x22: {  	v1 =	vld [tilespmem:s17+$0x10];
	_ =	sdelay $0x7  }
0x23: {  	[tilespmem:v1+s9+$0x0] =	vst.idx.add.f32.msk $0xffff, v0  }
0x24: {  	v1 =	vld [tilespmem:s17+$0x2810];
	_ =	sdelay $0x7  }
0x25: {  	[tilespmem:v1+s11+$0x0] =	vst.idx.add.f32.msk $0xffff, v0  }
0x26: {  	v1 =	vld [tilespmem:s17+$0x20];
	_ =	sdelay $0x7  }
0x27: {  	[tilespmem:v1+s9+$0x0] =	vst.idx.add.f32.msk $0xffff, v0  }
0x28: {  	v1 =	vld [tilespmem:s17+$0x2820];
	_ =	sdelay $0x7  }
0x29: {  	[tilespmem:v1+s11+$0x0] =	vst.idx.add.f32.msk $0xffff, v0  }
0x2a: {  	v1 =	vld [tilespmem:s17+$0x30];
	_ =	sdelay $0x7  }
0x2b: {  	[tilespmem:v1+s9+$0x0] =	vst.idx.add.f32.msk $0xffff, v0  }
0x2c: {  	v1 =	vld [tilespmem:s17+$0x2830];
	_ =	sdelay $0x7  }
0x2d: {  	[tilespmem:v1+s11+$0x0] =	vst.idx.add.f32.msk $0xffff, v0  }
0x2e: {  	v1 =	vld [tilespmem:s17+$0x40];
	_ =	sdelay $0x7  }
0x2f: {  	[tilespmem:v1+s9+$0x0] =	vst.idx.add.f32.msk $0xffff, v0  }
0x30: {  	v1 =	vld [tilespmem:s17+$0x2840];
	_ =	sdelay $0x7  }
0x31: {  	[tilespmem:v1+s11+$0x0] =	vst.idx.add.f32.msk $0xffff, v0  }
0x32: {  	v1 =	vld [tilespmem:s17+$0x50];
	_ =	sdelay $0x7  }
0x33: {  	[tilespmem:v1+s9+$0x0] =	vst.idx.add.f32.msk $0xffff, v0  }
0x34: {  	v1 =	vld [tilespmem:s17+$0x2850];
	_ =	sdelay $0x7  }
0x35: {  	[tilespmem:v1+s11+$0x0] =	vst.idx.add.f32.msk $0xffff, v0  }
0x36: {  	v1 =	vld [tilespmem:s17+$0x60];
	_ =	sdelay $0x7  }
0x37: {  	[tilespmem:v1+s9+$0x0] =	vst.idx.add.f32.msk $0xffff, v0  }
0x38: {  	v1 =	vld [tilespmem:s17+$0x2860];
	_ =	sdelay $0x7  }
0x39: {  	[tilespmem:v1+s11+$0x0] =	vst.idx.add.f32.msk $0xffff, v0  }
0x3a: {  	v1 =	vld [tilespmem:s17+$0x70];
	_ =	sdelay $0x7  }
0x3b: {  	[tilespmem:v1+s9+$0x0] =	vst.idx.add.f32.msk $0xffff, v0  }
0x3c: {  	v1 =	vld [tilespmem:s17+$0x2870];
	_ =	sdelay $0x2  }
0x3d: {  	p0 =	sne.s32 s16, $0x9E00  }
.Ltmp0:
0x3e: {  	_ = 	snop;
	(pc) =	sbr.rel @p0 .LBB2_2-.Ltmp0, $2  }
0x3f: {  	_ =	sdelay $0x2  }
0x40: {  	s16 =	sadd.s32 $0x200, s16;
	[tilespmem:v1+s11+$0x0] =	vst.idx.add.f32.msk $0xffff, v0  }
0x41: {  	[hbm4b:s6+s13] =	stream.strided.scatter [tilespmem:s9], [sflag:$0x1], $0x2800, s14, s13, $0x38;
	[tilespmem:$0xA000] =	vst v63  }
0x42: {  	s15 =	sadd.s32 $0x1, s15;
	_ =	swait.ge [sflag:s10], $0x2800  }
0x43: {  	p0 =	sne.s32 s15, s8;
	[sflag:s10] =	ssyncset.done $0x0  }
.Ltmp1:
0x44: {  	[sflag:s10] =	ssyncadd.s32 $0xFFFFD800;
	(pc) =	sbr.rel @p0 .LBB2_1-.Ltmp1, $4  }
0x45: {  	[hbm4b:s7+s13] =	stream.strided.scatter [tilespmem:s11], [sflag:$0x1], $0x2800, s14, s13, $0x38;
	[tilespmem:$0xA000] =	vst v63  }
0x46: {  	_ =	swait.ge [sflag:s10], $0x2800  }
0x47: {  	[sflag:s10] =	ssyncset.done $0x0  }
0x48: {  	[sflag:s10] =	ssyncadd.s32 $0xFFFFD800  }
0x49: {  	_ =	sfence.sel $0x180000  }
0x4a: {  	[bflag:$0x0] =	sbarrier.arrive $0xFFFF  }
0x4b: {  	p0 =	sne.s32 s0, $0x0;
	_ =	strace $0x90000047  }
0x4c: {  	s0 =	sadd.s32 @!p0 $0x100000, s1;
	[bflag:$0x2] =	sbarrier.arrive $0xFFFF  }
0x4d: {  	[sflag:s0] =	ssyncadd.tile.s32 @!p0 $0x1;
	_ =	shalt  }
.Lfunc_end2:
_tile_overlayer_lowered:
.L_overlay_start_2:
0x4e: {  	(tag) =	ssettag $0x2  }
0x4f: {  	s0 =	rddreg [dreg:$0x0];
	s2 =	stileid.u32  }
0x50: {  	s1 =	rddreg [dreg:$0x1];
	p0 =	sne.s32 s2, $0x0  }
0x51: {  	s3 =	rddreg [dreg:$0x2];
	[bflag:$0x3] =	sbarrier.arrive $0xFFFF;
	s2 =	simm.s32 @!p0 $0x1C01  }
0x52: {  	[timem:s3], [sflag:s2] =	dma.local @!p0 [hbm:s0], s1  }
0x53: {  	s0 =	simm.s32 @!p0 $0x1  }
0x54: {  	_ =	swait.ge @!p0 [sflag:s0], s1  }
0x55: {  	s1 =	ssub.s32 @!p0 $0x0, s1;
	[sflag:s0] =	ssyncset.done @!p0 $0x0  }
0x56: {  	[sflag:s0] =	ssyncadd.s32 @!p0 s1  }
0x57: {  	[bflag:$0x3] =	sbarrier.arrive $0xFFFF  }
0x58: {  	_ =	shalt  }

</sc_bundles>
